<compile_context>
chip_gen: v7x
topology: tpu7x:2x2x1
jax: 0.10.2.dev20260603
libtpu: 0.0.44.dev20260713+nightly
codegen_flags: <defaults>
</compile_context>

<pallas_src>
import functools

import jax
import jax.numpy as jnp
from jax import lax
from jax.experimental import pallas as pl
from jax.experimental.pallas import tpu as pltpu
from jax.experimental.pallas import tpu_sc as plsc

_B, _N, _CIN, _COUT, _MID, _K = 8, 2048, 64, 64, 64, 16
_QT = 512
_QA = 256
_NW = 32
_CH = 128
_NCHUNK = (_B * _N * _K) // (_NW * _CH)
_RING = 2


def _proj_knn_body(x_ref, p1_ref, p1t_ref, wpwc_ref, wl1_ref, b1_ref,
                   wq_ref, bq_ref, wk_ref, bk_ref, wv_ref, bv_ref, wd1_ref,
                   ft_ref, q_ref, kv_ref, bt_ref, idx_ref):
    b = pl.program_id(0)
    xb = x_ref[0]
    f = jnp.dot(wpwc_ref[...], xb, preferred_element_type=jnp.float32)
    ft_ref[0] = f
    h = jnp.dot(wl1_ref[...], f, preferred_element_type=jnp.float32) + b1_ref[...]
    qrows = lax.dot_general(h, wq_ref[...], (((0,), (1,)), ((), ())),
                            preferred_element_type=jnp.float32) + bq_ref[...]
    krows = lax.dot_general(h, wk_ref[...], (((0,), (1,)), ((), ())),
                            preferred_element_type=jnp.float32) + bk_ref[...]
    vrows = lax.dot_general(h, wv_ref[...], (((0,), (1,)), ((), ())),
                            preferred_element_type=jnp.float32) + bv_ref[...]
    q_ref[0] = qrows
    kv_ref[0] = jnp.concatenate([krows, vrows], axis=1)
    bt = lax.dot_general(p1_ref[0], wd1_ref[...], (((1,), (1,)), ((), ())),
                         preferred_element_type=jnp.float32)
    bt_ref[0] = jnp.concatenate([bt, jnp.zeros_like(bt)], axis=1)

    qx = p1_ref[0, :, 0:1]
    qy = p1_ref[0, :, 1:2]
    qz = p1_ref[0, :, 2:3]
    px = p1t_ref[0, 0:1, :]
    py = p1t_ref[0, 1:2, :]
    pz = p1t_ref[0, 2:3, :]
    d2 = (qx - px) ** 2 + (qy - py) ** 2 + (qz - pz) ** 2
    col = lax.broadcasted_iota(jnp.int32, (_QT, _N), 1)
    base = b * _N
    cols = []
    for _ in range(_K):
        am = jnp.argmin(d2, axis=1).astype(jnp.int32)[:, None]
        cols.append(am)
        d2 = jnp.where(col == am, jnp.float32(1e30), d2)
    idx_ref[0] = jnp.concatenate(cols, axis=1) + base


def _proj_knn(x, p1, p1t, wpwc, wl1, b1c, wq, bqr, wk, bkr, wv, bvr, wd1):
    nb = x.shape[0]
    nt = _N // _QT
    full = lambda s: pl.BlockSpec(s, lambda b, t: tuple(0 for _ in s))
    return pl.pallas_call(
        _proj_knn_body,
        grid=(nb, nt),
        in_specs=[
            pl.BlockSpec((1, _CIN, _QT), lambda b, t: (b, 0, t)),
            pl.BlockSpec((1, _QT, 3), lambda b, t: (b, t, 0)),
            pl.BlockSpec((1, 3, _N), lambda b, t: (b, 0, 0)),
            full((_COUT, _CIN)),
            full((_MID, _COUT)),
            full((_MID, 1)),
            full((_MID, _MID)), full((1, _MID)),
            full((_MID, _MID)), full((1, _MID)),
            full((_MID, _MID)), full((1, _MID)),
            full((_MID, 3)),
        ],
        out_specs=[
            pl.BlockSpec((1, _COUT, _QT), lambda b, t: (b, 0, t)),
            pl.BlockSpec((1, _QT, _MID), lambda b, t: (b, t, 0)),
            pl.BlockSpec((1, _QT, 2 * _MID), lambda b, t: (b, t, 0)),
            pl.BlockSpec((1, _QT, 2 * _MID), lambda b, t: (b, t, 0)),
            pl.BlockSpec((1, _QT, _K), lambda b, t: (b, t, 0)),
        ],
        out_shape=[
            jax.ShapeDtypeStruct((nb, _COUT, _N), jnp.float32),
            jax.ShapeDtypeStruct((nb, _N, _MID), jnp.float32),
            jax.ShapeDtypeStruct((nb, _N, 2 * _MID), jnp.float32),
            jax.ShapeDtypeStruct((nb, _N, 2 * _MID), jnp.float32),
            jax.ShapeDtypeStruct((nb, _N, _K), jnp.int32),
        ],
    )(x, p1, p1t, wpwc, wl1, b1c, wq, bqr, wk, bkr, wv, bvr, wd1)


def _sc_gather_body(nchunk, idx_hbm, kv_hbm, bt_hbm, kvj_hbm, btj_hbm,
                    idx_v, bk0, bk1, bb0, bb1, sg0, sg1, sw0, sw1):
    wid = lax.axis_index("s") * 2 + lax.axis_index("c")
    bks = [bk0, bk1]
    bbs = [bb0, bb1]
    sgs = [sg0, sg1]
    sws = [sw0, sw1]
    rows_per_w = nchunk * _CH

    pltpu.sync_copy(idx_hbm.at[wid], idx_v)

    def fire_gather(c, r):
        pltpu.async_copy(kv_hbm.at[idx_v.at[c]], bks[r], sgs[r])
        pltpu.async_copy(bt_hbm.at[idx_v.at[c]], bbs[r], sgs[r])

    def wait_gather(r):
        pltpu.make_async_copy(kv_hbm.at[pl.ds(0, _CH)], bks[r], sgs[r]).wait()
        pltpu.make_async_copy(bt_hbm.at[pl.ds(0, _CH)], bbs[r], sgs[r]).wait()

    def fire_write(c, r):
        row0 = wid * rows_per_w + c * _CH
        pltpu.async_copy(bks[r], kvj_hbm.at[pl.ds(row0, _CH)], sws[r])
        pltpu.async_copy(bbs[r], btj_hbm.at[pl.ds(row0, _CH)], sws[r])

    def wait_write(r):
        pltpu.make_async_copy(kvj_hbm.at[pl.ds(0, _CH)], bks[r], sws[r]).wait()
        pltpu.make_async_copy(btj_hbm.at[pl.ds(0, _CH)], bbs[r], sws[r]).wait()

    for r in range(_RING):
        fire_gather(r, r)

    def group(g, carry):
        for r in range(_RING):
            c = g * _RING + r
            wait_gather(r)
            fire_write(c, r)
        for r in range(_RING):
            c2 = g * _RING + r + _RING

            @pl.when(c2 < nchunk)
            def _():
                wait_write(r)
                fire_gather(c2, r)
        return carry

    lax.fori_loop(0, nchunk // _RING, group, 0)
    for r in range(_RING):
        wait_write(r)


def _sc_gather(idx_r, kvf, btf):
    g = kvf.shape[0] * _K
    nchunk = g // (_NW * _CH)
    mesh = plsc.VectorSubcoreMesh(core_axis_name="c", subcore_axis_name="s")
    kfn = functools.partial(
        pl.kernel,
        mesh=mesh,
        compiler_params=pltpu.CompilerParams(use_tc_tiling_on_sc=True),
        out_type=[
            jax.ShapeDtypeStruct((g, 2 * _MID), jnp.float32),
            jax.ShapeDtypeStruct((g, 2 * _MID), jnp.float32),
        ],
        scratch_types=(
            [pltpu.VMEM((nchunk, _CH), jnp.int32)]
            + [pltpu.VMEM((_CH, 2 * _MID), jnp.float32) for _ in range(2 * _RING)]
            + [pltpu.SemaphoreType.DMA for _ in range(2 * _RING)]
        ),
    )(functools.partial(_sc_gather_body, nchunk))
    return kfn(idx_r, kvf, btf)


def _attn_body(q_ref, p1_ref, ft_ref, kvj_ref, btj_ref,
               wd1_ref, bd1_ref, wd2_ref, bd2_ref,
               wg1_ref, bg1_ref, wg2_ref, bg2_ref,
               wl2_ref, bl2_ref, y_ref):
    qk = _QA * _K
    p1b = p1_ref[0]
    a_q = lax.dot_general(p1b, wd1_ref[...], (((1,), (1,)), ((), ())),
                          preferred_element_type=jnp.float32) + bd1_ref[...]
    rel1 = (jnp.reshape(a_q, (1, _QA, _MID))
            - btj_ref[:, :, 0:_MID])
    relu1 = jnp.maximum(rel1, 0.0)
    pos = lax.dot_general(jnp.reshape(relu1, (qk, _MID)), wd2_ref[...],
                          (((1,), (1,)), ((), ())),
                          preferred_element_type=jnp.float32) + bd2_ref[...]
    pos3 = jnp.reshape(pos, (_K, _QA, _MID))

    e3 = (jnp.reshape(q_ref[0], (1, _QA, _MID))
          - kvj_ref[:, :, 0:_MID]
          + pos3)
    t1 = jnp.maximum(
        lax.dot_general(jnp.reshape(e3, (qk, _MID)), wg1_ref[...],
                        (((1,), (1,)), ((), ())),
                        preferred_element_type=jnp.float32) + bg1_ref[...], 0.0)
    logits = lax.dot_general(t1, wg2_ref[...], (((1,), (1,)), ((), ())),
                             preferred_element_type=jnp.float32) + bg2_ref[...]
    l3 = jnp.reshape(logits, (_K, _QA, _MID))
    mx = jnp.max(l3, axis=0, keepdims=True)
    ex = jnp.exp(l3 - mx)
    attn = ex * (1.0 / jnp.sum(ex, axis=0, keepdims=True))

    vp = kvj_ref[:, :, _MID:2 * _MID] + pos3
    agg = jnp.sum(attn * vp, axis=0)
    yt = lax.dot_general(wl2_ref[...], agg, (((1,), (1,)), ((), ())),
                         preferred_element_type=jnp.float32)
    y_ref[0] = yt + bl2_ref[...] + ft_ref[0]


def _attn(q, p1, ft, kvj, btj, wd1, bd1r, wd2, bd2r, wg1, bg1r, wg2, bg2r,
          wl2, bl2c):
    nb = q.shape[0]
    nt = _N // _QA
    full = lambda s: pl.BlockSpec(s, lambda b, t: tuple(0 for _ in s))
    return pl.pallas_call(
        _attn_body,
        grid=(nb, nt),
        in_specs=[
            pl.BlockSpec((1, _QA, _MID), lambda b, t: (b, t, 0)),
            pl.BlockSpec((1, _QA, 3), lambda b, t: (b, t, 0)),
            pl.BlockSpec((1, _COUT, _QA), lambda b, t: (b, 0, t)),
            pl.BlockSpec((_K, _QA, 2 * _MID), lambda b, t: (b, t, 0)),
            pl.BlockSpec((_K, _QA, 2 * _MID), lambda b, t: (b, t, 0)),
            full((_MID, 3)), full((1, _MID)),
            full((_MID, _MID)), full((1, _MID)),
            full((_MID, _MID)), full((1, _MID)),
            full((_MID, _MID)), full((1, _MID)),
            full((_COUT, _MID)), full((_COUT, 1)),
        ],
        out_specs=pl.BlockSpec((1, _COUT, _QA), lambda b, t: (b, 0, t)),
        out_shape=jax.ShapeDtypeStruct((nb, _COUT, _N), jnp.float32),
    )(q, p1, ft, kvj, btj, wd1, bd1r, wd2, bd2r, wg1, bg1r, wg2, bg2r,
      wl2, bl2c)


def kernel(x, p1, W_pwc, W_lin1, b_lin1, Wq, bq, Wk, bk, Wv, bv,
           Wd1, bd1, Wd2, bd2, Wg1, bg1, Wg2, bg2, W_lin2, b_lin2):
    p1t = jnp.transpose(p1, (0, 2, 1))
    hb = _B // 4
    starts = tuple(range(0, _B, hb))

    proj = [
        _proj_knn(
            x[s:s + hb], p1[s:s + hb], p1t[s:s + hb],
            W_pwc, W_lin1, b_lin1.reshape(_MID, 1),
            Wq, bq.reshape(1, _MID), Wk, bk.reshape(1, _MID),
            Wv, bv.reshape(1, _MID), Wd1)
        for s in starts
    ]
    gath = [
        _sc_gather(jnp.transpose(idxg, (0, 2, 1)).reshape(_NW, -1, _CH),
                   kv.reshape(hb * _N, 2 * _MID),
                   bt.reshape(hb * _N, 2 * _MID))
        for (ft, q, kv, bt, idxg) in proj
    ]
    ys = [
        _attn(q, p1[s:s + hb], ft,
              kvj.reshape(hb * _K, _N, 2 * _MID),
              btj.reshape(hb * _K, _N, 2 * _MID),
              Wd1, bd1.reshape(1, _MID), Wd2, bd2.reshape(1, _MID),
              Wg1, bg1.reshape(1, _MID), Wg2, bg2.reshape(1, _MID),
              W_lin2, b_lin2.reshape(_COUT, 1))
        for s, (ft, q, kv, bt, idxg), (kvj, btj) in zip(starts, proj, gath)
    ]
    return (jnp.concatenate(ys, axis=0), p1)

# --- scband reference (transcript-rebuilt; emitter-appended) ---
"""Pipeline reference for scband-mlppt-60825326846165 (READ-ONLY COPY).

The authoritative reference and input builder live on the scoring server;
editing this copy changes nothing except your own understanding.
"""

import jax, jax.numpy as jnp
import numpy as np

B, N, CIN, COUT, MID, K = 8, 2048, 64, 64, 64, 16


def setup_inputs(seed: int = 0) -> dict:
    key = jax.random.key(seed)
    ks = jax.random.split(key, 16)

    def rn(k, shape, scale=0.05):
        return jax.random.normal(k, shape, dtype=jnp.float32) * scale

    inp = {}
    inp['x'] = jax.random.normal(ks[0], (B, CIN, N), dtype=jnp.float32)
    inp['p1'] = jax.random.normal(ks[1], (B, N, 3), dtype=jnp.float32)
    # PointwiseConv1D: Conv1d(in, out, kernel_size=1, bias=False)
    inp['W_pwc'] = rn(ks[2], (COUT, CIN))
    # PointTransformerBlock params
    inp['W_lin1'] = rn(ks[3], (MID, COUT)); inp['b_lin1'] = jnp.zeros((MID,), jnp.float32)
    inp['Wq'] = rn(ks[4], (MID, MID)); inp['bq'] = jnp.zeros((MID,), jnp.float32)
    inp['Wk'] = rn(ks[5], (MID, MID)); inp['bk'] = jnp.zeros((MID,), jnp.float32)
    inp['Wv'] = rn(ks[6], (MID, MID)); inp['bv'] = jnp.zeros((MID,), jnp.float32)
    inp['Wd1'] = rn(ks[7], (MID, 3)); inp['bd1'] = jnp.zeros((MID,), jnp.float32)
    inp['Wd2'] = rn(ks[8], (MID, MID)); inp['bd2'] = jnp.zeros((MID,), jnp.float32)
    inp['Wg1'] = rn(ks[9], (MID, MID)); inp['bg1'] = jnp.zeros((MID,), jnp.float32)
    inp['Wg2'] = rn(ks[10], (MID, MID)); inp['bg2'] = jnp.zeros((MID,), jnp.float32)
    inp['W_lin2'] = rn(ks[11], (COUT, MID)); inp['b_lin2'] = jnp.zeros((COUT,), jnp.float32)
    return inp


def reference(x, p1, W_pwc, W_lin1, b_lin1, Wq, bq, Wk, bk, Wv, bv,
              Wd1, bd1, Wd2, bd2, Wg1, bg1, Wg2, bg2, W_lin2, b_lin2):
    # PointwiseConv1D: 1x1 conv over channel dim, no bias -> [B, N, COUT]
    feats = jnp.einsum('oc,bcn->bno', W_pwc, x)
    # PointTransformerBlock: project to mid dim
    h = feats @ W_lin1.T + b_lin1
    q = h @ Wq.T + bq
    kk = h @ Wk.T + bk
    v = h @ Wv.T + bv
    # kNN in coordinate space (k smallest squared distances)
    d2 = jnp.sum((p1[:, :, None, :] - p1[:, None, :, :]) ** 2, axis=-1)  # [B,N,N]
    _, idx = jax.lax.top_k(-d2, K)  # [B,N,K]
    gather = jax.vmap(lambda a, i: a[i])
    kj = gather(kk, idx)   # [B,N,K,MID]
    vj = gather(v, idx)    # [B,N,K,MID]
    pj = gather(p1, idx)   # [B,N,K,3]
    # relative positional encoding MLP: 3 -> MID -> MID
    rel = p1[:, :, None, :] - pj
    pos = jax.nn.relu(rel @ Wd1.T + bd1) @ Wd2.T + bd2
    # vector attention: gamma(q_i - k_j + delta)
    e = q[:, :, None, :] - kj + pos
    logits = jax.nn.relu(e @ Wg1.T + bg1) @ Wg2.T + bg2
    attn = jax.nn.softmax(logits, axis=2)
    agg = jnp.sum(attn * (vj + pos), axis=2)  # [B,N,MID]
    # project back + residual
    y = agg @ W_lin2.T + b_lin2 + feats       # [B,N,COUT]
    y = jnp.transpose(y, (0, 2, 1))            # [B,COUT,N]
    return (y, p1)

if __name__ == "__main__":
    import jax
    _d = setup_inputs()
    print(jax.jit(kernel)(*tuple(_d.values())))

</pallas_src>

<mosaic_0001>
#map = affine_map<(d0, d1) -> (0, 0, 0)>
#map1 = affine_map<(d0, d1) -> (0, 0)>
module attributes {stable_mosaic.version = 14 : i64} {
  func.func @_sc_gather_body(%arg0: i32, %arg1: i32, %arg2: memref<32x16x128xi32, #tpu.memory_space<hbm>>, %arg3: memref<4096x128xf32, #tpu.memory_space<hbm>>, %arg4: memref<4096x128xf32, #tpu.memory_space<hbm>>, %arg5: memref<65536x128xf32, #tpu.memory_space<hbm>>, %arg6: memref<65536x128xf32, #tpu.memory_space<hbm>>, %arg7: memref<16x128xi32, #tpu.memory_space<vmem>>, %arg8: memref<128x128xf32, #tpu.memory_space<vmem>>, %arg9: memref<128x128xf32, #tpu.memory_space<vmem>>, %arg10: memref<128x128xf32, #tpu.memory_space<vmem>>, %arg11: memref<128x128xf32, #tpu.memory_space<vmem>>, %arg12: memref<!tpu.dma_semaphore, #tpu.memory_space<semaphore_mem>>, %arg13: memref<!tpu.dma_semaphore, #tpu.memory_space<semaphore_mem>>, %arg14: memref<!tpu.dma_semaphore, #tpu.memory_space<semaphore_mem>>, %arg15: memref<!tpu.dma_semaphore, #tpu.memory_space<semaphore_mem>>) attributes {dimension_semantics = [#tpu.dimension_semantics<core_parallel>, #tpu.dimension_semantics<subcore_parallel>], iteration_bounds = array<i64: 2, 16>, scalar_prefetch = 0 : i64, scratch_operands = 9 : i64, tpu.core_type = #tpu.core_type<sc_vector_subcore>, window_params = [{transform_indices = #map}, {transform_indices = #map1}, {transform_indices = #map1}, {transform_indices = #map1}, {transform_indices = #map1}]} {
    %mul3A = arith.constant 2 : i32
    %mul3A_0 = arith.muli %arg1, %mul3A : i32
    %add3A = arith.addi %mul3A_0, %arg0 : i32
    "tpu.region"() ({
      %run_scoped3A = tpu.sem_alloc : memref<!tpu.dma_semaphore, #tpu.memory_space<semaphore_mem>>
      %dma_start3A_56 = arith.constant 0 : i32
      %dma_start3A_57 = arith.constant 0 : i32
      %dma_start3A_58 = tpu.memref_slice %arg2[%add3A, %dma_start3A_56, %dma_start3A_57] : memref<32x16x128xi32, #tpu.memory_space<hbm>> -> memref<1x16x128xi32, #tpu.memory_space<hbm>>
      %dma_start3A_59 = tpu.memref_squeeze %dma_start3A_58 : memref<1x16x128xi32, #tpu.memory_space<hbm>> -> memref<16x128xi32, #tpu.memory_space<hbm>>
      %dma_start3A_60 = arith.constant 0 : i32
      %dma_start3A_61 = arith.constant 0 : i32
      %dma_start3A_62 = tpu.memref_slice %arg2[%add3A, %dma_start3A_60, %dma_start3A_61] : memref<32x16x128xi32, #tpu.memory_space<hbm>> -> memref<1x16x128xi32, #tpu.memory_space<hbm>>
      %dma_start3A_63 = tpu.memref_squeeze %dma_start3A_62 : memref<1x16x128xi32, #tpu.memory_space<hbm>> -> memref<16x128xi32, #tpu.memory_space<hbm>>
      tpu.enqueue_dma source(%dma_start3A_63 : memref<16x128xi32, #tpu.memory_space<hbm>>) target(%arg7 : memref<16x128xi32, #tpu.memory_space<vmem>>) target_semaphore(%run_scoped3A : memref<!tpu.dma_semaphore, #tpu.memory_space<semaphore_mem>>)
      %dma_wait3A_64 = arith.constant 0 : i32
      %dma_wait3A_65 = arith.constant 0 : i32
      %dma_wait3A_66 = tpu.memref_slice %arg2[%add3A, %dma_wait3A_64, %dma_wait3A_65] : memref<32x16x128xi32, #tpu.memory_space<hbm>> -> memref<1x16x128xi32, #tpu.memory_space<hbm>>
      %dma_wait3A_67 = tpu.memref_squeeze %dma_wait3A_66 : memref<1x16x128xi32, #tpu.memory_space<hbm>> -> memref<16x128xi32, #tpu.memory_space<hbm>>
      %dma_wait3A_68 = arith.constant 0 : i32
      %dma_wait3A_69 = arith.constant 0 : i32
      %dma_wait3A_70 = tpu.memref_slice %arg2[%add3A, %dma_wait3A_68, %dma_wait3A_69] : memref<32x16x128xi32, #tpu.memory_space<hbm>> -> memref<1x16x128xi32, #tpu.memory_space<hbm>>
      %dma_wait3A_71 = tpu.memref_squeeze %dma_wait3A_70 : memref<1x16x128xi32, #tpu.memory_space<hbm>> -> memref<16x128xi32, #tpu.memory_space<hbm>>
      tpu.wait_dma2 semaphore(%run_scoped3A : memref<!tpu.dma_semaphore, #tpu.memory_space<semaphore_mem>>) src(%dma_wait3A_71 : memref<16x128xi32, #tpu.memory_space<hbm>>) dst(%arg7 : memref<16x128xi32, #tpu.memory_space<vmem>>)
      tpu.yield
    }) : () -> ()
    %dma_start3A = arith.constant 0 : i32
    %dma_start3A_1 = arith.constant 0 : i32
    %dma_start3A_2 = tpu.memref_slice %arg7[%dma_start3A, %dma_start3A_1] : memref<16x128xi32, #tpu.memory_space<vmem>> -> memref<1x128xi32, #tpu.memory_space<vmem>>
    %dma_start3A_3 = tpu.memref_squeeze %dma_start3A_2 : memref<1x128xi32, #tpu.memory_space<vmem>> -> memref<128xi32, #tpu.memory_space<vmem>>
    %dma_start3A_4 = arith.constant 0 : i32
    %dma_start3A_5 = arith.constant 0 : i32
    %dma_start3A_6 = tpu.memref_slice %arg3[%dma_start3A_4, %dma_start3A_5] : memref<4096x128xf32, #tpu.memory_space<hbm>> -> memref<4096x128xf32, #tpu.memory_space<hbm>>
    tpu.enqueue_indirect_dma source(%dma_start3A_6 : memref<4096x128xf32, #tpu.memory_space<hbm>>) target(%arg8 : memref<128x128xf32, #tpu.memory_space<vmem>>) offsets(%dma_start3A_3 : memref<128xi32, #tpu.memory_space<vmem>>) semaphore(%arg12 : memref<!tpu.dma_semaphore, #tpu.memory_space<semaphore_mem>>)
    %dma_start3A_7 = arith.constant 0 : i32
    %dma_start3A_8 = arith.constant 0 : i32
    %dma_start3A_9 = tpu.memref_slice %arg7[%dma_start3A_7, %dma_start3A_8] : memref<16x128xi32, #tpu.memory_space<vmem>> -> memref<1x128xi32, #tpu.memory_space<vmem>>
    %dma_start3A_10 = tpu.memref_squeeze %dma_start3A_9 : memref<1x128xi32, #tpu.memory_space<vmem>> -> memref<128xi32, #tpu.memory_space<vmem>>
    %dma_start3A_11 = arith.constant 0 : i32
    %dma_start3A_12 = arith.constant 0 : i32
    %dma_start3A_13 = tpu.memref_slice %arg4[%dma_start3A_11, %dma_start3A_12] : memref<4096x128xf32, #tpu.memory_space<hbm>> -> memref<4096x128xf32, #tpu.memory_space<hbm>>
    tpu.enqueue_indirect_dma source(%dma_start3A_13 : memref<4096x128xf32, #tpu.memory_space<hbm>>) target(%arg10 : memref<128x128xf32, #tpu.memory_space<vmem>>) offsets(%dma_start3A_10 : memref<128xi32, #tpu.memory_space<vmem>>) semaphore(%arg12 : memref<!tpu.dma_semaphore, #tpu.memory_space<semaphore_mem>>)
    %dma_start3A_14 = arith.constant 1 : i32
    %dma_start3A_15 = arith.constant 0 : i32
    %dma_start3A_16 = tpu.memref_slice %arg7[%dma_start3A_14, %dma_start3A_15] : memref<16x128xi32, #tpu.memory_space<vmem>> -> memref<1x128xi32, #tpu.memory_space<vmem>>
    %dma_start3A_17 = tpu.memref_squeeze %dma_start3A_16 : memref<1x128xi32, #tpu.memory_space<vmem>> -> memref<128xi32, #tpu.memory_space<vmem>>
    %dma_start3A_18 = arith.constant 0 : i32
    %dma_start3A_19 = arith.constant 0 : i32
    %dma_start3A_20 = tpu.memref_slice %arg3[%dma_start3A_18, %dma_start3A_19] : memref<4096x128xf32, #tpu.memory_space<hbm>> -> memref<4096x128xf32, #tpu.memory_space<hbm>>
    tpu.enqueue_indirect_dma source(%dma_start3A_20 : memref<4096x128xf32, #tpu.memory_space<hbm>>) target(%arg9 : memref<128x128xf32, #tpu.memory_space<vmem>>) offsets(%dma_start3A_17 : memref<128xi32, #tpu.memory_space<vmem>>) semaphore(%arg13 : memref<!tpu.dma_semaphore, #tpu.memory_space<semaphore_mem>>)
    %dma_start3A_21 = arith.constant 1 : i32
    %dma_start3A_22 = arith.constant 0 : i32
    %dma_start3A_23 = tpu.memref_slice %arg7[%dma_start3A_21, %dma_start3A_22] : memref<16x128xi32, #tpu.memory_space<vmem>> -> memref<1x128xi32, #tpu.memory_space<vmem>>
    %dma_start3A_24 = tpu.memref_squeeze %dma_start3A_23 : memref<1x128xi32, #tpu.memory_space<vmem>> -> memref<128xi32, #tpu.memory_space<vmem>>
    %dma_start3A_25 = arith.constant 0 : i32
    %dma_start3A_26 = arith.constant 0 : i32
    %dma_start3A_27 = tpu.memref_slice %arg4[%dma_start3A_25, %dma_start3A_26] : memref<4096x128xf32, #tpu.memory_space<hbm>> -> memref<4096x128xf32, #tpu.memory_space<hbm>>
    tpu.enqueue_indirect_dma source(%dma_start3A_27 : memref<4096x128xf32, #tpu.memory_space<hbm>>) target(%arg11 : memref<128x128xf32, #tpu.memory_space<vmem>>) offsets(%dma_start3A_24 : memref<128xi32, #tpu.memory_space<vmem>>) semaphore(%arg13 : memref<!tpu.dma_semaphore, #tpu.memory_space<semaphore_mem>>)
    %scan3A = arith.constant 0 : i32
    %scan3A_28 = arith.constant 0 : i32
    %scan3A_29 = arith.constant 8 : i32
    %scan3A_30 = arith.addi %scan3A_28, %scan3A_29 : i32
    %scan3A_31 = arith.constant 1 : i32
    scf.for %scan3A_56 = %scan3A_28 to %scan3A_30 step %scan3A_31  : i32 {
      %mul3A_57 = arith.constant 2 : i32
      %mul3A_58 = arith.muli %scan3A_56, %mul3A_57 : i32
      %add3A_59 = arith.constant 0 : i32
      %add3A_60 = arith.addi %mul3A_58, %add3A_59 : i32
      %dma_wait3A_61 = arith.constant 0 : i32
      %dma_wait3A_62 = arith.constant 0 : i32
      %dma_wait3A_63 = tpu.memref_slice %arg3[%dma_wait3A_61, %dma_wait3A_62] : memref<4096x128xf32, #tpu.memory_space<hbm>> -> memref<128x128xf32, #tpu.memory_space<hbm>>
      %dma_wait3A_64 = arith.constant 0 : i32
      %dma_wait3A_65 = arith.constant 0 : i32
      %dma_wait3A_66 = tpu.memref_slice %arg3[%dma_wait3A_64, %dma_wait3A_65] : memref<4096x128xf32, #tpu.memory_space<hbm>> -> memref<128x128xf32, #tpu.memory_space<hbm>>
      tpu.wait_dma2 semaphore(%arg12 : memref<!tpu.dma_semaphore, #tpu.memory_space<semaphore_mem>>) src(%dma_wait3A_66 : memref<128x128xf32, #tpu.memory_space<hbm>>) dst(%arg8 : memref<128x128xf32, #tpu.memory_space<vmem>>)
      %dma_wait3A_67 = arith.constant 0 : i32
      %dma_wait3A_68 = arith.constant 0 : i32
      %dma_wait3A_69 = tpu.memref_slice %arg4[%dma_wait3A_67, %dma_wait3A_68] : memref<4096x128xf32, #tpu.memory_space<hbm>> -> memref<128x128xf32, #tpu.memory_space<hbm>>
      %dma_wait3A_70 = arith.constant 0 : i32
      %dma_wait3A_71 = arith.constant 0 : i32
      %dma_wait3A_72 = tpu.memref_slice %arg4[%dma_wait3A_70, %dma_wait3A_71] : memref<4096x128xf32, #tpu.memory_space<hbm>> -> memref<128x128xf32, #tpu.memory_space<hbm>>
      tpu.wait_dma2 semaphore(%arg12 : memref<!tpu.dma_semaphore, #tpu.memory_space<semaphore_mem>>) src(%dma_wait3A_72 : memref<128x128xf32, #tpu.memory_space<hbm>>) dst(%arg10 : memref<128x128xf32, #tpu.memory_space<vmem>>)
      %mul3A_73 = arith.constant 2048 : i32
      %mul3A_74 = arith.muli %add3A, %mul3A_73 : i32
      %mul3A_75 = arith.constant 128 : i32
      %mul3A_76 = arith.muli %add3A_60, %mul3A_75 : i32
      %add3A_77 = arith.addi %mul3A_74, %mul3A_76 : i32
      %dma_start3A_78 = arith.constant 0 : i32
      %dma_start3A_79 = tpu.memref_slice %arg5[%add3A_77, %dma_start3A_78] : memref<65536x128xf32, #tpu.memory_space<hbm>> -> memref<128x128xf32, #tpu.memory_space<hbm>>
      %dma_start3A_80 = arith.constant 0 : i32
      %dma_start3A_81 = tpu.memref_slice %arg5[%add3A_77, %dma_start3A_80] : memref<65536x128xf32, #tpu.memory_space<hbm>> -> memref<128x128xf32, #tpu.memory_space<hbm>>
      tpu.enqueue_dma source(%arg8 : memref<128x128xf32, #tpu.memory_space<vmem>>) target(%dma_start3A_81 : memref<128x128xf32, #tpu.memory_space<hbm>>) target_semaphore(%arg14 : memref<!tpu.dma_semaphore, #tpu.memory_space<semaphore_mem>>)
      %dma_start3A_82 = arith.constant 0 : i32
      %dma_start3A_83 = tpu.memref_slice %arg6[%add3A_77, %dma_start3A_82] : memref<65536x128xf32, #tpu.memory_space<hbm>> -> memref<128x128xf32, #tpu.memory_space<hbm>>
      %dma_start3A_84 = arith.constant 0 : i32
      %dma_start3A_85 = tpu.memref_slice %arg6[%add3A_77, %dma_start3A_84] : memref<65536x128xf32, #tpu.memory_space<hbm>> -> memref<128x128xf32, #tpu.memory_space<hbm>>
      tpu.enqueue_dma source(%arg10 : memref<128x128xf32, #tpu.memory_space<vmem>>) target(%dma_start3A_85 : memref<128x128xf32, #tpu.memory_space<hbm>>) target_semaphore(%arg14 : memref<!tpu.dma_semaphore, #tpu.memory_space<semaphore_mem>>)
      %mul3A_86 = arith.constant 2 : i32
      %mul3A_87 = arith.muli %scan3A_56, %mul3A_86 : i32
      %add3A_88 = arith.constant 1 : i32
      %add3A_89 = arith.addi %mul3A_87, %add3A_88 : i32
      %dma_wait3A_90 = arith.constant 0 : i32
      %dma_wait3A_91 = arith.constant 0 : i32
      %dma_wait3A_92 = tpu.memref_slice %arg3[%dma_wait3A_90, %dma_wait3A_91] : memref<4096x128xf32, #tpu.memory_space<hbm>> -> memref<128x128xf32, #tpu.memory_space<hbm>>
      %dma_wait3A_93 = arith.constant 0 : i32
      %dma_wait3A_94 = arith.constant 0 : i32
      %dma_wait3A_95 = tpu.memref_slice %arg3[%dma_wait3A_93, %dma_wait3A_94] : memref<4096x128xf32, #tpu.memory_space<hbm>> -> memref<128x128xf32, #tpu.memory_space<hbm>>
      tpu.wait_dma2 semaphore(%arg13 : memref<!tpu.dma_semaphore, #tpu.memory_space<semaphore_mem>>) src(%dma_wait3A_95 : memref<128x128xf32, #tpu.memory_space<hbm>>) dst(%arg9 : memref<128x128xf32, #tpu.memory_space<vmem>>)
      %dma_wait3A_96 = arith.constant 0 : i32
      %dma_wait3A_97 = arith.constant 0 : i32
      %dma_wait3A_98 = tpu.memref_slice %arg4[%dma_wait3A_96, %dma_wait3A_97] : memref<4096x128xf32, #tpu.memory_space<hbm>> -> memref<128x128xf32, #tpu.memory_space<hbm>>
      %dma_wait3A_99 = arith.constant 0 : i32
      %dma_wait3A_100 = arith.constant 0 : i32
      %dma_wait3A_101 = tpu.memref_slice %arg4[%dma_wait3A_99, %dma_wait3A_100] : memref<4096x128xf32, #tpu.memory_space<hbm>> -> memref<128x128xf32, #tpu.memory_space<hbm>>
      tpu.wait_dma2 semaphore(%arg13 : memref<!tpu.dma_semaphore, #tpu.memory_space<semaphore_mem>>) src(%dma_wait3A_101 : memref<128x128xf32, #tpu.memory_space<hbm>>) dst(%arg11 : memref<128x128xf32, #tpu.memory_space<vmem>>)
      %mul3A_102 = arith.constant 2048 : i32
      %mul3A_103 = arith.muli %add3A, %mul3A_102 : i32
      %mul3A_104 = arith.constant 128 : i32
      %mul3A_105 = arith.muli %add3A_89, %mul3A_104 : i32
      %add3A_106 = arith.addi %mul3A_103, %mul3A_105 : i32
      %dma_start3A_107 = arith.constant 0 : i32
      %dma_start3A_108 = tpu.memref_slice %arg5[%add3A_106, %dma_start3A_107] : memref<65536x128xf32, #tpu.memory_space<hbm>> -> memref<128x128xf32, #tpu.memory_space<hbm>>
      %dma_start3A_109 = arith.constant 0 : i32
      %dma_start3A_110 = tpu.memref_slice %arg5[%add3A_106, %dma_start3A_109] : memref<65536x128xf32, #tpu.memory_space<hbm>> -> memref<128x128xf32, #tpu.memory_space<hbm>>
      tpu.enqueue_dma source(%arg9 : memref<128x128xf32, #tpu.memory_space<vmem>>) target(%dma_start3A_110 : memref<128x128xf32, #tpu.memory_space<hbm>>) target_semaphore(%arg15 : memref<!tpu.dma_semaphore, #tpu.memory_space<semaphore_mem>>)
      %dma_start3A_111 = arith.constant 0 : i32
      %dma_start3A_112 = tpu.memref_slice %arg6[%add3A_106, %dma_start3A_111] : memref<65536x128xf32, #tpu.memory_space<hbm>> -> memref<128x128xf32, #tpu.memory_space<hbm>>
      %dma_start3A_113 = arith.constant 0 : i32
      %dma_start3A_114 = tpu.memref_slice %arg6[%add3A_106, %dma_start3A_113] : memref<65536x128xf32, #tpu.memory_space<hbm>> -> memref<128x128xf32, #tpu.memory_space<hbm>>
      tpu.enqueue_dma source(%arg11 : memref<128x128xf32, #tpu.memory_space<vmem>>) target(%dma_start3A_114 : memref<128x128xf32, #tpu.memory_space<hbm>>) target_semaphore(%arg15 : memref<!tpu.dma_semaphore, #tpu.memory_space<semaphore_mem>>)
      %mul3A_115 = arith.constant 2 : i32
      %mul3A_116 = arith.muli %scan3A_56, %mul3A_115 : i32
      %add3A_117 = arith.constant 0 : i32
      %add3A_118 = arith.addi %mul3A_116, %add3A_117 : i32
      %add3A_119 = arith.constant 2 : i32
      %add3A_120 = arith.addi %add3A_118, %add3A_119 : i32
      %lt3A = arith.constant 16 : i32
      %lt3A_121 = arith.cmpi slt, %add3A_120, %lt3A : i32
      %convert_element_type3A = arith.extui %lt3A_121 : i1 to i32
      %cond3A = arith.constant 0 : i32
      %cond3A_122 = arith.cmpi ne, %convert_element_type3A, %cond3A : i32
      scf.if %cond3A_122 {
        %dma_wait3A_134 = arith.constant 0 : i32
        %dma_wait3A_135 = arith.constant 0 : i32
        %dma_wait3A_136 = tpu.memref_slice %arg5[%dma_wait3A_134, %dma_wait3A_135] : memref<65536x128xf32, #tpu.memory_space<hbm>> -> memref<128x128xf32, #tpu.memory_space<hbm>>
        %dma_wait3A_137 = arith.constant 0 : i32
        %dma_wait3A_138 = arith.constant 0 : i32
        %dma_wait3A_139 = tpu.memref_slice %arg5[%dma_wait3A_137, %dma_wait3A_138] : memref<65536x128xf32, #tpu.memory_space<hbm>> -> memref<128x128xf32, #tpu.memory_space<hbm>>
        tpu.wait_dma2 semaphore(%arg14 : memref<!tpu.dma_semaphore, #tpu.memory_space<semaphore_mem>>) src(%dma_wait3A_139 : memref<128x128xf32, #tpu.memory_space<hbm>>) dst(%arg8 : memref<128x128xf32, #tpu.memory_space<vmem>>)
        %dma_wait3A_140 = arith.constant 0 : i32
        %dma_wait3A_141 = arith.constant 0 : i32
        %dma_wait3A_142 = tpu.memref_slice %arg6[%dma_wait3A_140, %dma_wait3A_141] : memref<65536x128xf32, #tpu.memory_space<hbm>> -> memref<128x128xf32, #tpu.memory_space<hbm>>
        %dma_wait3A_143 = arith.constant 0 : i32
        %dma_wait3A_144 = arith.constant 0 : i32
        %dma_wait3A_145 = tpu.memref_slice %arg6[%dma_wait3A_143, %dma_wait3A_144] : memref<65536x128xf32, #tpu.memory_space<hbm>> -> memref<128x128xf32, #tpu.memory_space<hbm>>
        tpu.wait_dma2 semaphore(%arg14 : memref<!tpu.dma_semaphore, #tpu.memory_space<semaphore_mem>>) src(%dma_wait3A_145 : memref<128x128xf32, #tpu.memory_space<hbm>>) dst(%arg10 : memref<128x128xf32, #tpu.memory_space<vmem>>)
        %dma_start3A_146 = arith.constant 0 : i32
        %dma_start3A_147 = tpu.memref_slice %arg7[%add3A_120, %dma_start3A_146] : memref<16x128xi32, #tpu.memory_space<vmem>> -> memref<1x128xi32, #tpu.memory_space<vmem>>
        %dma_start3A_148 = tpu.memref_squeeze %dma_start3A_147 : memref<1x128xi32, #tpu.memory_space<vmem>> -> memref<128xi32, #tpu.memory_space<vmem>>
        %dma_start3A_149 = arith.constant 0 : i32
        %dma_start3A_150 = arith.constant 0 : i32
        %dma_start3A_151 = tpu.memref_slice %arg3[%dma_start3A_149, %dma_start3A_150] : memref<4096x128xf32, #tpu.memory_space<hbm>> -> memref<4096x128xf32, #tpu.memory_space<hbm>>
        tpu.enqueue_indirect_dma source(%dma_start3A_151 : memref<4096x128xf32, #tpu.memory_space<hbm>>) target(%arg8 : memref<128x128xf32, #tpu.memory_space<vmem>>) offsets(%dma_start3A_148 : memref<128xi32, #tpu.memory_space<vmem>>) semaphore(%arg12 : memref<!tpu.dma_semaphore, #tpu.memory_space<semaphore_mem>>)
        %dma_start3A_152 = arith.constant 0 : i32
        %dma_start3A_153 = tpu.memref_slice %arg7[%add3A_120, %dma_start3A_152] : memref<16x128xi32, #tpu.memory_space<vmem>> -> memref<1x128xi32, #tpu.memory_space<vmem>>
        %dma_start3A_154 = tpu.memref_squeeze %dma_start3A_153 : memref<1x128xi32, #tpu.memory_space<vmem>> -> memref<128xi32, #tpu.memory_space<vmem>>
        %dma_start3A_155 = arith.constant 0 : i32
        %dma_start3A_156 = arith.constant 0 : i32
        %dma_start3A_157 = tpu.memref_slice %arg4[%dma_start3A_155, %dma_start3A_156] : memref<4096x128xf32, #tpu.memory_space<hbm>> -> memref<4096x128xf32, #tpu.memory_space<hbm>>
        tpu.enqueue_indirect_dma source(%dma_start3A_157 : memref<4096x128xf32, #tpu.memory_space<hbm>>) target(%arg10 : memref<128x128xf32, #tpu.memory_space<vmem>>) offsets(%dma_start3A_154 : memref<128xi32, #tpu.memory_space<vmem>>) semaphore(%arg12 : memref<!tpu.dma_semaphore, #tpu.memory_space<semaphore_mem>>)
      } else {
      }
      %mul3A_123 = arith.constant 2 : i32
      %mul3A_124 = arith.muli %scan3A_56, %mul3A_123 : i32
      %add3A_125 = arith.constant 1 : i32
      %add3A_126 = arith.addi %mul3A_124, %add3A_125 : i32
      %add3A_127 = arith.constant 2 : i32
      %add3A_128 = arith.addi %add3A_126, %add3A_127 : i32
      %lt3A_129 = arith.constant 16 : i32
      %lt3A_130 = arith.cmpi slt, %add3A_128, %lt3A_129 : i32
      %convert_element_type3A_131 = arith.extui %lt3A_130 : i1 to i32
      %cond3A_132 = arith.constant 0 : i32
      %cond3A_133 = arith.cmpi ne, %convert_element_type3A_131, %cond3A_132 : i32
      scf.if %cond3A_133 {
        %dma_wait3A_134 = arith.constant 0 : i32
        %dma_wait3A_135 = arith.constant 0 : i32
        %dma_wait3A_136 = tpu.memref_slice %arg5[%dma_wait3A_134, %dma_wait3A_135] : memref<65536x128xf32, #tpu.memory_space<hbm>> -> memref<128x128xf32, #tpu.memory_space<hbm>>
        %dma_wait3A_137 = arith.constant 0 : i32
        %dma_wait3A_138 = arith.constant 0 : i32
        %dma_wait3A_139 = tpu.memref_slice %arg5[%dma_wait3A_137, %dma_wait3A_138] : memref<65536x128xf32, #tpu.memory_space<hbm>> -> memref<128x128xf32, #tpu.memory_space<hbm>>
        tpu.wait_dma2 semaphore(%arg15 : memref<!tpu.dma_semaphore, #tpu.memory_space<semaphore_mem>>) src(%dma_wait3A_139 : memref<128x128xf32, #tpu.memory_space<hbm>>) dst(%arg9 : memref<128x128xf32, #tpu.memory_space<vmem>>)
        %dma_wait3A_140 = arith.constant 0 : i32
        %dma_wait3A_141 = arith.constant 0 : i32
        %dma_wait3A_142 = tpu.memref_slice %arg6[%dma_wait3A_140, %dma_wait3A_141] : memref<65536x128xf32, #tpu.memory_space<hbm>> -> memref<128x128xf32, #tpu.memory_space<hbm>>
        %dma_wait3A_143 = arith.constant 0 : i32
        %dma_wait3A_144 = arith.constant 0 : i32
        %dma_wait3A_145 = tpu.memref_slice %arg6[%dma_wait3A_143, %dma_wait3A_144] : memref<65536x128xf32, #tpu.memory_space<hbm>> -> memref<128x128xf32, #tpu.memory_space<hbm>>
        tpu.wait_dma2 semaphore(%arg15 : memref<!tpu.dma_semaphore, #tpu.memory_space<semaphore_mem>>) src(%dma_wait3A_145 : memref<128x128xf32, #tpu.memory_space<hbm>>) dst(%arg11 : memref<128x128xf32, #tpu.memory_space<vmem>>)
        %dma_start3A_146 = arith.constant 0 : i32
        %dma_start3A_147 = tpu.memref_slice %arg7[%add3A_128, %dma_start3A_146] : memref<16x128xi32, #tpu.memory_space<vmem>> -> memref<1x128xi32, #tpu.memory_space<vmem>>
        %dma_start3A_148 = tpu.memref_squeeze %dma_start3A_147 : memref<1x128xi32, #tpu.memory_space<vmem>> -> memref<128xi32, #tpu.memory_space<vmem>>
        %dma_start3A_149 = arith.constant 0 : i32
        %dma_start3A_150 = arith.constant 0 : i32
        %dma_start3A_151 = tpu.memref_slice %arg3[%dma_start3A_149, %dma_start3A_150] : memref<4096x128xf32, #tpu.memory_space<hbm>> -> memref<4096x128xf32, #tpu.memory_space<hbm>>
        tpu.enqueue_indirect_dma source(%dma_start3A_151 : memref<4096x128xf32, #tpu.memory_space<hbm>>) target(%arg9 : memref<128x128xf32, #tpu.memory_space<vmem>>) offsets(%dma_start3A_148 : memref<128xi32, #tpu.memory_space<vmem>>) semaphore(%arg13 : memref<!tpu.dma_semaphore, #tpu.memory_space<semaphore_mem>>)
        %dma_start3A_152 = arith.constant 0 : i32
        %dma_start3A_153 = tpu.memref_slice %arg7[%add3A_128, %dma_start3A_152] : memref<16x128xi32, #tpu.memory_space<vmem>> -> memref<1x128xi32, #tpu.memory_space<vmem>>
        %dma_start3A_154 = tpu.memref_squeeze %dma_start3A_153 : memref<1x128xi32, #tpu.memory_space<vmem>> -> memref<128xi32, #tpu.memory_space<vmem>>
        %dma_start3A_155 = arith.constant 0 : i32
        %dma_start3A_156 = arith.constant 0 : i32
        %dma_start3A_157 = tpu.memref_slice %arg4[%dma_start3A_155, %dma_start3A_156] : memref<4096x128xf32, #tpu.memory_space<hbm>> -> memref<4096x128xf32, #tpu.memory_space<hbm>>
        tpu.enqueue_indirect_dma source(%dma_start3A_157 : memref<4096x128xf32, #tpu.memory_space<hbm>>) target(%arg11 : memref<128x128xf32, #tpu.memory_space<vmem>>) offsets(%dma_start3A_154 : memref<128xi32, #tpu.memory_space<vmem>>) semaphore(%arg13 : memref<!tpu.dma_semaphore, #tpu.memory_space<semaphore_mem>>)
      } else {
      }
    }
    %scan3A_32 = arith.constant 8 : i32
    %dma_wait3A = arith.constant 0 : i32
    %dma_wait3A_33 = arith.constant 0 : i32
    %dma_wait3A_34 = tpu.memref_slice %arg5[%dma_wait3A, %dma_wait3A_33] : memref<65536x128xf32, #tpu.memory_space<hbm>> -> memref<128x128xf32, #tpu.memory_space<hbm>>
    %dma_wait3A_35 = arith.constant 0 : i32
    %dma_wait3A_36 = arith.constant 0 : i32
    %dma_wait3A_37 = tpu.memref_slice %arg5[%dma_wait3A_35, %dma_wait3A_36] : memref<65536x128xf32, #tpu.memory_space<hbm>> -> memref<128x128xf32, #tpu.memory_space<hbm>>
    tpu.wait_dma2 semaphore(%arg14 : memref<!tpu.dma_semaphore, #tpu.memory_space<semaphore_mem>>) src(%dma_wait3A_37 : memref<128x128xf32, #tpu.memory_space<hbm>>) dst(%arg8 : memref<128x128xf32, #tpu.memory_space<vmem>>)
    %dma_wait3A_38 = arith.constant 0 : i32
    %dma_wait3A_39 = arith.constant 0 : i32
    %dma_wait3A_40 = tpu.memref_slice %arg6[%dma_wait3A_38, %dma_wait3A_39] : memref<65536x128xf32, #tpu.memory_space<hbm>> -> memref<128x128xf32, #tpu.memory_space<hbm>>
    %dma_wait3A_41 = arith.constant 0 : i32
    %dma_wait3A_42 = arith.constant 0 : i32
    %dma_wait3A_43 = tpu.memref_slice %arg6[%dma_wait3A_41, %dma_wait3A_42] : memref<65536x128xf32, #tpu.memory_space<hbm>> -> memref<128x128xf32, #tpu.memory_space<hbm>>
    tpu.wait_dma2 semaphore(%arg14 : memref<!tpu.dma_semaphore, #tpu.memory_space<semaphore_mem>>) src(%dma_wait3A_43 : memref<128x128xf32, #tpu.memory_space<hbm>>) dst(%arg10 : memref<128x128xf32, #tpu.memory_space<vmem>>)
    %dma_wait3A_44 = arith.constant 0 : i32
    %dma_wait3A_45 = arith.constant 0 : i32
    %dma_wait3A_46 = tpu.memref_slice %arg5[%dma_wait3A_44, %dma_wait3A_45] : memref<65536x128xf32, #tpu.memory_space<hbm>> -> memref<128x128xf32, #tpu.memory_space<hbm>>
    %dma_wait3A_47 = arith.constant 0 : i32
    %dma_wait3A_48 = arith.constant 0 : i32
    %dma_wait3A_49 = tpu.memref_slice %arg5[%dma_wait3A_47, %dma_wait3A_48] : memref<65536x128xf32, #tpu.memory_space<hbm>> -> memref<128x128xf32, #tpu.memory_space<hbm>>
    tpu.wait_dma2 semaphore(%arg15 : memref<!tpu.dma_semaphore, #tpu.memory_space<semaphore_mem>>) src(%dma_wait3A_49 : memref<128x128xf32, #tpu.memory_space<hbm>>) dst(%arg9 : memref<128x128xf32, #tpu.memory_space<vmem>>)
    %dma_wait3A_50 = arith.constant 0 : i32
    %dma_wait3A_51 = arith.constant 0 : i32
    %dma_wait3A_52 = tpu.memref_slice %arg6[%dma_wait3A_50, %dma_wait3A_51] : memref<65536x128xf32, #tpu.memory_space<hbm>> -> memref<128x128xf32, #tpu.memory_space<hbm>>
    %dma_wait3A_53 = arith.constant 0 : i32
    %dma_wait3A_54 = arith.constant 0 : i32
    %dma_wait3A_55 = tpu.memref_slice %arg6[%dma_wait3A_53, %dma_wait3A_54] : memref<65536x128xf32, #tpu.memory_space<hbm>> -> memref<128x128xf32, #tpu.memory_space<hbm>>
    tpu.wait_dma2 semaphore(%arg15 : memref<!tpu.dma_semaphore, #tpu.memory_space<semaphore_mem>>) src(%dma_wait3A_55 : memref<128x128xf32, #tpu.memory_space<hbm>>) dst(%arg11 : memref<128x128xf32, #tpu.memory_space<vmem>>)
    return
  }
}

#map = affine_map<(d0, d1) -> (0, 0, 0)>
#map1 = affine_map<(d0, d1) -> (0, 0)>
module attributes {stable_mosaic.version = 14 : i64} {
  func.func @_sc_gather_body(%arg0: i32, %arg1: i32, %arg2: memref<32x16x128xi32, #tpu.memory_space<hbm>>, %arg3: memref<4096x128xf32, #tpu.memory_space<hbm>>, %arg4: memref<4096x128xf32, #tpu.memory_space<hbm>>, %arg5: memref<65536x128xf32, #tpu.memory_space<hbm>>, %arg6: memref<65536x128xf32, #tpu.memory_space<hbm>>, %arg7: memref<16x128xi32, #tpu.memory_space<vmem>>, %arg8: memref<128x128xf32, #tpu.memory_space<vmem>>, %arg9: memref<128x128xf32, #tpu.memory_space<vmem>>, %arg10: memref<128x128xf32, #tpu.memory_space<vmem>>, %arg11: memref<128x128xf32, #tpu.memory_space<vmem>>, %arg12: memref<!tpu.dma_semaphore, #tpu.memory_space<semaphore_mem>>, %arg13: memref<!tpu.dma_semaphore, #tpu.memory_space<semaphore_mem>>, %arg14: memref<!tpu.dma_semaphore, #tpu.memory_space<semaphore_mem>>, %arg15: memref<!tpu.dma_semaphore, #tpu.memory_space<semaphore_mem>>) attributes {dimension_semantics = [#tpu.dimension_semantics<core_parallel>, #tpu.dimension_semantics<subcore_parallel>], iteration_bounds = array<i64: 2, 16>, scalar_prefetch = 0 : i64, scratch_operands = 9 : i64, tpu.core_type = #tpu.core_type<sc_vector_subcore>, window_params = [{transform_indices = #map}, {transform_indices = #map1}, {transform_indices = #map1}, {transform_indices = #map1}, {transform_indices = #map1}]} {
    %mul3A = arith.constant 2 : i32
    %mul3A_0 = arith.muli %arg1, %mul3A : i32
    %add3A = arith.addi %mul3A_0, %arg0 : i32
    "tpu.region"() ({
      %run_scoped3A = tpu.sem_alloc : memref<!tpu.dma_semaphore, #tpu.memory_space<semaphore_mem>>
      %dma_start3A_56 = arith.constant 0 : i32
      %dma_start3A_57 = arith.constant 0 : i32
      %dma_start3A_58 = tpu.memref_slice %arg2[%add3A, %dma_start3A_56, %dma_start3A_57] : memref<32x16x128xi32, #tpu.memory_space<hbm>> -> memref<1x16x128xi32, #tpu.memory_space<hbm>>
      %dma_start3A_59 = tpu.memref_squeeze %dma_start3A_58 : memref<1x16x128xi32, #tpu.memory_space<hbm>> -> memref<16x128xi32, #tpu.memory_space<hbm>>
      %dma_start3A_60 = arith.constant 0 : i32
      %dma_start3A_61 = arith.constant 0 : i32
      %dma_start3A_62 = tpu.memref_slice %arg2[%add3A, %dma_start3A_60, %dma_start3A_61] : memref<32x16x128xi32, #tpu.memory_space<hbm>> -> memref<1x16x128xi32, #tpu.memory_space<hbm>>
      %dma_start3A_63 = tpu.memref_squeeze %dma_start3A_62 : memref<1x16x128xi32, #tpu.memory_space<hbm>> -> memref<16x128xi32, #tpu.memory_space<hbm>>
      tpu.enqueue_dma source(%dma_start3A_63 : memref<16x128xi32, #tpu.memory_space<hbm>>) target(%arg7 : memref<16x128xi32, #tpu.memory_space<vmem>>) target_semaphore(%run_scoped3A : memref<!tpu.dma_semaphore, #tpu.memory_space<semaphore_mem>>)
      %dma_wait3A_64 = arith.constant 0 : i32
      %dma_wait3A_65 = arith.constant 0 : i32
      %dma_wait3A_66 = tpu.memref_slice %arg2[%add3A, %dma_wait3A_64, %dma_wait3A_65] : memref<32x16x128xi32, #tpu.memory_space<hbm>> -> memref<1x16x128xi32, #tpu.memory_space<hbm>>
      %dma_wait3A_67 = tpu.memref_squeeze %dma_wait3A_66 : memref<1x16x128xi32, #tpu.memory_space<hbm>> -> memref<16x128xi32, #tpu.memory_space<hbm>>
      %dma_wait3A_68 = arith.constant 0 : i32
      %dma_wait3A_69 = arith.constant 0 : i32
      %dma_wait3A_70 = tpu.memref_slice %arg2[%add3A, %dma_wait3A_68, %dma_wait3A_69] : memref<32x16x128xi32, #tpu.memory_space<hbm>> -> memref<1x16x128xi32, #tpu.memory_space<hbm>>
      %dma_wait3A_71 = tpu.memref_squeeze %dma_wait3A_70 : memref<1x16x128xi32, #tpu.memory_space<hbm>> -> memref<16x128xi32, #tpu.memory_space<hbm>>
      tpu.wait_dma2 semaphore(%run_scoped3A : memref<!tpu.dma_semaphore, #tpu.memory_space<semaphore_mem>>) src(%dma_wait3A_71 : memref<16x128xi32, #tpu.memory_space<hbm>>) dst(%arg7 : memref<16x128xi32, #tpu.memory_space<vmem>>)
      tpu.yield
    }) : () -> ()
    %dma_start3A = arith.constant 0 : i32
    %dma_start3A_1 = arith.constant 0 : i32
    %dma_start3A_2 = tpu.memref_slice %arg7[%dma_start3A, %dma_start3A_1] : memref<16x128xi32, #tpu.memory_space<vmem>> -> memref<1x128xi32, #tpu.memory_space<vmem>>
    %dma_start3A_3 = tpu.memref_squeeze %dma_start3A_2 : memref<1x128xi32, #tpu.memory_space<vmem>> -> memref<128xi32, #tpu.memory_space<vmem>>
    %dma_start3A_4 = arith.constant 0 : i32
    %dma_start3A_5 = arith.constant 0 : i32
    %dma_start3A_6 = tpu.memref_slice %arg3[%dma_start3A_4, %dma_start3A_5] : memref<4096x128xf32, #tpu.memory_space<hbm>> -> memref<4096x128xf32, #tpu.memory_space<hbm>>
    tpu.enqueue_indirect_dma source(%dma_start3A_6 : memref<4096x128xf32, #tpu.memory_space<hbm>>) target(%arg8 : memref<128x128xf32, #tpu.memory_space<vmem>>) offsets(%dma_start3A_3 : memref<128xi32, #tpu.memory_space<vmem>>) semaphore(%arg12 : memref<!tpu.dma_semaphore, #tpu.memory_space<semaphore_mem>>)
    %dma_start3A_7 = arith.constant 0 : i32
    %dma_start3A_8 = arith.constant 0 : i32
    %dma_start3A_9 = tpu.memref_slice %arg7[%dma_start3A_7, %dma_start3A_8] : memref<16x128xi32, #tpu.memory_space<vmem>> -> memref<1x128xi32, #tpu.memory_space<vmem>>
    %dma_start3A_10 = tpu.memref_squeeze %dma_start3A_9 : memref<1x128xi32, #tpu.memory_space<vmem>> -> memref<128xi32, #tpu.memory_space<vmem>>
    %dma_start3A_11 = arith.constant 0 : i32
    %dma_start3A_12 = arith.constant 0 : i32
    %dma_start3A_13 = tpu.memref_slice %arg4[%dma_start3A_11, %dma_start3A_12] : memref<4096x128xf32, #tpu.memory_space<hbm>> -> memref<4096x128xf32, #tpu.memory_space<hbm>>
    tpu.enqueue_indirect_dma source(%dma_start3A_13 : memref<4096x128xf32, #tpu.memory_space<hbm>>) target(%arg10 : memref<128x128xf32, #tpu.memory_space<vmem>>) offsets(%dma_start3A_10 : memref<128xi32, #tpu.memory_space<vmem>>) semaphore(%arg12 : memref<!tpu.dma_semaphore, #tpu.memory_space<semaphore_mem>>)
    %dma_start3A_14 = arith.constant 1 : i32
    %dma_start3A_15 = arith.constant 0 : i32
    %dma_start3A_16 = tpu.memref_slice %arg7[%dma_start3A_14, %dma_start3A_15] : memref<16x128xi32, #tpu.memory_space<vmem>> -> memref<1x128xi32, #tpu.memory_space<vmem>>
    %dma_start3A_17 = tpu.memref_squeeze %dma_start3A_16 : memref<1x128xi32, #tpu.memory_space<vmem>> -> memref<128xi32, #tpu.memory_space<vmem>>
    %dma_start3A_18 = arith.constant 0 : i32
    %dma_start3A_19 = arith.constant 0 : i32
    %dma_start3A_20 = tpu.memref_slice %arg3[%dma_start3A_18, %dma_start3A_19] : memref<4096x128xf32, #tpu.memory_space<hbm>> -> memref<4096x128xf32, #tpu.memory_space<hbm>>
    tpu.enqueue_indirect_dma source(%dma_start3A_20 : memref<4096x128xf32, #tpu.memory_space<hbm>>) target(%arg9 : memref<128x128xf32, #tpu.memory_space<vmem>>) offsets(%dma_start3A_17 : memref<128xi32, #tpu.memory_space<vmem>>) semaphore(%arg13 : memref<!tpu.dma_semaphore, #tpu.memory_space<semaphore_mem>>)
    %dma_start3A_21 = arith.constant 1 : i32
    %dma_start3A_22 = arith.constant 0 : i32
    %dma_start3A_23 = tpu.memref_slice %arg7[%dma_start3A_21, %dma_start3A_22] : memref<16x128xi32, #tpu.memory_space<vmem>> -> memref<1x128xi32, #tpu.memory_space<vmem>>
    %dma_start3A_24 = tpu.memref_squeeze %dma_start3A_23 : memref<1x128xi32, #tpu.memory_space<vmem>> -> memref<128xi32, #tpu.memory_space<vmem>>
    %dma_start3A_25 = arith.constant 0 : i32
    %dma_start3A_26 = arith.constant 0 : i32
    %dma_start3A_27 = tpu.memref_slice %arg4[%dma_start3A_25, %dma_start3A_26] : memref<4096x128xf32, #tpu.memory_space<hbm>> -> memref<4096x128xf32, #tpu.memory_space<hbm>>
    tpu.enqueue_indirect_dma source(%dma_start3A_27 : memref<4096x128xf32, #tpu.memory_space<hbm>>) target(%arg11 : memref<128x128xf32, #tpu.memory_space<vmem>>) offsets(%dma_start3A_24 : memref<128xi32, #tpu.memory_space<vmem>>) semaphore(%arg13 : memref<!tpu.dma_semaphore, #tpu.memory_space<semaphore_mem>>)
    %scan3A = arith.constant 0 : i32
    %scan3A_28 = arith.constant 0 : i32
    %scan3A_29 = arith.constant 8 : i32
    %scan3A_30 = arith.addi %scan3A_28, %scan3A_29 : i32
    %scan3A_31 = arith.constant 1 : i32
    scf.for %scan3A_56 = %scan3A_28 to %scan3A_30 step %scan3A_31  : i32 {
      %mul3A_57 = arith.constant 2 : i32
      %mul3A_58 = arith.muli %scan3A_56, %mul3A_57 : i32
      %add3A_59 = arith.constant 0 : i32
      %add3A_60 = arith.addi %mul3A_58, %add3A_59 : i32
      %dma_wait3A_61 = arith.constant 0 : i32
      %dma_wait3A_62 = arith.constant 0 : i32
      %dma_wait3A_63 = tpu.memref_slice %arg3[%dma_wait3A_61, %dma_wait3A_62] : memref<4096x128xf32, #tpu.memory_space<hbm>> -> memref<128x128xf32, #tpu.memory_space<hbm>>
      %dma_wait3A_64 = arith.constant 0 : i32
      %dma_wait3A_65 = arith.constant 0 : i32
      %dma_wait3A_66 = tpu.memref_slice %arg3[%dma_wait3A_64, %dma_wait3A_65] : memref<4096x128xf32, #tpu.memory_space<hbm>> -> memref<128x128xf32, #tpu.memory_space<hbm>>
      tpu.wait_dma2 semaphore(%arg12 : memref<!tpu.dma_semaphore, #tpu.memory_space<semaphore_mem>>) src(%dma_wait3A_66 : memref<128x128xf32, #tpu.memory_space<hbm>>) dst(%arg8 : memref<128x128xf32, #tpu.memory_space<vmem>>)
      %dma_wait3A_67 = arith.constant 0 : i32
      %dma_wait3A_68 = arith.constant 0 : i32
      %dma_wait3A_69 = tpu.memref_slice %arg4[%dma_wait3A_67, %dma_wait3A_68] : memref<4096x128xf32, #tpu.memory_space<hbm>> -> memref<128x128xf32, #tpu.memory_space<hbm>>
      %dma_wait3A_70 = arith.constant 0 : i32
      %dma_wait3A_71 = arith.constant 0 : i32
      %dma_wait3A_72 = tpu.memref_slice %arg4[%dma_wait3A_70, %dma_wait3A_71] : memref<4096x128xf32, #tpu.memory_space<hbm>> -> memref<128x128xf32, #tpu.memory_space<hbm>>
      tpu.wait_dma2 semaphore(%arg12 : memref<!tpu.dma_semaphore, #tpu.memory_space<semaphore_mem>>) src(%dma_wait3A_72 : memref<128x128xf32, #tpu.memory_space<hbm>>) dst(%arg10 : memref<128x128xf32, #tpu.memory_space<vmem>>)
      %mul3A_73 = arith.constant 2048 : i32
      %mul3A_74 = arith.muli %add3A, %mul3A_73 : i32
      %mul3A_75 = arith.constant 128 : i32
      %mul3A_76 = arith.muli %add3A_60, %mul3A_75 : i32
      %add3A_77 = arith.addi %mul3A_74, %mul3A_76 : i32
      %dma_start3A_78 = arith.constant 0 : i32
      %dma_start3A_79 = tpu.memref_slice %arg5[%add3A_77, %dma_start3A_78] : memref<65536x128xf32, #tpu.memory_space<hbm>> -> memref<128x128xf32, #tpu.memory_space<hbm>>
      %dma_start3A_80 = arith.constant 0 : i32
      %dma_start3A_81 = tpu.memref_slice %arg5[%add3A_77, %dma_start3A_80] : memref<65536x128xf32, #tpu.memory_space<hbm>> -> memref<128x128xf32, #tpu.memory_space<hbm>>
      tpu.enqueue_dma source(%arg8 : memref<128x128xf32, #tpu.memory_space<vmem>>) target(%dma_start3A_81 : memref<128x128xf32, #tpu.memory_space<hbm>>) target_semaphore(%arg14 : memref<!tpu.dma_semaphore, #tpu.memory_space<semaphore_mem>>)
      %dma_start3A_82 = arith.constant 0 : i32
      %dma_start3A_83 = tpu.memref_slice %arg6[%add3A_77, %dma_start3A_82] : memref<65536x128xf32, #tpu.memory_space<hbm>> -> memref<128x128xf32, #tpu.memory_space<hbm>>
      %dma_start3A_84 = arith.constant 0 : i32
      %dma_start3A_85 = tpu.memref_slice %arg6[%add3A_77, %dma_start3A_84] : memref<65536x128xf32, #tpu.memory_space<hbm>> -> memref<128x128xf32, #tpu.memory_space<hbm>>
      tpu.enqueue_dma source(%arg10 : memref<128x128xf32, #tpu.memory_space<vmem>>) target(%dma_start3A_85 : memref<128x128xf32, #tpu.memory_space<hbm>>) target_semaphore(%arg14 : memref<!tpu.dma_semaphore, #tpu.memory_space<semaphore_mem>>)
      %mul3A_86 = arith.constant 2 : i32
      %mul3A_87 = arith.muli %scan3A_56, %mul3A_86 : i32
      %add3A_88 = arith.constant 1 : i32
      %add3A_89 = arith.addi %mul3A_87, %add3A_88 : i32
      %dma_wait3A_90 = arith.constant 0 : i32
      %dma_wait3A_91 = arith.constant 0 : i32
      %dma_wait3A_92 = tpu.memref_slice %arg3[%dma_wait3A_90, %dma_wait3A_91] : memref<4096x128xf32, #tpu.memory_space<hbm>> -> memref<128x128xf32, #tpu.memory_space<hbm>>
      %dma_wait3A_93 = arith.constant 0 : i32
      %dma_wait3A_94 = arith.constant 0 : i32
      %dma_wait3A_95 = tpu.memref_slice %arg3[%dma_wait3A_93, %dma_wait3A_94] : memref<4096x128xf32, #tpu.memory_space<hbm>> -> memref<128x128xf32, #tpu.memory_space<hbm>>
      tpu.wait_dma2 semaphore(%arg13 : memref<!tpu.dma_semaphore, #tpu.memory_space<semaphore_mem>>) src(%dma_wait3A_95 : memref<128x128xf32, #tpu.memory_space<hbm>>) dst(%arg9 : memref<128x128xf32, #tpu.memory_space<vmem>>)
      %dma_wait3A_96 = arith.constant 0 : i32
      %dma_wait3A_97 = arith.constant 0 : i32
      %dma_wait3A_98 = tpu.memref_slice %arg4[%dma_wait3A_96, %dma_wait3A_97] : memref<4096x128xf32, #tpu.memory_space<hbm>> -> memref<128x128xf32, #tpu.memory_space<hbm>>
      %dma_wait3A_99 = arith.constant 0 : i32
      %dma_wait3A_100 = arith.constant 0 : i32
      %dma_wait3A_101 = tpu.memref_slice %arg4[%dma_wait3A_99, %dma_wait3A_100] : memref<4096x128xf32, #tpu.memory_space<hbm>> -> memref<128x128xf32, #tpu.memory_space<hbm>>
      tpu.wait_dma2 semaphore(%arg13 : memref<!tpu.dma_semaphore, #tpu.memory_space<semaphore_mem>>) src(%dma_wait3A_101 : memref<128x128xf32, #tpu.memory_space<hbm>>) dst(%arg11 : memref<128x128xf32, #tpu.memory_space<vmem>>)
      %mul3A_102 = arith.constant 2048 : i32
      %mul3A_103 = arith.muli %add3A, %mul3A_102 : i32
      %mul3A_104 = arith.constant 128 : i32
      %mul3A_105 = arith.muli %add3A_89, %mul3A_104 : i32
      %add3A_106 = arith.addi %mul3A_103, %mul3A_105 : i32
      %dma_start3A_107 = arith.constant 0 : i32
      %dma_start3A_108 = tpu.memref_slice %arg5[%add3A_106, %dma_start3A_107] : memref<65536x128xf32, #tpu.memory_space<hbm>> -> memref<128x128xf32, #tpu.memory_space<hbm>>
      %dma_start3A_109 = arith.constant 0 : i32
      %dma_start3A_110 = tpu.memref_slice %arg5[%add3A_106, %dma_start3A_109] : memref<65536x128xf32, #tpu.memory_space<hbm>> -> memref<128x128xf32, #tpu.memory_space<hbm>>
      tpu.enqueue_dma source(%arg9 : memref<128x128xf32, #tpu.memory_space<vmem>>) target(%dma_start3A_110 : memref<128x128xf32, #tpu.memory_space<hbm>>) target_semaphore(%arg15 : memref<!tpu.dma_semaphore, #tpu.memory_space<semaphore_mem>>)
      %dma_start3A_111 = arith.constant 0 : i32
      %dma_start3A_112 = tpu.memref_slice %arg6[%add3A_106, %dma_start3A_111] : memref<65536x128xf32, #tpu.memory_space<hbm>> -> memref<128x128xf32, #tpu.memory_space<hbm>>
      %dma_start3A_113 = arith.constant 0 : i32
      %dma_start3A_114 = tpu.memref_slice %arg6[%add3A_106, %dma_start3A_113] : memref<65536x128xf32, #tpu.memory_space<hbm>> -> memref<128x128xf32, #tpu.memory_space<hbm>>
      tpu.enqueue_dma source(%arg11 : memref<128x128xf32, #tpu.memory_space<vmem>>) target(%dma_start3A_114 : memref<128x128xf32, #tpu.memory_space<hbm>>) target_semaphore(%arg15 : memref<!tpu.dma_semaphore, #tpu.memory_space<semaphore_mem>>)
      %mul3A_115 = arith.constant 2 : i32
      %mul3A_116 = arith.muli %scan3A_56, %mul3A_115 : i32
      %add3A_117 = arith.constant 0 : i32
      %add3A_118 = arith.addi %mul3A_116, %add3A_117 : i32
      %add3A_119 = arith.constant 2 : i32
      %add3A_120 = arith.addi %add3A_118, %add3A_119 : i32
      %lt3A = arith.constant 16 : i32
      %lt3A_121 = arith.cmpi slt, %add3A_120, %lt3A : i32
      %convert_element_type3A = arith.extui %lt3A_121 : i1 to i32
      %cond3A = arith.constant 0 : i32
      %cond3A_122 = arith.cmpi ne, %convert_element_type3A, %cond3A : i32
      scf.if %cond3A_122 {
        %dma_wait3A_134 = arith.constant 0 : i32
        %dma_wait3A_135 = arith.constant 0 : i32
        %dma_wait3A_136 = tpu.memref_slice %arg5[%dma_wait3A_134, %dma_wait3A_135] : memref<65536x128xf32, #tpu.memory_space<hbm>> -> memref<128x128xf32, #tpu.memory_space<hbm>>
        %dma_wait3A_137 = arith.constant 0 : i32
        %dma_wait3A_138 = arith.constant 0 : i32
        %dma_wait3A_139 = tpu.memref_slice %arg5[%dma_wait3A_137, %dma_wait3A_138] : memref<65536x128xf32, #tpu.memory_space<hbm>> -> memref<128x128xf32, #tpu.memory_space<hbm>>
        tpu.wait_dma2 semaphore(%arg14 : memref<!tpu.dma_semaphore, #tpu.memory_space<semaphore_mem>>) src(%dma_wait3A_139 : memref<128x128xf32, #tpu.memory_space<hbm>>) dst(%arg8 : memref<128x128xf32, #tpu.memory_space<vmem>>)
        %dma_wait3A_140 = arith.constant 0 : i32
        %dma_wait3A_141 = arith.constant 0 : i32
        %dma_wait3A_142 = tpu.memref_slice %arg6[%dma_wait3A_140, %dma_wait3A_141] : memref<65536x128xf32, #tpu.memory_space<hbm>> -> memref<128x128xf32, #tpu.memory_space<hbm>>
        %dma_wait3A_143 = arith.constant 0 : i32
        %dma_wait3A_144 = arith.constant 0 : i32
        %dma_wait3A_145 = tpu.memref_slice %arg6[%dma_wait3A_143, %dma_wait3A_144] : memref<65536x128xf32, #tpu.memory_space<hbm>> -> memref<128x128xf32, #tpu.memory_space<hbm>>
        tpu.wait_dma2 semaphore(%arg14 : memref<!tpu.dma_semaphore, #tpu.memory_space<semaphore_mem>>) src(%dma_wait3A_145 : memref<128x128xf32, #tpu.memory_space<hbm>>) dst(%arg10 : memref<128x128xf32, #tpu.memory_space<vmem>>)
        %dma_start3A_146 = arith.constant 0 : i32
        %dma_start3A_147 = tpu.memref_slice %arg7[%add3A_120, %dma_start3A_146] : memref<16x128xi32, #tpu.memory_space<vmem>> -> memref<1x128xi32, #tpu.memory_space<vmem>>
        %dma_start3A_148 = tpu.memref_squeeze %dma_start3A_147 : memref<1x128xi32, #tpu.memory_space<vmem>> -> memref<128xi32, #tpu.memory_space<vmem>>
        %dma_start3A_149 = arith.constant 0 : i32
        %dma_start3A_150 = arith.constant 0 : i32
        %dma_start3A_151 = tpu.memref_slice %arg3[%dma_start3A_149, %dma_start3A_150] : memref<4096x128xf32, #tpu.memory_space<hbm>> -> memref<4096x128xf32, #tpu.memory_space<hbm>>
        tpu.enqueue_indirect_dma source(%dma_start3A_151 : memref<4096x128xf32, #tpu.memory_space<hbm>>) target(%arg8 : memref<128x128xf32, #tpu.memory_space<vmem>>) offsets(%dma_start3A_148 : memref<128xi32, #tpu.memory_space<vmem>>) semaphore(%arg12 : memref<!tpu.dma_semaphore, #tpu.memory_space<semaphore_mem>>)
        %dma_start3A_152 = arith.constant 0 : i32
        %dma_start3A_153 = tpu.memref_slice %arg7[%add3A_120, %dma_start3A_152] : memref<16x128xi32, #tpu.memory_space<vmem>> -> memref<1x128xi32, #tpu.memory_space<vmem>>
        %dma_start3A_154 = tpu.memref_squeeze %dma_start3A_153 : memref<1x128xi32, #tpu.memory_space<vmem>> -> memref<128xi32, #tpu.memory_space<vmem>>
        %dma_start3A_155 = arith.constant 0 : i32
        %dma_start3A_156 = arith.constant 0 : i32
        %dma_start3A_157 = tpu.memref_slice %arg4[%dma_start3A_155, %dma_start3A_156] : memref<4096x128xf32, #tpu.memory_space<hbm>> -> memref<4096x128xf32, #tpu.memory_space<hbm>>
        tpu.enqueue_indirect_dma source(%dma_start3A_157 : memref<4096x128xf32, #tpu.memory_space<hbm>>) target(%arg10 : memref<128x128xf32, #tpu.memory_space<vmem>>) offsets(%dma_start3A_154 : memref<128xi32, #tpu.memory_space<vmem>>) semaphore(%arg12 : memref<!tpu.dma_semaphore, #tpu.memory_space<semaphore_mem>>)
      } else {
      }
      %mul3A_123 = arith.constant 2 : i32
      %mul3A_124 = arith.muli %scan3A_56, %mul3A_123 : i32
      %add3A_125 = arith.constant 1 : i32
      %add3A_126 = arith.addi %mul3A_124, %add3A_125 : i32
      %add3A_127 = arith.constant 2 : i32
      %add3A_128 = arith.addi %add3A_126, %add3A_127 : i32
      %lt3A_129 = arith.constant 16 : i32
      %lt3A_130 = arith.cmpi slt, %add3A_128, %lt3A_129 : i32
      %convert_element_type3A_131 = arith.extui %lt3A_130 : i1 to i32
      %cond3A_132 = arith.constant 0 : i32
      %cond3A_133 = arith.cmpi ne, %convert_element_type3A_131, %cond3A_132 : i32
      scf.if %cond3A_133 {
        %dma_wait3A_134 = arith.constant 0 : i32
        %dma_wait3A_135 = arith.constant 0 : i32
        %dma_wait3A_136 = tpu.memref_slice %arg5[%dma_wait3A_134, %dma_wait3A_135] : memref<65536x128xf32, #tpu.memory_space<hbm>> -> memref<128x128xf32, #tpu.memory_space<hbm>>
        %dma_wait3A_137 = arith.constant 0 : i32
        %dma_wait3A_138 = arith.constant 0 : i32
        %dma_wait3A_139 = tpu.memref_slice %arg5[%dma_wait3A_137, %dma_wait3A_138] : memref<65536x128xf32, #tpu.memory_space<hbm>> -> memref<128x128xf32, #tpu.memory_space<hbm>>
        tpu.wait_dma2 semaphore(%arg15 : memref<!tpu.dma_semaphore, #tpu.memory_space<semaphore_mem>>) src(%dma_wait3A_139 : memref<128x128xf32, #tpu.memory_space<hbm>>) dst(%arg9 : memref<128x128xf32, #tpu.memory_space<vmem>>)
        %dma_wait3A_140 = arith.constant 0 : i32
        %dma_wait3A_141 = arith.constant 0 : i32
        %dma_wait3A_142 = tpu.memref_slice %arg6[%dma_wait3A_140, %dma_wait3A_141] : memref<65536x128xf32, #tpu.memory_space<hbm>> -> memref<128x128xf32, #tpu.memory_space<hbm>>
        %dma_wait3A_143 = arith.constant 0 : i32
        %dma_wait3A_144 = arith.constant 0 : i32
        %dma_wait3A_145 = tpu.memref_slice %arg6[%dma_wait3A_143, %dma_wait3A_144] : memref<65536x128xf32, #tpu.memory_space<hbm>> -> memref<128x128xf32, #tpu.memory_space<hbm>>
        tpu.wait_dma2 semaphore(%arg15 : memref<!tpu.dma_semaphore, #tpu.memory_space<semaphore_mem>>) src(%dma_wait3A_145 : memref<128x128xf32, #tpu.memory_space<hbm>>) dst(%arg11 : memref<128x128xf32, #tpu.memory_space<vmem>>)
        %dma_start3A_146 = arith.constant 0 : i32
        %dma_start3A_147 = tpu.memref_slice %arg7[%add3A_128, %dma_start3A_146] : memref<16x128xi32, #tpu.memory_space<vmem>> -> memref<1x128xi32, #tpu.memory_space<vmem>>
        %dma_start3A_148 = tpu.memref_squeeze %dma_start3A_147 : memref<1x128xi32, #tpu.memory_space<vmem>> -> memref<128xi32, #tpu.memory_space<vmem>>
        %dma_start3A_149 = arith.constant 0 : i32
        %dma_start3A_150 = arith.constant 0 : i32
        %dma_start3A_151 = tpu.memref_slice %arg3[%dma_start3A_149, %dma_start3A_150] : memref<4096x128xf32, #tpu.memory_space<hbm>> -> memref<4096x128xf32, #tpu.memory_space<hbm>>
        tpu.enqueue_indirect_dma source(%dma_start3A_151 : memref<4096x128xf32, #tpu.memory_space<hbm>>) target(%arg9 : memref<128x128xf32, #tpu.memory_space<vmem>>) offsets(%dma_start3A_148 : memref<128xi32, #tpu.memory_space<vmem>>) semaphore(%arg13 : memref<!tpu.dma_semaphore, #tpu.memory_space<semaphore_mem>>)
        %dma_start3A_152 = arith.constant 0 : i32
        %dma_start3A_153 = tpu.memref_slice %arg7[%add3A_128, %dma_start3A_152] : memref<16x128xi32, #tpu.memory_space<vmem>> -> memref<1x128xi32, #tpu.memory_space<vmem>>
        %dma_start3A_154 = tpu.memref_squeeze %dma_start3A_153 : memref<1x128xi32, #tpu.memory_space<vmem>> -> memref<128xi32, #tpu.memory_space<vmem>>
        %dma_start3A_155 = arith.constant 0 : i32
        %dma_start3A_156 = arith.constant 0 : i32
        %dma_start3A_157 = tpu.memref_slice %arg4[%dma_start3A_155, %dma_start3A_156] : memref<4096x128xf32, #tpu.memory_space<hbm>> -> memref<4096x128xf32, #tpu.memory_space<hbm>>
        tpu.enqueue_indirect_dma source(%dma_start3A_157 : memref<4096x128xf32, #tpu.memory_space<hbm>>) target(%arg11 : memref<128x128xf32, #tpu.memory_space<vmem>>) offsets(%dma_start3A_154 : memref<128xi32, #tpu.memory_space<vmem>>) semaphore(%arg13 : memref<!tpu.dma_semaphore, #tpu.memory_space<semaphore_mem>>)
      } else {
      }
    }
    %scan3A_32 = arith.constant 8 : i32
    %dma_wait3A = arith.constant 0 : i32
    %dma_wait3A_33 = arith.constant 0 : i32
    %dma_wait3A_34 = tpu.memref_slice %arg5[%dma_wait3A, %dma_wait3A_33] : memref<65536x128xf32, #tpu.memory_space<hbm>> -> memref<128x128xf32, #tpu.memory_space<hbm>>
    %dma_wait3A_35 = arith.constant 0 : i32
    %dma_wait3A_36 = arith.constant 0 : i32
    %dma_wait3A_37 = tpu.memref_slice %arg5[%dma_wait3A_35, %dma_wait3A_36] : memref<65536x128xf32, #tpu.memory_space<hbm>> -> memref<128x128xf32, #tpu.memory_space<hbm>>
    tpu.wait_dma2 semaphore(%arg14 : memref<!tpu.dma_semaphore, #tpu.memory_space<semaphore_mem>>) src(%dma_wait3A_37 : memref<128x128xf32, #tpu.memory_space<hbm>>) dst(%arg8 : memref<128x128xf32, #tpu.memory_space<vmem>>)
    %dma_wait3A_38 = arith.constant 0 : i32
    %dma_wait3A_39 = arith.constant 0 : i32
    %dma_wait3A_40 = tpu.memref_slice %arg6[%dma_wait3A_38, %dma_wait3A_39] : memref<65536x128xf32, #tpu.memory_space<hbm>> -> memref<128x128xf32, #tpu.memory_space<hbm>>
    %dma_wait3A_41 = arith.constant 0 : i32
    %dma_wait3A_42 = arith.constant 0 : i32
    %dma_wait3A_43 = tpu.memref_slice %arg6[%dma_wait3A_41, %dma_wait3A_42] : memref<65536x128xf32, #tpu.memory_space<hbm>> -> memref<128x128xf32, #tpu.memory_space<hbm>>
    tpu.wait_dma2 semaphore(%arg14 : memref<!tpu.dma_semaphore, #tpu.memory_space<semaphore_mem>>) src(%dma_wait3A_43 : memref<128x128xf32, #tpu.memory_space<hbm>>) dst(%arg10 : memref<128x128xf32, #tpu.memory_space<vmem>>)
    %dma_wait3A_44 = arith.constant 0 : i32
    %dma_wait3A_45 = arith.constant 0 : i32
    %dma_wait3A_46 = tpu.memref_slice %arg5[%dma_wait3A_44, %dma_wait3A_45] : memref<65536x128xf32, #tpu.memory_space<hbm>> -> memref<128x128xf32, #tpu.memory_space<hbm>>
    %dma_wait3A_47 = arith.constant 0 : i32
    %dma_wait3A_48 = arith.constant 0 : i32
    %dma_wait3A_49 = tpu.memref_slice %arg5[%dma_wait3A_47, %dma_wait3A_48] : memref<65536x128xf32, #tpu.memory_space<hbm>> -> memref<128x128xf32, #tpu.memory_space<hbm>>
    tpu.wait_dma2 semaphore(%arg15 : memref<!tpu.dma_semaphore, #tpu.memory_space<semaphore_mem>>) src(%dma_wait3A_49 : memref<128x128xf32, #tpu.memory_space<hbm>>) dst(%arg9 : memref<128x128xf32, #tpu.memory_space<vmem>>)
    %dma_wait3A_50 = arith.constant 0 : i32
    %dma_wait3A_51 = arith.constant 0 : i32
    %dma_wait3A_52 = tpu.memref_slice %arg6[%dma_wait3A_50, %dma_wait3A_51] : memref<65536x128xf32, #tpu.memory_space<hbm>> -> memref<128x128xf32, #tpu.memory_space<hbm>>
    %dma_wait3A_53 = arith.constant 0 : i32
    %dma_wait3A_54 = arith.constant 0 : i32
    %dma_wait3A_55 = tpu.memref_slice %arg6[%dma_wait3A_53, %dma_wait3A_54] : memref<65536x128xf32, #tpu.memory_space<hbm>> -> memref<128x128xf32, #tpu.memory_space<hbm>>
    tpu.wait_dma2 semaphore(%arg15 : memref<!tpu.dma_semaphore, #tpu.memory_space<semaphore_mem>>) src(%dma_wait3A_55 : memref<128x128xf32, #tpu.memory_space<hbm>>) dst(%arg11 : memref<128x128xf32, #tpu.memory_space<vmem>>)
    return
  }
}

#map = affine_map<(d0, d1) -> (0, 0, 0)>
#map1 = affine_map<(d0, d1) -> (0, 0)>
module attributes {stable_mosaic.version = 14 : i64} {
  func.func @_sc_gather_body(%arg0: i32, %arg1: i32, %arg2: memref<32x16x128xi32, #tpu.memory_space<hbm>>, %arg3: memref<4096x128xf32, #tpu.memory_space<hbm>>, %arg4: memref<4096x128xf32, #tpu.memory_space<hbm>>, %arg5: memref<65536x128xf32, #tpu.memory_space<hbm>>, %arg6: memref<65536x128xf32, #tpu.memory_space<hbm>>, %arg7: memref<16x128xi32, #tpu.memory_space<vmem>>, %arg8: memref<128x128xf32, #tpu.memory_space<vmem>>, %arg9: memref<128x128xf32, #tpu.memory_space<vmem>>, %arg10: memref<128x128xf32, #tpu.memory_space<vmem>>, %arg11: memref<128x128xf32, #tpu.memory_space<vmem>>, %arg12: memref<!tpu.dma_semaphore, #tpu.memory_space<semaphore_mem>>, %arg13: memref<!tpu.dma_semaphore, #tpu.memory_space<semaphore_mem>>, %arg14: memref<!tpu.dma_semaphore, #tpu.memory_space<semaphore_mem>>, %arg15: memref<!tpu.dma_semaphore, #tpu.memory_space<semaphore_mem>>) attributes {dimension_semantics = [#tpu.dimension_semantics<core_parallel>, #tpu.dimension_semantics<subcore_parallel>], iteration_bounds = array<i64: 2, 16>, scalar_prefetch = 0 : i64, scratch_operands = 9 : i64, tpu.core_type = #tpu.core_type<sc_vector_subcore>, window_params = [{transform_indices = #map}, {transform_indices = #map1}, {transform_indices = #map1}, {transform_indices = #map1}, {transform_indices = #map1}]} {
    %mul3A = arith.constant 2 : i32
    %mul3A_0 = arith.muli %arg1, %mul3A : i32
    %add3A = arith.addi %mul3A_0, %arg0 : i32
    "tpu.region"() ({
      %run_scoped3A = tpu.sem_alloc : memref<!tpu.dma_semaphore, #tpu.memory_space<semaphore_mem>>
      %dma_start3A_56 = arith.constant 0 : i32
      %dma_start3A_57 = arith.constant 0 : i32
      %dma_start3A_58 = tpu.memref_slice %arg2[%add3A, %dma_start3A_56, %dma_start3A_57] : memref<32x16x128xi32, #tpu.memory_space<hbm>> -> memref<1x16x128xi32, #tpu.memory_space<hbm>>
      %dma_start3A_59 = tpu.memref_squeeze %dma_start3A_58 : memref<1x16x128xi32, #tpu.memory_space<hbm>> -> memref<16x128xi32, #tpu.memory_space<hbm>>
      %dma_start3A_60 = arith.constant 0 : i32
      %dma_start3A_61 = arith.constant 0 : i32
      %dma_start3A_62 = tpu.memref_slice %arg2[%add3A, %dma_start3A_60, %dma_start3A_61] : memref<32x16x128xi32, #tpu.memory_space<hbm>> -> memref<1x16x128xi32, #tpu.memory_space<hbm>>
      %dma_start3A_63 = tpu.memref_squeeze %dma_start3A_62 : memref<1x16x128xi32, #tpu.memory_space<hbm>> -> memref<16x128xi32, #tpu.memory_space<hbm>>
      tpu.enqueue_dma source(%dma_start3A_63 : memref<16x128xi32, #tpu.memory_space<hbm>>) target(%arg7 : memref<16x128xi32, #tpu.memory_space<vmem>>) target_semaphore(%run_scoped3A : memref<!tpu.dma_semaphore, #tpu.memory_space<semaphore_mem>>)
      %dma_wait3A_64 = arith.constant 0 : i32
      %dma_wait3A_65 = arith.constant 0 : i32
      %dma_wait3A_66 = tpu.memref_slice %arg2[%add3A, %dma_wait3A_64, %dma_wait3A_65] : memref<32x16x128xi32, #tpu.memory_space<hbm>> -> memref<1x16x128xi32, #tpu.memory_space<hbm>>
      %dma_wait3A_67 = tpu.memref_squeeze %dma_wait3A_66 : memref<1x16x128xi32, #tpu.memory_space<hbm>> -> memref<16x128xi32, #tpu.memory_space<hbm>>
      %dma_wait3A_68 = arith.constant 0 : i32
      %dma_wait3A_69 = arith.constant 0 : i32
      %dma_wait3A_70 = tpu.memref_slice %arg2[%add3A, %dma_wait3A_68, %dma_wait3A_69] : memref<32x16x128xi32, #tpu.memory_space<hbm>> -> memref<1x16x128xi32, #tpu.memory_space<hbm>>
      %dma_wait3A_71 = tpu.memref_squeeze %dma_wait3A_70 : memref<1x16x128xi32, #tpu.memory_space<hbm>> -> memref<16x128xi32, #tpu.memory_space<hbm>>
      tpu.wait_dma2 semaphore(%run_scoped3A : memref<!tpu.dma_semaphore, #tpu.memory_space<semaphore_mem>>) src(%dma_wait3A_71 : memref<16x128xi32, #tpu.memory_space<hbm>>) dst(%arg7 : memref<16x128xi32, #tpu.memory_space<vmem>>)
      tpu.yield
    }) : () -> ()
    %dma_start3A = arith.constant 0 : i32
    %dma_start3A_1 = arith.constant 0 : i32
    %dma_start3A_2 = tpu.memref_slice %arg7[%dma_start3A, %dma_start3A_1] : memref<16x128xi32, #tpu.memory_space<vmem>> -> memref<1x128xi32, #tpu.memory_space<vmem>>
    %dma_start3A_3 = tpu.memref_squeeze %dma_start3A_2 : memref<1x128xi32, #tpu.memory_space<vmem>> -> memref<128xi32, #tpu.memory_space<vmem>>
    %dma_start3A_4 = arith.constant 0 : i32
    %dma_start3A_5 = arith.constant 0 : i32
    %dma_start3A_6 = tpu.memref_slice %arg3[%dma_start3A_4, %dma_start3A_5] : memref<4096x128xf32, #tpu.memory_space<hbm>> -> memref<4096x128xf32, #tpu.memory_space<hbm>>
    tpu.enqueue_indirect_dma source(%dma_start3A_6 : memref<4096x128xf32, #tpu.memory_space<hbm>>) target(%arg8 : memref<128x128xf32, #tpu.memory_space<vmem>>) offsets(%dma_start3A_3 : memref<128xi32, #tpu.memory_space<vmem>>) semaphore(%arg12 : memref<!tpu.dma_semaphore, #tpu.memory_space<semaphore_mem>>)
    %dma_start3A_7 = arith.constant 0 : i32
    %dma_start3A_8 = arith.constant 0 : i32
    %dma_start3A_9 = tpu.memref_slice %arg7[%dma_start3A_7, %dma_start3A_8] : memref<16x128xi32, #tpu.memory_space<vmem>> -> memref<1x128xi32, #tpu.memory_space<vmem>>
    %dma_start3A_10 = tpu.memref_squeeze %dma_start3A_9 : memref<1x128xi32, #tpu.memory_space<vmem>> -> memref<128xi32, #tpu.memory_space<vmem>>
    %dma_start3A_11 = arith.constant 0 : i32
    %dma_start3A_12 = arith.constant 0 : i32
    %dma_start3A_13 = tpu.memref_slice %arg4[%dma_start3A_11, %dma_start3A_12] : memref<4096x128xf32, #tpu.memory_space<hbm>> -> memref<4096x128xf32, #tpu.memory_space<hbm>>
    tpu.enqueue_indirect_dma source(%dma_start3A_13 : memref<4096x128xf32, #tpu.memory_space<hbm>>) target(%arg10 : memref<128x128xf32, #tpu.memory_space<vmem>>) offsets(%dma_start3A_10 : memref<128xi32, #tpu.memory_space<vmem>>) semaphore(%arg12 : memref<!tpu.dma_semaphore, #tpu.memory_space<semaphore_mem>>)
    %dma_start3A_14 = arith.constant 1 : i32
    %dma_start3A_15 = arith.constant 0 : i32
    %dma_start3A_16 = tpu.memref_slice %arg7[%dma_start3A_14, %dma_start3A_15] : memref<16x128xi32, #tpu.memory_space<vmem>> -> memref<1x128xi32, #tpu.memory_space<vmem>>
    %dma_start3A_17 = tpu.memref_squeeze %dma_start3A_16 : memref<1x128xi32, #tpu.memory_space<vmem>> -> memref<128xi32, #tpu.memory_space<vmem>>
    %dma_start3A_18 = arith.constant 0 : i32
    %dma_start3A_19 = arith.constant 0 : i32
    %dma_start3A_20 = tpu.memref_slice %arg3[%dma_start3A_18, %dma_start3A_19] : memref<4096x128xf32, #tpu.memory_space<hbm>> -> memref<4096x128xf32, #tpu.memory_space<hbm>>
    tpu.enqueue_indirect_dma source(%dma_start3A_20 : memref<4096x128xf32, #tpu.memory_space<hbm>>) target(%arg9 : memref<128x128xf32, #tpu.memory_space<vmem>>) offsets(%dma_start3A_17 : memref<128xi32, #tpu.memory_space<vmem>>) semaphore(%arg13 : memref<!tpu.dma_semaphore, #tpu.memory_space<semaphore_mem>>)
    %dma_start3A_21 = arith.constant 1 : i32
    %dma_start3A_22 = arith.constant 0 : i32
    %dma_start3A_23 = tpu.memref_slice %arg7[%dma_start3A_21, %dma_start3A_22] : memref<16x128xi32, #tpu.memory_space<vmem>> -> memref<1x128xi32, #tpu.memory_space<vmem>>
    %dma_start3A_24 = tpu.memref_squeeze %dma_start3A_23 : memref<1x128xi32, #tpu.memory_space<vmem>> -> memref<128xi32, #tpu.memory_space<vmem>>
    %dma_start3A_25 = arith.constant 0 : i32
    %dma_start3A_26 = arith.constant 0 : i32
    %dma_start3A_27 = tpu.memref_slice %arg4[%dma_start3A_25, %dma_start3A_26] : memref<4096x128xf32, #tpu.memory_space<hbm>> -> memref<4096x128xf32, #tpu.memory_space<hbm>>
    tpu.enqueue_indirect_dma source(%dma_start3A_27 : memref<4096x128xf32, #tpu.memory_space<hbm>>) target(%arg11 : memref<128x128xf32, #tpu.memory_space<vmem>>) offsets(%dma_start3A_24 : memref<128xi32, #tpu.memory_space<vmem>>) semaphore(%arg13 : memref<!tpu.dma_semaphore, #tpu.memory_space<semaphore_mem>>)
    %scan3A = arith.constant 0 : i32
    %scan3A_28 = arith.constant 0 : i32
    %scan3A_29 = arith.constant 8 : i32
    %scan3A_30 = arith.addi %scan3A_28, %scan3A_29 : i32
    %scan3A_31 = arith.constant 1 : i32
    scf.for %scan3A_56 = %scan3A_28 to %scan3A_30 step %scan3A_31  : i32 {
      %mul3A_57 = arith.constant 2 : i32
      %mul3A_58 = arith.muli %scan3A_56, %mul3A_57 : i32
      %add3A_59 = arith.constant 0 : i32
      %add3A_60 = arith.addi %mul3A_58, %add3A_59 : i32
      %dma_wait3A_61 = arith.constant 0 : i32
      %dma_wait3A_62 = arith.constant 0 : i32
      %dma_wait3A_63 = tpu.memref_slice %arg3[%dma_wait3A_61, %dma_wait3A_62] : memref<4096x128xf32, #tpu.memory_space<hbm>> -> memref<128x128xf32, #tpu.memory_space<hbm>>
      %dma_wait3A_64 = arith.constant 0 : i32
      %dma_wait3A_65 = arith.constant 0 : i32
      %dma_wait3A_66 = tpu.memref_slice %arg3[%dma_wait3A_64, %dma_wait3A_65] : memref<4096x128xf32, #tpu.memory_space<hbm>> -> memref<128x128xf32, #tpu.memory_space<hbm>>
      tpu.wait_dma2 semaphore(%arg12 : memref<!tpu.dma_semaphore, #tpu.memory_space<semaphore_mem>>) src(%dma_wait3A_66 : memref<128x128xf32, #tpu.memory_space<hbm>>) dst(%arg8 : memref<128x128xf32, #tpu.memory_space<vmem>>)
      %dma_wait3A_67 = arith.constant 0 : i32
      %dma_wait3A_68 = arith.constant 0 : i32
      %dma_wait3A_69 = tpu.memref_slice %arg4[%dma_wait3A_67, %dma_wait3A_68] : memref<4096x128xf32, #tpu.memory_space<hbm>> -> memref<128x128xf32, #tpu.memory_space<hbm>>
      %dma_wait3A_70 = arith.constant 0 : i32
      %dma_wait3A_71 = arith.constant 0 : i32
      %dma_wait3A_72 = tpu.memref_slice %arg4[%dma_wait3A_70, %dma_wait3A_71] : memref<4096x128xf32, #tpu.memory_space<hbm>> -> memref<128x128xf32, #tpu.memory_space<hbm>>
      tpu.wait_dma2 semaphore(%arg12 : memref<!tpu.dma_semaphore, #tpu.memory_space<semaphore_mem>>) src(%dma_wait3A_72 : memref<128x128xf32, #tpu.memory_space<hbm>>) dst(%arg10 : memref<128x128xf32, #tpu.memory_space<vmem>>)
      %mul3A_73 = arith.constant 2048 : i32
      %mul3A_74 = arith.muli %add3A, %mul3A_73 : i32
      %mul3A_75 = arith.constant 128 : i32
      %mul3A_76 = arith.muli %add3A_60, %mul3A_75 : i32
      %add3A_77 = arith.addi %mul3A_74, %mul3A_76 : i32
      %dma_start3A_78 = arith.constant 0 : i32
      %dma_start3A_79 = tpu.memref_slice %arg5[%add3A_77, %dma_start3A_78] : memref<65536x128xf32, #tpu.memory_space<hbm>> -> memref<128x128xf32, #tpu.memory_space<hbm>>
      %dma_start3A_80 = arith.constant 0 : i32
      %dma_start3A_81 = tpu.memref_slice %arg5[%add3A_77, %dma_start3A_80] : memref<65536x128xf32, #tpu.memory_space<hbm>> -> memref<128x128xf32, #tpu.memory_space<hbm>>
      tpu.enqueue_dma source(%arg8 : memref<128x128xf32, #tpu.memory_space<vmem>>) target(%dma_start3A_81 : memref<128x128xf32, #tpu.memory_space<hbm>>) target_semaphore(%arg14 : memref<!tpu.dma_semaphore, #tpu.memory_space<semaphore_mem>>)
      %dma_start3A_82 = arith.constant 0 : i32
      %dma_start3A_83 = tpu.memref_slice %arg6[%add3A_77, %dma_start3A_82] : memref<65536x128xf32, #tpu.memory_space<hbm>> -> memref<128x128xf32, #tpu.memory_space<hbm>>
      %dma_start3A_84 = arith.constant 0 : i32
      %dma_start3A_85 = tpu.memref_slice %arg6[%add3A_77, %dma_start3A_84] : memref<65536x128xf32, #tpu.memory_space<hbm>> -> memref<128x128xf32, #tpu.memory_space<hbm>>
      tpu.enqueue_dma source(%arg10 : memref<128x128xf32, #tpu.memory_space<vmem>>) target(%dma_start3A_85 : memref<128x128xf32, #tpu.memory_space<hbm>>) target_semaphore(%arg14 : memref<!tpu.dma_semaphore, #tpu.memory_space<semaphore_mem>>)
      %mul3A_86 = arith.constant 2 : i32
      %mul3A_87 = arith.muli %scan3A_56, %mul3A_86 : i32
      %add3A_88 = arith.constant 1 : i32
      %add3A_89 = arith.addi %mul3A_87, %add3A_88 : i32
      %dma_wait3A_90 = arith.constant 0 : i32
      %dma_wait3A_91 = arith.constant 0 : i32
      %dma_wait3A_92 = tpu.memref_slice %arg3[%dma_wait3A_90, %dma_wait3A_91] : memref<4096x128xf32, #tpu.memory_space<hbm>> -> memref<128x128xf32, #tpu.memory_space<hbm>>
      %dma_wait3A_93 = arith.constant 0 : i32
      %dma_wait3A_94 = arith.constant 0 : i32
      %dma_wait3A_95 = tpu.memref_slice %arg3[%dma_wait3A_93, %dma_wait3A_94] : memref<4096x128xf32, #tpu.memory_space<hbm>> -> memref<128x128xf32, #tpu.memory_space<hbm>>
      tpu.wait_dma2 semaphore(%arg13 : memref<!tpu.dma_semaphore, #tpu.memory_space<semaphore_mem>>) src(%dma_wait3A_95 : memref<128x128xf32, #tpu.memory_space<hbm>>) dst(%arg9 : memref<128x128xf32, #tpu.memory_space<vmem>>)
      %dma_wait3A_96 = arith.constant 0 : i32
      %dma_wait3A_97 = arith.constant 0 : i32
      %dma_wait3A_98 = tpu.memref_slice %arg4[%dma_wait3A_96, %dma_wait3A_97] : memref<4096x128xf32, #tpu.memory_space<hbm>> -> memref<128x128xf32, #tpu.memory_space<hbm>>
      %dma_wait3A_99 = arith.constant 0 : i32
      %dma_wait3A_100 = arith.constant 0 : i32
      %dma_wait3A_101 = tpu.memref_slice %arg4[%dma_wait3A_99, %dma_wait3A_100] : memref<4096x128xf32, #tpu.memory_space<hbm>> -> memref<128x128xf32, #tpu.memory_space<hbm>>
      tpu.wait_dma2 semaphore(%arg13 : memref<!tpu.dma_semaphore, #tpu.memory_space<semaphore_mem>>) src(%dma_wait3A_101 : memref<128x128xf32, #tpu.memory_space<hbm>>) dst(%arg11 : memref<128x128xf32, #tpu.memory_space<vmem>>)
      %mul3A_102 = arith.constant 2048 : i32
      %mul3A_103 = arith.muli %add3A, %mul3A_102 : i32
      %mul3A_104 = arith.constant 128 : i32
      %mul3A_105 = arith.muli %add3A_89, %mul3A_104 : i32
      %add3A_106 = arith.addi %mul3A_103, %mul3A_105 : i32
      %dma_start3A_107 = arith.constant 0 : i32
      %dma_start3A_108 = tpu.memref_slice %arg5[%add3A_106, %dma_start3A_107] : memref<65536x128xf32, #tpu.memory_space<hbm>> -> memref<128x128xf32, #tpu.memory_space<hbm>>
      %dma_start3A_109 = arith.constant 0 : i32
      %dma_start3A_110 = tpu.memref_slice %arg5[%add3A_106, %dma_start3A_109] : memref<65536x128xf32, #tpu.memory_space<hbm>> -> memref<128x128xf32, #tpu.memory_space<hbm>>
      tpu.enqueue_dma source(%arg9 : memref<128x128xf32, #tpu.memory_space<vmem>>) target(%dma_start3A_110 : memref<128x128xf32, #tpu.memory_space<hbm>>) target_semaphore(%arg15 : memref<!tpu.dma_semaphore, #tpu.memory_space<semaphore_mem>>)
      %dma_start3A_111 = arith.constant 0 : i32
      %dma_start3A_112 = tpu.memref_slice %arg6[%add3A_106, %dma_start3A_111] : memref<65536x128xf32, #tpu.memory_space<hbm>> -> memref<128x128xf32, #tpu.memory_space<hbm>>
      %dma_start3A_113 = arith.constant 0 : i32
      %dma_start3A_114 = tpu.memref_slice %arg6[%add3A_106, %dma_start3A_113] : memref<65536x128xf32, #tpu.memory_space<hbm>> -> memref<128x128xf32, #tpu.memory_space<hbm>>
      tpu.enqueue_dma source(%arg11 : memref<128x128xf32, #tpu.memory_space<vmem>>) target(%dma_start3A_114 : memref<128x128xf32, #tpu.memory_space<hbm>>) target_semaphore(%arg15 : memref<!tpu.dma_semaphore, #tpu.memory_space<semaphore_mem>>)
      %mul3A_115 = arith.constant 2 : i32
      %mul3A_116 = arith.muli %scan3A_56, %mul3A_115 : i32
      %add3A_117 = arith.constant 0 : i32
      %add3A_118 = arith.addi %mul3A_116, %add3A_117 : i32
      %add3A_119 = arith.constant 2 : i32
      %add3A_120 = arith.addi %add3A_118, %add3A_119 : i32
      %lt3A = arith.constant 16 : i32
      %lt3A_121 = arith.cmpi slt, %add3A_120, %lt3A : i32
      %convert_element_type3A = arith.extui %lt3A_121 : i1 to i32
      %cond3A = arith.constant 0 : i32
      %cond3A_122 = arith.cmpi ne, %convert_element_type3A, %cond3A : i32
      scf.if %cond3A_122 {
        %dma_wait3A_134 = arith.constant 0 : i32
        %dma_wait3A_135 = arith.constant 0 : i32
        %dma_wait3A_136 = tpu.memref_slice %arg5[%dma_wait3A_134, %dma_wait3A_135] : memref<65536x128xf32, #tpu.memory_space<hbm>> -> memref<128x128xf32, #tpu.memory_space<hbm>>
        %dma_wait3A_137 = arith.constant 0 : i32
        %dma_wait3A_138 = arith.constant 0 : i32
        %dma_wait3A_139 = tpu.memref_slice %arg5[%dma_wait3A_137, %dma_wait3A_138] : memref<65536x128xf32, #tpu.memory_space<hbm>> -> memref<128x128xf32, #tpu.memory_space<hbm>>
        tpu.wait_dma2 semaphore(%arg14 : memref<!tpu.dma_semaphore, #tpu.memory_space<semaphore_mem>>) src(%dma_wait3A_139 : memref<128x128xf32, #tpu.memory_space<hbm>>) dst(%arg8 : memref<128x128xf32, #tpu.memory_space<vmem>>)
        %dma_wait3A_140 = arith.constant 0 : i32
        %dma_wait3A_141 = arith.constant 0 : i32
        %dma_wait3A_142 = tpu.memref_slice %arg6[%dma_wait3A_140, %dma_wait3A_141] : memref<65536x128xf32, #tpu.memory_space<hbm>> -> memref<128x128xf32, #tpu.memory_space<hbm>>
        %dma_wait3A_143 = arith.constant 0 : i32
        %dma_wait3A_144 = arith.constant 0 : i32
        %dma_wait3A_145 = tpu.memref_slice %arg6[%dma_wait3A_143, %dma_wait3A_144] : memref<65536x128xf32, #tpu.memory_space<hbm>> -> memref<128x128xf32, #tpu.memory_space<hbm>>
        tpu.wait_dma2 semaphore(%arg14 : memref<!tpu.dma_semaphore, #tpu.memory_space<semaphore_mem>>) src(%dma_wait3A_145 : memref<128x128xf32, #tpu.memory_space<hbm>>) dst(%arg10 : memref<128x128xf32, #tpu.memory_space<vmem>>)
        %dma_start3A_146 = arith.constant 0 : i32
        %dma_start3A_147 = tpu.memref_slice %arg7[%add3A_120, %dma_start3A_146] : memref<16x128xi32, #tpu.memory_space<vmem>> -> memref<1x128xi32, #tpu.memory_space<vmem>>
        %dma_start3A_148 = tpu.memref_squeeze %dma_start3A_147 : memref<1x128xi32, #tpu.memory_space<vmem>> -> memref<128xi32, #tpu.memory_space<vmem>>
        %dma_start3A_149 = arith.constant 0 : i32
        %dma_start3A_150 = arith.constant 0 : i32
        %dma_start3A_151 = tpu.memref_slice %arg3[%dma_start3A_149, %dma_start3A_150] : memref<4096x128xf32, #tpu.memory_space<hbm>> -> memref<4096x128xf32, #tpu.memory_space<hbm>>
        tpu.enqueue_indirect_dma source(%dma_start3A_151 : memref<4096x128xf32, #tpu.memory_space<hbm>>) target(%arg8 : memref<128x128xf32, #tpu.memory_space<vmem>>) offsets(%dma_start3A_148 : memref<128xi32, #tpu.memory_space<vmem>>) semaphore(%arg12 : memref<!tpu.dma_semaphore, #tpu.memory_space<semaphore_mem>>)
        %dma_start3A_152 = arith.constant 0 : i32
        %dma_start3A_153 = tpu.memref_slice %arg7[%add3A_120, %dma_start3A_152] : memref<16x128xi32, #tpu.memory_space<vmem>> -> memref<1x128xi32, #tpu.memory_space<vmem>>
        %dma_start3A_154 = tpu.memref_squeeze %dma_start3A_153 : memref<1x128xi32, #tpu.memory_space<vmem>> -> memref<128xi32, #tpu.memory_space<vmem>>
        %dma_start3A_155 = arith.constant 0 : i32
        %dma_start3A_156 = arith.constant 0 : i32
        %dma_start3A_157 = tpu.memref_slice %arg4[%dma_start3A_155, %dma_start3A_156] : memref<4096x128xf32, #tpu.memory_space<hbm>> -> memref<4096x128xf32, #tpu.memory_space<hbm>>
        tpu.enqueue_indirect_dma source(%dma_start3A_157 : memref<4096x128xf32, #tpu.memory_space<hbm>>) target(%arg10 : memref<128x128xf32, #tpu.memory_space<vmem>>) offsets(%dma_start3A_154 : memref<128xi32, #tpu.memory_space<vmem>>) semaphore(%arg12 : memref<!tpu.dma_semaphore, #tpu.memory_space<semaphore_mem>>)
      } else {
      }
      %mul3A_123 = arith.constant 2 : i32
      %mul3A_124 = arith.muli %scan3A_56, %mul3A_123 : i32
      %add3A_125 = arith.constant 1 : i32
      %add3A_126 = arith.addi %mul3A_124, %add3A_125 : i32
      %add3A_127 = arith.constant 2 : i32
      %add3A_128 = arith.addi %add3A_126, %add3A_127 : i32
      %lt3A_129 = arith.constant 16 : i32
      %lt3A_130 = arith.cmpi slt, %add3A_128, %lt3A_129 : i32
      %convert_element_type3A_131 = arith.extui %lt3A_130 : i1 to i32
      %cond3A_132 = arith.constant 0 : i32
      %cond3A_133 = arith.cmpi ne, %convert_element_type3A_131, %cond3A_132 : i32
      scf.if %cond3A_133 {
        %dma_wait3A_134 = arith.constant 0 : i32
        %dma_wait3A_135 = arith.constant 0 : i32
        %dma_wait3A_136 = tpu.memref_slice %arg5[%dma_wait3A_134, %dma_wait3A_135] : memref<65536x128xf32, #tpu.memory_space<hbm>> -> memref<128x128xf32, #tpu.memory_space<hbm>>
        %dma_wait3A_137 = arith.constant 0 : i32
        %dma_wait3A_138 = arith.constant 0 : i32
        %dma_wait3A_139 = tpu.memref_slice %arg5[%dma_wait3A_137, %dma_wait3A_138] : memref<65536x128xf32, #tpu.memory_space<hbm>> -> memref<128x128xf32, #tpu.memory_space<hbm>>
        tpu.wait_dma2 semaphore(%arg15 : memref<!tpu.dma_semaphore, #tpu.memory_space<semaphore_mem>>) src(%dma_wait3A_139 : memref<128x128xf32, #tpu.memory_space<hbm>>) dst(%arg9 : memref<128x128xf32, #tpu.memory_space<vmem>>)
        %dma_wait3A_140 = arith.constant 0 : i32
        %dma_wait3A_141 = arith.constant 0 : i32
        %dma_wait3A_142 = tpu.memref_slice %arg6[%dma_wait3A_140, %dma_wait3A_141] : memref<65536x128xf32, #tpu.memory_space<hbm>> -> memref<128x128xf32, #tpu.memory_space<hbm>>
        %dma_wait3A_143 = arith.constant 0 : i32
        %dma_wait3A_144 = arith.constant 0 : i32
        %dma_wait3A_145 = tpu.memref_slice %arg6[%dma_wait3A_143, %dma_wait3A_144] : memref<65536x128xf32, #tpu.memory_space<hbm>> -> memref<128x128xf32, #tpu.memory_space<hbm>>
        tpu.wait_dma2 semaphore(%arg15 : memref<!tpu.dma_semaphore, #tpu.memory_space<semaphore_mem>>) src(%dma_wait3A_145 : memref<128x128xf32, #tpu.memory_space<hbm>>) dst(%arg11 : memref<128x128xf32, #tpu.memory_space<vmem>>)
        %dma_start3A_146 = arith.constant 0 : i32
        %dma_start3A_147 = tpu.memref_slice %arg7[%add3A_128, %dma_start3A_146] : memref<16x128xi32, #tpu.memory_space<vmem>> -> memref<1x128xi32, #tpu.memory_space<vmem>>
        %dma_start3A_148 = tpu.memref_squeeze %dma_start3A_147 : memref<1x128xi32, #tpu.memory_space<vmem>> -> memref<128xi32, #tpu.memory_space<vmem>>
        %dma_start3A_149 = arith.constant 0 : i32
        %dma_start3A_150 = arith.constant 0 : i32
        %dma_start3A_151 = tpu.memref_slice %arg3[%dma_start3A_149, %dma_start3A_150] : memref<4096x128xf32, #tpu.memory_space<hbm>> -> memref<4096x128xf32, #tpu.memory_space<hbm>>
        tpu.enqueue_indirect_dma source(%dma_start3A_151 : memref<4096x128xf32, #tpu.memory_space<hbm>>) target(%arg9 : memref<128x128xf32, #tpu.memory_space<vmem>>) offsets(%dma_start3A_148 : memref<128xi32, #tpu.memory_space<vmem>>) semaphore(%arg13 : memref<!tpu.dma_semaphore, #tpu.memory_space<semaphore_mem>>)
        %dma_start3A_152 = arith.constant 0 : i32
        %dma_start3A_153 = tpu.memref_slice %arg7[%add3A_128, %dma_start3A_152] : memref<16x128xi32, #tpu.memory_space<vmem>> -> memref<1x128xi32, #tpu.memory_space<vmem>>
        %dma_start3A_154 = tpu.memref_squeeze %dma_start3A_153 : memref<1x128xi32, #tpu.memory_space<vmem>> -> memref<128xi32, #tpu.memory_space<vmem>>
        %dma_start3A_155 = arith.constant 0 : i32
        %dma_start3A_156 = arith.constant 0 : i32
        %dma_start3A_157 = tpu.memref_slice %arg4[%dma_start3A_155, %dma_start3A_156] : memref<4096x128xf32, #tpu.memory_space<hbm>> -> memref<4096x128xf32, #tpu.memory_space<hbm>>
        tpu.enqueue_indirect_dma source(%dma_start3A_157 : memref<4096x128xf32, #tpu.memory_space<hbm>>) target(%arg11 : memref<128x128xf32, #tpu.memory_space<vmem>>) offsets(%dma_start3A_154 : memref<128xi32, #tpu.memory_space<vmem>>) semaphore(%arg13 : memref<!tpu.dma_semaphore, #tpu.memory_space<semaphore_mem>>)
      } else {
      }
    }
    %scan3A_32 = arith.constant 8 : i32
    %dma_wait3A = arith.constant 0 : i32
    %dma_wait3A_33 = arith.constant 0 : i32
    %dma_wait3A_34 = tpu.memref_slice %arg5[%dma_wait3A, %dma_wait3A_33] : memref<65536x128xf32, #tpu.memory_space<hbm>> -> memref<128x128xf32, #tpu.memory_space<hbm>>
    %dma_wait3A_35 = arith.constant 0 : i32
    %dma_wait3A_36 = arith.constant 0 : i32
    %dma_wait3A_37 = tpu.memref_slice %arg5[%dma_wait3A_35, %dma_wait3A_36] : memref<65536x128xf32, #tpu.memory_space<hbm>> -> memref<128x128xf32, #tpu.memory_space<hbm>>
    tpu.wait_dma2 semaphore(%arg14 : memref<!tpu.dma_semaphore, #tpu.memory_space<semaphore_mem>>) src(%dma_wait3A_37 : memref<128x128xf32, #tpu.memory_space<hbm>>) dst(%arg8 : memref<128x128xf32, #tpu.memory_space<vmem>>)
    %dma_wait3A_38 = arith.constant 0 : i32
    %dma_wait3A_39 = arith.constant 0 : i32
    %dma_wait3A_40 = tpu.memref_slice %arg6[%dma_wait3A_38, %dma_wait3A_39] : memref<65536x128xf32, #tpu.memory_space<hbm>> -> memref<128x128xf32, #tpu.memory_space<hbm>>
    %dma_wait3A_41 = arith.constant 0 : i32
    %dma_wait3A_42 = arith.constant 0 : i32
    %dma_wait3A_43 = tpu.memref_slice %arg6[%dma_wait3A_41, %dma_wait3A_42] : memref<65536x128xf32, #tpu.memory_space<hbm>> -> memref<128x128xf32, #tpu.memory_space<hbm>>
    tpu.wait_dma2 semaphore(%arg14 : memref<!tpu.dma_semaphore, #tpu.memory_space<semaphore_mem>>) src(%dma_wait3A_43 : memref<128x128xf32, #tpu.memory_space<hbm>>) dst(%arg10 : memref<128x128xf32, #tpu.memory_space<vmem>>)
    %dma_wait3A_44 = arith.constant 0 : i32
    %dma_wait3A_45 = arith.constant 0 : i32
    %dma_wait3A_46 = tpu.memref_slice %arg5[%dma_wait3A_44, %dma_wait3A_45] : memref<65536x128xf32, #tpu.memory_space<hbm>> -> memref<128x128xf32, #tpu.memory_space<hbm>>
    %dma_wait3A_47 = arith.constant 0 : i32
    %dma_wait3A_48 = arith.constant 0 : i32
    %dma_wait3A_49 = tpu.memref_slice %arg5[%dma_wait3A_47, %dma_wait3A_48] : memref<65536x128xf32, #tpu.memory_space<hbm>> -> memref<128x128xf32, #tpu.memory_space<hbm>>
    tpu.wait_dma2 semaphore(%arg15 : memref<!tpu.dma_semaphore, #tpu.memory_space<semaphore_mem>>) src(%dma_wait3A_49 : memref<128x128xf32, #tpu.memory_space<hbm>>) dst(%arg9 : memref<128x128xf32, #tpu.memory_space<vmem>>)
    %dma_wait3A_50 = arith.constant 0 : i32
    %dma_wait3A_51 = arith.constant 0 : i32
    %dma_wait3A_52 = tpu.memref_slice %arg6[%dma_wait3A_50, %dma_wait3A_51] : memref<65536x128xf32, #tpu.memory_space<hbm>> -> memref<128x128xf32, #tpu.memory_space<hbm>>
    %dma_wait3A_53 = arith.constant 0 : i32
    %dma_wait3A_54 = arith.constant 0 : i32
    %dma_wait3A_55 = tpu.memref_slice %arg6[%dma_wait3A_53, %dma_wait3A_54] : memref<65536x128xf32, #tpu.memory_space<hbm>> -> memref<128x128xf32, #tpu.memory_space<hbm>>
    tpu.wait_dma2 semaphore(%arg15 : memref<!tpu.dma_semaphore, #tpu.memory_space<semaphore_mem>>) src(%dma_wait3A_55 : memref<128x128xf32, #tpu.memory_space<hbm>>) dst(%arg11 : memref<128x128xf32, #tpu.memory_space<vmem>>)
    return
  }
}

#map = affine_map<(d0, d1) -> (0, 0, 0)>
#map1 = affine_map<(d0, d1) -> (0, 0)>
module attributes {stable_mosaic.version = 14 : i64} {
  func.func @_sc_gather_body(%arg0: i32, %arg1: i32, %arg2: memref<32x16x128xi32, #tpu.memory_space<hbm>>, %arg3: memref<4096x128xf32, #tpu.memory_space<hbm>>, %arg4: memref<4096x128xf32, #tpu.memory_space<hbm>>, %arg5: memref<65536x128xf32, #tpu.memory_space<hbm>>, %arg6: memref<65536x128xf32, #tpu.memory_space<hbm>>, %arg7: memref<16x128xi32, #tpu.memory_space<vmem>>, %arg8: memref<128x128xf32, #tpu.memory_space<vmem>>, %arg9: memref<128x128xf32, #tpu.memory_space<vmem>>, %arg10: memref<128x128xf32, #tpu.memory_space<vmem>>, %arg11: memref<128x128xf32, #tpu.memory_space<vmem>>, %arg12: memref<!tpu.dma_semaphore, #tpu.memory_space<semaphore_mem>>, %arg13: memref<!tpu.dma_semaphore, #tpu.memory_space<semaphore_mem>>, %arg14: memref<!tpu.dma_semaphore, #tpu.memory_space<semaphore_mem>>, %arg15: memref<!tpu.dma_semaphore, #tpu.memory_space<semaphore_mem>>) attributes {dimension_semantics = [#tpu.dimension_semantics<core_parallel>, #tpu.dimension_semantics<subcore_parallel>], iteration_bounds = array<i64: 2, 16>, scalar_prefetch = 0 : i64, scratch_operands = 9 : i64, tpu.core_type = #tpu.core_type<sc_vector_subcore>, window_params = [{transform_indices = #map}, {transform_indices = #map1}, {transform_indices = #map1}, {transform_indices = #map1}, {transform_indices = #map1}]} {
    %mul3A = arith.constant 2 : i32
    %mul3A_0 = arith.muli %arg1, %mul3A : i32
    %add3A = arith.addi %mul3A_0, %arg0 : i32
    "tpu.region"() ({
      %run_scoped3A = tpu.sem_alloc : memref<!tpu.dma_semaphore, #tpu.memory_space<semaphore_mem>>
      %dma_start3A_56 = arith.constant 0 : i32
      %dma_start3A_57 = arith.constant 0 : i32
      %dma_start3A_58 = tpu.memref_slice %arg2[%add3A, %dma_start3A_56, %dma_start3A_57] : memref<32x16x128xi32, #tpu.memory_space<hbm>> -> memref<1x16x128xi32, #tpu.memory_space<hbm>>
      %dma_start3A_59 = tpu.memref_squeeze %dma_start3A_58 : memref<1x16x128xi32, #tpu.memory_space<hbm>> -> memref<16x128xi32, #tpu.memory_space<hbm>>
      %dma_start3A_60 = arith.constant 0 : i32
      %dma_start3A_61 = arith.constant 0 : i32
      %dma_start3A_62 = tpu.memref_slice %arg2[%add3A, %dma_start3A_60, %dma_start3A_61] : memref<32x16x128xi32, #tpu.memory_space<hbm>> -> memref<1x16x128xi32, #tpu.memory_space<hbm>>
      %dma_start3A_63 = tpu.memref_squeeze %dma_start3A_62 : memref<1x16x128xi32, #tpu.memory_space<hbm>> -> memref<16x128xi32, #tpu.memory_space<hbm>>
      tpu.enqueue_dma source(%dma_start3A_63 : memref<16x128xi32, #tpu.memory_space<hbm>>) target(%arg7 : memref<16x128xi32, #tpu.memory_space<vmem>>) target_semaphore(%run_scoped3A : memref<!tpu.dma_semaphore, #tpu.memory_space<semaphore_mem>>)
      %dma_wait3A_64 = arith.constant 0 : i32
      %dma_wait3A_65 = arith.constant 0 : i32
      %dma_wait3A_66 = tpu.memref_slice %arg2[%add3A, %dma_wait3A_64, %dma_wait3A_65] : memref<32x16x128xi32, #tpu.memory_space<hbm>> -> memref<1x16x128xi32, #tpu.memory_space<hbm>>
      %dma_wait3A_67 = tpu.memref_squeeze %dma_wait3A_66 : memref<1x16x128xi32, #tpu.memory_space<hbm>> -> memref<16x128xi32, #tpu.memory_space<hbm>>
      %dma_wait3A_68 = arith.constant 0 : i32
      %dma_wait3A_69 = arith.constant 0 : i32
      %dma_wait3A_70 = tpu.memref_slice %arg2[%add3A, %dma_wait3A_68, %dma_wait3A_69] : memref<32x16x128xi32, #tpu.memory_space<hbm>> -> memref<1x16x128xi32, #tpu.memory_space<hbm>>
      %dma_wait3A_71 = tpu.memref_squeeze %dma_wait3A_70 : memref<1x16x128xi32, #tpu.memory_space<hbm>> -> memref<16x128xi32, #tpu.memory_space<hbm>>
      tpu.wait_dma2 semaphore(%run_scoped3A : memref<!tpu.dma_semaphore, #tpu.memory_space<semaphore_mem>>) src(%dma_wait3A_71 : memref<16x128xi32, #tpu.memory_space<hbm>>) dst(%arg7 : memref<16x128xi32, #tpu.memory_space<vmem>>)
      tpu.yield
    }) : () -> ()
    %dma_start3A = arith.constant 0 : i32
    %dma_start3A_1 = arith.constant 0 : i32
    %dma_start3A_2 = tpu.memref_slice %arg7[%dma_start3A, %dma_start3A_1] : memref<16x128xi32, #tpu.memory_space<vmem>> -> memref<1x128xi32, #tpu.memory_space<vmem>>
    %dma_start3A_3 = tpu.memref_squeeze %dma_start3A_2 : memref<1x128xi32, #tpu.memory_space<vmem>> -> memref<128xi32, #tpu.memory_space<vmem>>
    %dma_start3A_4 = arith.constant 0 : i32
    %dma_start3A_5 = arith.constant 0 : i32
    %dma_start3A_6 = tpu.memref_slice %arg3[%dma_start3A_4, %dma_start3A_5] : memref<4096x128xf32, #tpu.memory_space<hbm>> -> memref<4096x128xf32, #tpu.memory_space<hbm>>
    tpu.enqueue_indirect_dma source(%dma_start3A_6 : memref<4096x128xf32, #tpu.memory_space<hbm>>) target(%arg8 : memref<128x128xf32, #tpu.memory_space<vmem>>) offsets(%dma_start3A_3 : memref<128xi32, #tpu.memory_space<vmem>>) semaphore(%arg12 : memref<!tpu.dma_semaphore, #tpu.memory_space<semaphore_mem>>)
    %dma_start3A_7 = arith.constant 0 : i32
    %dma_start3A_8 = arith.constant 0 : i32
    %dma_start3A_9 = tpu.memref_slice %arg7[%dma_start3A_7, %dma_start3A_8] : memref<16x128xi32, #tpu.memory_space<vmem>> -> memref<1x128xi32, #tpu.memory_space<vmem>>
    %dma_start3A_10 = tpu.memref_squeeze %dma_start3A_9 : memref<1x128xi32, #tpu.memory_space<vmem>> -> memref<128xi32, #tpu.memory_space<vmem>>
    %dma_start3A_11 = arith.constant 0 : i32
    %dma_start3A_12 = arith.constant 0 : i32
    %dma_start3A_13 = tpu.memref_slice %arg4[%dma_start3A_11, %dma_start3A_12] : memref<4096x128xf32, #tpu.memory_space<hbm>> -> memref<4096x128xf32, #tpu.memory_space<hbm>>
    tpu.enqueue_indirect_dma source(%dma_start3A_13 : memref<4096x128xf32, #tpu.memory_space<hbm>>) target(%arg10 : memref<128x128xf32, #tpu.memory_space<vmem>>) offsets(%dma_start3A_10 : memref<128xi32, #tpu.memory_space<vmem>>) semaphore(%arg12 : memref<!tpu.dma_semaphore, #tpu.memory_space<semaphore_mem>>)
    %dma_start3A_14 = arith.constant 1 : i32
    %dma_start3A_15 = arith.constant 0 : i32
    %dma_start3A_16 = tpu.memref_slice %arg7[%dma_start3A_14, %dma_start3A_15] : memref<16x128xi32, #tpu.memory_space<vmem>> -> memref<1x128xi32, #tpu.memory_space<vmem>>
    %dma_start3A_17 = tpu.memref_squeeze %dma_start3A_16 : memref<1x128xi32, #tpu.memory_space<vmem>> -> memref<128xi32, #tpu.memory_space<vmem>>
    %dma_start3A_18 = arith.constant 0 : i32
    %dma_start3A_19 = arith.constant 0 : i32
    %dma_start3A_20 = tpu.memref_slice %arg3[%dma_start3A_18, %dma_start3A_19] : memref<4096x128xf32, #tpu.memory_space<hbm>> -> memref<4096x128xf32, #tpu.memory_space<hbm>>
    tpu.enqueue_indirect_dma source(%dma_start3A_20 : memref<4096x128xf32, #tpu.memory_space<hbm>>) target(%arg9 : memref<128x128xf32, #tpu.memory_space<vmem>>) offsets(%dma_start3A_17 : memref<128xi32, #tpu.memory_space<vmem>>) semaphore(%arg13 : memref<!tpu.dma_semaphore, #tpu.memory_space<semaphore_mem>>)
    %dma_start3A_21 = arith.constant 1 : i32
    %dma_start3A_22 = arith.constant 0 : i32
    %dma_start3A_23 = tpu.memref_slice %arg7[%dma_start3A_21, %dma_start3A_22] : memref<16x128xi32, #tpu.memory_space<vmem>> -> memref<1x128xi32, #tpu.memory_space<vmem>>
    %dma_start3A_24 = tpu.memref_squeeze %dma_start3A_23 : memref<1x128xi32, #tpu.memory_space<vmem>> -> memref<128xi32, #tpu.memory_space<vmem>>
    %dma_start3A_25 = arith.constant 0 : i32
    %dma_start3A_26 = arith.constant 0 : i32
    %dma_start3A_27 = tpu.memref_slice %arg4[%dma_start3A_25, %dma_start3A_26] : memref<4096x128xf32, #tpu.memory_space<hbm>> -> memref<4096x128xf32, #tpu.memory_space<hbm>>
    tpu.enqueue_indirect_dma source(%dma_start3A_27 : memref<4096x128xf32, #tpu.memory_space<hbm>>) target(%arg11 : memref<128x128xf32, #tpu.memory_space<vmem>>) offsets(%dma_start3A_24 : memref<128xi32, #tpu.memory_space<vmem>>) semaphore(%arg13 : memref<!tpu.dma_semaphore, #tpu.memory_space<semaphore_mem>>)
    %scan3A = arith.constant 0 : i32
    %scan3A_28 = arith.constant 0 : i32
    %scan3A_29 = arith.constant 8 : i32
    %scan3A_30 = arith.addi %scan3A_28, %scan3A_29 : i32
    %scan3A_31 = arith.constant 1 : i32
    scf.for %scan3A_56 = %scan3A_28 to %scan3A_30 step %scan3A_31  : i32 {
      %mul3A_57 = arith.constant 2 : i32
      %mul3A_58 = arith.muli %scan3A_56, %mul3A_57 : i32
      %add3A_59 = arith.constant 0 : i32
      %add3A_60 = arith.addi %mul3A_58, %add3A_59 : i32
      %dma_wait3A_61 = arith.constant 0 : i32
      %dma_wait3A_62 = arith.constant 0 : i32
      %dma_wait3A_63 = tpu.memref_slice %arg3[%dma_wait3A_61, %dma_wait3A_62] : memref<4096x128xf32, #tpu.memory_space<hbm>> -> memref<128x128xf32, #tpu.memory_space<hbm>>
      %dma_wait3A_64 = arith.constant 0 : i32
      %dma_wait3A_65 = arith.constant 0 : i32
      %dma_wait3A_66 = tpu.memref_slice %arg3[%dma_wait3A_64, %dma_wait3A_65] : memref<4096x128xf32, #tpu.memory_space<hbm>> -> memref<128x128xf32, #tpu.memory_space<hbm>>
      tpu.wait_dma2 semaphore(%arg12 : memref<!tpu.dma_semaphore, #tpu.memory_space<semaphore_mem>>) src(%dma_wait3A_66 : memref<128x128xf32, #tpu.memory_space<hbm>>) dst(%arg8 : memref<128x128xf32, #tpu.memory_space<vmem>>)
      %dma_wait3A_67 = arith.constant 0 : i32
      %dma_wait3A_68 = arith.constant 0 : i32
      %dma_wait3A_69 = tpu.memref_slice %arg4[%dma_wait3A_67, %dma_wait3A_68] : memref<4096x128xf32, #tpu.memory_space<hbm>> -> memref<128x128xf32, #tpu.memory_space<hbm>>
      %dma_wait3A_70 = arith.constant 0 : i32
      %dma_wait3A_71 = arith.constant 0 : i32
      %dma_wait3A_72 = tpu.memref_slice %arg4[%dma_wait3A_70, %dma_wait3A_71] : memref<4096x128xf32, #tpu.memory_space<hbm>> -> memref<128x128xf32, #tpu.memory_space<hbm>>
      tpu.wait_dma2 semaphore(%arg12 : memref<!tpu.dma_semaphore, #tpu.memory_space<semaphore_mem>>) src(%dma_wait3A_72 : memref<128x128xf32, #tpu.memory_space<hbm>>) dst(%arg10 : memref<128x128xf32, #tpu.memory_space<vmem>>)
      %mul3A_73 = arith.constant 2048 : i32
      %mul3A_74 = arith.muli %add3A, %mul3A_73 : i32
      %mul3A_75 = arith.constant 128 : i32
      %mul3A_76 = arith.muli %add3A_60, %mul3A_75 : i32
      %add3A_77 = arith.addi %mul3A_74, %mul3A_76 : i32
      %dma_start3A_78 = arith.constant 0 : i32
      %dma_start3A_79 = tpu.memref_slice %arg5[%add3A_77, %dma_start3A_78] : memref<65536x128xf32, #tpu.memory_space<hbm>> -> memref<128x128xf32, #tpu.memory_space<hbm>>
      %dma_start3A_80 = arith.constant 0 : i32
      %dma_start3A_81 = tpu.memref_slice %arg5[%add3A_77, %dma_start3A_80] : memref<65536x128xf32, #tpu.memory_space<hbm>> -> memref<128x128xf32, #tpu.memory_space<hbm>>
      tpu.enqueue_dma source(%arg8 : memref<128x128xf32, #tpu.memory_space<vmem>>) target(%dma_start3A_81 : memref<128x128xf32, #tpu.memory_space<hbm>>) target_semaphore(%arg14 : memref<!tpu.dma_semaphore, #tpu.memory_space<semaphore_mem>>)
      %dma_start3A_82 = arith.constant 0 : i32
      %dma_start3A_83 = tpu.memref_slice %arg6[%add3A_77, %dma_start3A_82] : memref<65536x128xf32, #tpu.memory_space<hbm>> -> memref<128x128xf32, #tpu.memory_space<hbm>>
      %dma_start3A_84 = arith.constant 0 : i32
      %dma_start3A_85 = tpu.memref_slice %arg6[%add3A_77, %dma_start3A_84] : memref<65536x128xf32, #tpu.memory_space<hbm>> -> memref<128x128xf32, #tpu.memory_space<hbm>>
      tpu.enqueue_dma source(%arg10 : memref<128x128xf32, #tpu.memory_space<vmem>>) target(%dma_start3A_85 : memref<128x128xf32, #tpu.memory_space<hbm>>) target_semaphore(%arg14 : memref<!tpu.dma_semaphore, #tpu.memory_space<semaphore_mem>>)
      %mul3A_86 = arith.constant 2 : i32
      %mul3A_87 = arith.muli %scan3A_56, %mul3A_86 : i32
      %add3A_88 = arith.constant 1 : i32
      %add3A_89 = arith.addi %mul3A_87, %add3A_88 : i32
      %dma_wait3A_90 = arith.constant 0 : i32
      %dma_wait3A_91 = arith.constant 0 : i32
      %dma_wait3A_92 = tpu.memref_slice %arg3[%dma_wait3A_90, %dma_wait3A_91] : memref<4096x128xf32, #tpu.memory_space<hbm>> -> memref<128x128xf32, #tpu.memory_space<hbm>>
      %dma_wait3A_93 = arith.constant 0 : i32
      %dma_wait3A_94 = arith.constant 0 : i32
      %dma_wait3A_95 = tpu.memref_slice %arg3[%dma_wait3A_93, %dma_wait3A_94] : memref<4096x128xf32, #tpu.memory_space<hbm>> -> memref<128x128xf32, #tpu.memory_space<hbm>>
      tpu.wait_dma2 semaphore(%arg13 : memref<!tpu.dma_semaphore, #tpu.memory_space<semaphore_mem>>) src(%dma_wait3A_95 : memref<128x128xf32, #tpu.memory_space<hbm>>) dst(%arg9 : memref<128x128xf32, #tpu.memory_space<vmem>>)
      %dma_wait3A_96 = arith.constant 0 : i32
      %dma_wait3A_97 = arith.constant 0 : i32
      %dma_wait3A_98 = tpu.memref_slice %arg4[%dma_wait3A_96, %dma_wait3A_97] : memref<4096x128xf32, #tpu.memory_space<hbm>> -> memref<128x128xf32, #tpu.memory_space<hbm>>
      %dma_wait3A_99 = arith.constant 0 : i32
      %dma_wait3A_100 = arith.constant 0 : i32
      %dma_wait3A_101 = tpu.memref_slice %arg4[%dma_wait3A_99, %dma_wait3A_100] : memref<4096x128xf32, #tpu.memory_space<hbm>> -> memref<128x128xf32, #tpu.memory_space<hbm>>
      tpu.wait_dma2 semaphore(%arg13 : memref<!tpu.dma_semaphore, #tpu.memory_space<semaphore_mem>>) src(%dma_wait3A_101 : memref<128x128xf32, #tpu.memory_space<hbm>>) dst(%arg11 : memref<128x128xf32, #tpu.memory_space<vmem>>)
      %mul3A_102 = arith.constant 2048 : i32
      %mul3A_103 = arith.muli %add3A, %mul3A_102 : i32
      %mul3A_104 = arith.constant 128 : i32
      %mul3A_105 = arith.muli %add3A_89, %mul3A_104 : i32
      %add3A_106 = arith.addi %mul3A_103, %mul3A_105 : i32
      %dma_start3A_107 = arith.constant 0 : i32
      %dma_start3A_108 = tpu.memref_slice %arg5[%add3A_106, %dma_start3A_107] : memref<65536x128xf32, #tpu.memory_space<hbm>> -> memref<128x128xf32, #tpu.memory_space<hbm>>
      %dma_start3A_109 = arith.constant 0 : i32
      %dma_start3A_110 = tpu.memref_slice %arg5[%add3A_106, %dma_start3A_109] : memref<65536x128xf32, #tpu.memory_space<hbm>> -> memref<128x128xf32, #tpu.memory_space<hbm>>
      tpu.enqueue_dma source(%arg9 : memref<128x128xf32, #tpu.memory_space<vmem>>) target(%dma_start3A_110 : memref<128x128xf32, #tpu.memory_space<hbm>>) target_semaphore(%arg15 : memref<!tpu.dma_semaphore, #tpu.memory_space<semaphore_mem>>)
      %dma_start3A_111 = arith.constant 0 : i32
      %dma_start3A_112 = tpu.memref_slice %arg6[%add3A_106, %dma_start3A_111] : memref<65536x128xf32, #tpu.memory_space<hbm>> -> memref<128x128xf32, #tpu.memory_space<hbm>>
      %dma_start3A_113 = arith.constant 0 : i32
      %dma_start3A_114 = tpu.memref_slice %arg6[%add3A_106, %dma_start3A_113] : memref<65536x128xf32, #tpu.memory_space<hbm>> -> memref<128x128xf32, #tpu.memory_space<hbm>>
      tpu.enqueue_dma source(%arg11 : memref<128x128xf32, #tpu.memory_space<vmem>>) target(%dma_start3A_114 : memref<128x128xf32, #tpu.memory_space<hbm>>) target_semaphore(%arg15 : memref<!tpu.dma_semaphore, #tpu.memory_space<semaphore_mem>>)
      %mul3A_115 = arith.constant 2 : i32
      %mul3A_116 = arith.muli %scan3A_56, %mul3A_115 : i32
      %add3A_117 = arith.constant 0 : i32
      %add3A_118 = arith.addi %mul3A_116, %add3A_117 : i32
      %add3A_119 = arith.constant 2 : i32
      %add3A_120 = arith.addi %add3A_118, %add3A_119 : i32
      %lt3A = arith.constant 16 : i32
      %lt3A_121 = arith.cmpi slt, %add3A_120, %lt3A : i32
      %convert_element_type3A = arith.extui %lt3A_121 : i1 to i32
      %cond3A = arith.constant 0 : i32
      %cond3A_122 = arith.cmpi ne, %convert_element_type3A, %cond3A : i32
      scf.if %cond3A_122 {
        %dma_wait3A_134 = arith.constant 0 : i32
        %dma_wait3A_135 = arith.constant 0 : i32
        %dma_wait3A_136 = tpu.memref_slice %arg5[%dma_wait3A_134, %dma_wait3A_135] : memref<65536x128xf32, #tpu.memory_space<hbm>> -> memref<128x128xf32, #tpu.memory_space<hbm>>
        %dma_wait3A_137 = arith.constant 0 : i32
        %dma_wait3A_138 = arith.constant 0 : i32
        %dma_wait3A_139 = tpu.memref_slice %arg5[%dma_wait3A_137, %dma_wait3A_138] : memref<65536x128xf32, #tpu.memory_space<hbm>> -> memref<128x128xf32, #tpu.memory_space<hbm>>
        tpu.wait_dma2 semaphore(%arg14 : memref<!tpu.dma_semaphore, #tpu.memory_space<semaphore_mem>>) src(%dma_wait3A_139 : memref<128x128xf32, #tpu.memory_space<hbm>>) dst(%arg8 : memref<128x128xf32, #tpu.memory_space<vmem>>)
        %dma_wait3A_140 = arith.constant 0 : i32
        %dma_wait3A_141 = arith.constant 0 : i32
        %dma_wait3A_142 = tpu.memref_slice %arg6[%dma_wait3A_140, %dma_wait3A_141] : memref<65536x128xf32, #tpu.memory_space<hbm>> -> memref<128x128xf32, #tpu.memory_space<hbm>>
        %dma_wait3A_143 = arith.constant 0 : i32
        %dma_wait3A_144 = arith.constant 0 : i32
        %dma_wait3A_145 = tpu.memref_slice %arg6[%dma_wait3A_143, %dma_wait3A_144] : memref<65536x128xf32, #tpu.memory_space<hbm>> -> memref<128x128xf32, #tpu.memory_space<hbm>>
        tpu.wait_dma2 semaphore(%arg14 : memref<!tpu.dma_semaphore, #tpu.memory_space<semaphore_mem>>) src(%dma_wait3A_145 : memref<128x128xf32, #tpu.memory_space<hbm>>) dst(%arg10 : memref<128x128xf32, #tpu.memory_space<vmem>>)
        %dma_start3A_146 = arith.constant 0 : i32
        %dma_start3A_147 = tpu.memref_slice %arg7[%add3A_120, %dma_start3A_146] : memref<16x128xi32, #tpu.memory_space<vmem>> -> memref<1x128xi32, #tpu.memory_space<vmem>>
        %dma_start3A_148 = tpu.memref_squeeze %dma_start3A_147 : memref<1x128xi32, #tpu.memory_space<vmem>> -> memref<128xi32, #tpu.memory_space<vmem>>
        %dma_start3A_149 = arith.constant 0 : i32
        %dma_start3A_150 = arith.constant 0 : i32
        %dma_start3A_151 = tpu.memref_slice %arg3[%dma_start3A_149, %dma_start3A_150] : memref<4096x128xf32, #tpu.memory_space<hbm>> -> memref<4096x128xf32, #tpu.memory_space<hbm>>
        tpu.enqueue_indirect_dma source(%dma_start3A_151 : memref<4096x128xf32, #tpu.memory_space<hbm>>) target(%arg8 : memref<128x128xf32, #tpu.memory_space<vmem>>) offsets(%dma_start3A_148 : memref<128xi32, #tpu.memory_space<vmem>>) semaphore(%arg12 : memref<!tpu.dma_semaphore, #tpu.memory_space<semaphore_mem>>)
        %dma_start3A_152 = arith.constant 0 : i32
        %dma_start3A_153 = tpu.memref_slice %arg7[%add3A_120, %dma_start3A_152] : memref<16x128xi32, #tpu.memory_space<vmem>> -> memref<1x128xi32, #tpu.memory_space<vmem>>
        %dma_start3A_154 = tpu.memref_squeeze %dma_start3A_153 : memref<1x128xi32, #tpu.memory_space<vmem>> -> memref<128xi32, #tpu.memory_space<vmem>>
        %dma_start3A_155 = arith.constant 0 : i32
        %dma_start3A_156 = arith.constant 0 : i32
        %dma_start3A_157 = tpu.memref_slice %arg4[%dma_start3A_155, %dma_start3A_156] : memref<4096x128xf32, #tpu.memory_space<hbm>> -> memref<4096x128xf32, #tpu.memory_space<hbm>>
        tpu.enqueue_indirect_dma source(%dma_start3A_157 : memref<4096x128xf32, #tpu.memory_space<hbm>>) target(%arg10 : memref<128x128xf32, #tpu.memory_space<vmem>>) offsets(%dma_start3A_154 : memref<128xi32, #tpu.memory_space<vmem>>) semaphore(%arg12 : memref<!tpu.dma_semaphore, #tpu.memory_space<semaphore_mem>>)
      } else {
      }
      %mul3A_123 = arith.constant 2 : i32
      %mul3A_124 = arith.muli %scan3A_56, %mul3A_123 : i32
      %add3A_125 = arith.constant 1 : i32
      %add3A_126 = arith.addi %mul3A_124, %add3A_125 : i32
      %add3A_127 = arith.constant 2 : i32
      %add3A_128 = arith.addi %add3A_126, %add3A_127 : i32
      %lt3A_129 = arith.constant 16 : i32
      %lt3A_130 = arith.cmpi slt, %add3A_128, %lt3A_129 : i32
      %convert_element_type3A_131 = arith.extui %lt3A_130 : i1 to i32
      %cond3A_132 = arith.constant 0 : i32
      %cond3A_133 = arith.cmpi ne, %convert_element_type3A_131, %cond3A_132 : i32
      scf.if %cond3A_133 {
        %dma_wait3A_134 = arith.constant 0 : i32
        %dma_wait3A_135 = arith.constant 0 : i32
        %dma_wait3A_136 = tpu.memref_slice %arg5[%dma_wait3A_134, %dma_wait3A_135] : memref<65536x128xf32, #tpu.memory_space<hbm>> -> memref<128x128xf32, #tpu.memory_space<hbm>>
        %dma_wait3A_137 = arith.constant 0 : i32
        %dma_wait3A_138 = arith.constant 0 : i32
        %dma_wait3A_139 = tpu.memref_slice %arg5[%dma_wait3A_137, %dma_wait3A_138] : memref<65536x128xf32, #tpu.memory_space<hbm>> -> memref<128x128xf32, #tpu.memory_space<hbm>>
        tpu.wait_dma2 semaphore(%arg15 : memref<!tpu.dma_semaphore, #tpu.memory_space<semaphore_mem>>) src(%dma_wait3A_139 : memref<128x128xf32, #tpu.memory_space<hbm>>) dst(%arg9 : memref<128x128xf32, #tpu.memory_space<vmem>>)
        %dma_wait3A_140 = arith.constant 0 : i32
        %dma_wait3A_141 = arith.constant 0 : i32
        %dma_wait3A_142 = tpu.memref_slice %arg6[%dma_wait3A_140, %dma_wait3A_141] : memref<65536x128xf32, #tpu.memory_space<hbm>> -> memref<128x128xf32, #tpu.memory_space<hbm>>
        %dma_wait3A_143 = arith.constant 0 : i32
        %dma_wait3A_144 = arith.constant 0 : i32
        %dma_wait3A_145 = tpu.memref_slice %arg6[%dma_wait3A_143, %dma_wait3A_144] : memref<65536x128xf32, #tpu.memory_space<hbm>> -> memref<128x128xf32, #tpu.memory_space<hbm>>
        tpu.wait_dma2 semaphore(%arg15 : memref<!tpu.dma_semaphore, #tpu.memory_space<semaphore_mem>>) src(%dma_wait3A_145 : memref<128x128xf32, #tpu.memory_space<hbm>>) dst(%arg11 : memref<128x128xf32, #tpu.memory_space<vmem>>)
        %dma_start3A_146 = arith.constant 0 : i32
        %dma_start3A_147 = tpu.memref_slice %arg7[%add3A_128, %dma_start3A_146] : memref<16x128xi32, #tpu.memory_space<vmem>> -> memref<1x128xi32, #tpu.memory_space<vmem>>
        %dma_start3A_148 = tpu.memref_squeeze %dma_start3A_147 : memref<1x128xi32, #tpu.memory_space<vmem>> -> memref<128xi32, #tpu.memory_space<vmem>>
        %dma_start3A_149 = arith.constant 0 : i32
        %dma_start3A_150 = arith.constant 0 : i32
        %dma_start3A_151 = tpu.memref_slice %arg3[%dma_start3A_149, %dma_start3A_150] : memref<4096x128xf32, #tpu.memory_space<hbm>> -> memref<4096x128xf32, #tpu.memory_space<hbm>>
        tpu.enqueue_indirect_dma source(%dma_start3A_151 : memref<4096x128xf32, #tpu.memory_space<hbm>>) target(%arg9 : memref<128x128xf32, #tpu.memory_space<vmem>>) offsets(%dma_start3A_148 : memref<128xi32, #tpu.memory_space<vmem>>) semaphore(%arg13 : memref<!tpu.dma_semaphore, #tpu.memory_space<semaphore_mem>>)
        %dma_start3A_152 = arith.constant 0 : i32
        %dma_start3A_153 = tpu.memref_slice %arg7[%add3A_128, %dma_start3A_152] : memref<16x128xi32, #tpu.memory_space<vmem>> -> memref<1x128xi32, #tpu.memory_space<vmem>>
        %dma_start3A_154 = tpu.memref_squeeze %dma_start3A_153 : memref<1x128xi32, #tpu.memory_space<vmem>> -> memref<128xi32, #tpu.memory_space<vmem>>
        %dma_start3A_155 = arith.constant 0 : i32
        %dma_start3A_156 = arith.constant 0 : i32
        %dma_start3A_157 = tpu.memref_slice %arg4[%dma_start3A_155, %dma_start3A_156] : memref<4096x128xf32, #tpu.memory_space<hbm>> -> memref<4096x128xf32, #tpu.memory_space<hbm>>
        tpu.enqueue_indirect_dma source(%dma_start3A_157 : memref<4096x128xf32, #tpu.memory_space<hbm>>) target(%arg11 : memref<128x128xf32, #tpu.memory_space<vmem>>) offsets(%dma_start3A_154 : memref<128xi32, #tpu.memory_space<vmem>>) semaphore(%arg13 : memref<!tpu.dma_semaphore, #tpu.memory_space<semaphore_mem>>)
      } else {
      }
    }
    %scan3A_32 = arith.constant 8 : i32
    %dma_wait3A = arith.constant 0 : i32
    %dma_wait3A_33 = arith.constant 0 : i32
    %dma_wait3A_34 = tpu.memref_slice %arg5[%dma_wait3A, %dma_wait3A_33] : memref<65536x128xf32, #tpu.memory_space<hbm>> -> memref<128x128xf32, #tpu.memory_space<hbm>>
    %dma_wait3A_35 = arith.constant 0 : i32
    %dma_wait3A_36 = arith.constant 0 : i32
    %dma_wait3A_37 = tpu.memref_slice %arg5[%dma_wait3A_35, %dma_wait3A_36] : memref<65536x128xf32, #tpu.memory_space<hbm>> -> memref<128x128xf32, #tpu.memory_space<hbm>>
    tpu.wait_dma2 semaphore(%arg14 : memref<!tpu.dma_semaphore, #tpu.memory_space<semaphore_mem>>) src(%dma_wait3A_37 : memref<128x128xf32, #tpu.memory_space<hbm>>) dst(%arg8 : memref<128x128xf32, #tpu.memory_space<vmem>>)
    %dma_wait3A_38 = arith.constant 0 : i32
    %dma_wait3A_39 = arith.constant 0 : i32
    %dma_wait3A_40 = tpu.memref_slice %arg6[%dma_wait3A_38, %dma_wait3A_39] : memref<65536x128xf32, #tpu.memory_space<hbm>> -> memref<128x128xf32, #tpu.memory_space<hbm>>
    %dma_wait3A_41 = arith.constant 0 : i32
    %dma_wait3A_42 = arith.constant 0 : i32
    %dma_wait3A_43 = tpu.memref_slice %arg6[%dma_wait3A_41, %dma_wait3A_42] : memref<65536x128xf32, #tpu.memory_space<hbm>> -> memref<128x128xf32, #tpu.memory_space<hbm>>
    tpu.wait_dma2 semaphore(%arg14 : memref<!tpu.dma_semaphore, #tpu.memory_space<semaphore_mem>>) src(%dma_wait3A_43 : memref<128x128xf32, #tpu.memory_space<hbm>>) dst(%arg10 : memref<128x128xf32, #tpu.memory_space<vmem>>)
    %dma_wait3A_44 = arith.constant 0 : i32
    %dma_wait3A_45 = arith.constant 0 : i32
    %dma_wait3A_46 = tpu.memref_slice %arg5[%dma_wait3A_44, %dma_wait3A_45] : memref<65536x128xf32, #tpu.memory_space<hbm>> -> memref<128x128xf32, #tpu.memory_space<hbm>>
    %dma_wait3A_47 = arith.constant 0 : i32
    %dma_wait3A_48 = arith.constant 0 : i32
    %dma_wait3A_49 = tpu.memref_slice %arg5[%dma_wait3A_47, %dma_wait3A_48] : memref<65536x128xf32, #tpu.memory_space<hbm>> -> memref<128x128xf32, #tpu.memory_space<hbm>>
    tpu.wait_dma2 semaphore(%arg15 : memref<!tpu.dma_semaphore, #tpu.memory_space<semaphore_mem>>) src(%dma_wait3A_49 : memref<128x128xf32, #tpu.memory_space<hbm>>) dst(%arg9 : memref<128x128xf32, #tpu.memory_space<vmem>>)
    %dma_wait3A_50 = arith.constant 0 : i32
    %dma_wait3A_51 = arith.constant 0 : i32
    %dma_wait3A_52 = tpu.memref_slice %arg6[%dma_wait3A_50, %dma_wait3A_51] : memref<65536x128xf32, #tpu.memory_space<hbm>> -> memref<128x128xf32, #tpu.memory_space<hbm>>
    %dma_wait3A_53 = arith.constant 0 : i32
    %dma_wait3A_54 = arith.constant 0 : i32
    %dma_wait3A_55 = tpu.memref_slice %arg6[%dma_wait3A_53, %dma_wait3A_54] : memref<65536x128xf32, #tpu.memory_space<hbm>> -> memref<128x128xf32, #tpu.memory_space<hbm>>
    tpu.wait_dma2 semaphore(%arg15 : memref<!tpu.dma_semaphore, #tpu.memory_space<semaphore_mem>>) src(%dma_wait3A_55 : memref<128x128xf32, #tpu.memory_space<hbm>>) dst(%arg11 : memref<128x128xf32, #tpu.memory_space<vmem>>)
    return
  }
}

module attributes {stable_mosaic.version = 14 : i64} {
  func.func @_proj_knn_body(%arg0: i32, %arg1: i32, %arg2: memref<1x64x512xf32, #tpu.memory_space<vmem>>, %arg3: memref<1x512x3xf32, #tpu.memory_space<vmem>>, %arg4: memref<1x3x2048xf32, #tpu.memory_space<vmem>>, %arg5: memref<64x64xf32, #tpu.memory_space<vmem>>, %arg6: memref<64x64xf32, #tpu.memory_space<vmem>>, %arg7: memref<64x1xf32, #tpu.memory_space<vmem>>, %arg8: memref<64x64xf32, #tpu.memory_space<vmem>>, %arg9: memref<1x64xf32, #tpu.memory_space<vmem>>, %arg10: memref<64x64xf32, #tpu.memory_space<vmem>>, %arg11: memref<1x64xf32, #tpu.memory_space<vmem>>, %arg12: memref<64x64xf32, #tpu.memory_space<vmem>>, %arg13: memref<1x64xf32, #tpu.memory_space<vmem>>, %arg14: memref<64x3xf32, #tpu.memory_space<vmem>>, %arg15: memref<1x64x512xf32, #tpu.memory_space<vmem>>, %arg16: memref<1x512x64xf32, #tpu.memory_space<vmem>>, %arg17: memref<1x512x128xf32, #tpu.memory_space<vmem>>, %arg18: memref<1x512x128xf32, #tpu.memory_space<vmem>>, %arg19: memref<1x512x16xi32, #tpu.memory_space<vmem>>) attributes {dimension_semantics = [#tpu.dimension_semantics<arbitrary>, #tpu.dimension_semantics<arbitrary>], iteration_bounds = array<i64: 2, 4>, scalar_prefetch = 0 : i64, scratch_operands = 0 : i64, tpu.core_type = #tpu.core_type<tc>, window_params = [{transform_indices = @transform_0, window_bounds = array<i64: 1, 64, 512>}, {transform_indices = @transform_1, window_bounds = array<i64: 1, 512, 3>}, {transform_indices = @transform_2, window_bounds = array<i64: 1, 3, 2048>}, {pipeline_mode = #tpu.pipeline_mode<synchronous>, transform_indices = @transform_3, window_bounds = array<i64: 64, 64>}, {pipeline_mode = #tpu.pipeline_mode<synchronous>, transform_indices = @transform_4, window_bounds = array<i64: 64, 64>}, {pipeline_mode = #tpu.pipeline_mode<synchronous>, transform_indices = @transform_5, window_bounds = array<i64: 64, 1>}, {pipeline_mode = #tpu.pipeline_mode<synchronous>, transform_indices = @transform_6, window_bounds = array<i64: 64, 64>}, {pipeline_mode = #tpu.pipeline_mode<synchronous>, transform_indices = @transform_7, window_bounds = array<i64: 1, 64>}, {pipeline_mode = #tpu.pipeline_mode<synchronous>, transform_indices = @transform_8, window_bounds = array<i64: 64, 64>}, {pipeline_mode = #tpu.pipeline_mode<synchronous>, transform_indices = @transform_9, window_bounds = array<i64: 1, 64>}, {pipeline_mode = #tpu.pipeline_mode<synchronous>, transform_indices = @transform_10, window_bounds = array<i64: 64, 64>}, {pipeline_mode = #tpu.pipeline_mode<synchronous>, transform_indices = @transform_11, window_bounds = array<i64: 1, 64>}, {pipeline_mode = #tpu.pipeline_mode<synchronous>, transform_indices = @transform_12, window_bounds = array<i64: 64, 3>}, {transform_indices = @transform_13, window_bounds = array<i64: 1, 64, 512>}, {transform_indices = @transform_14, window_bounds = array<i64: 1, 512, 64>}, {transform_indices = @transform_15, window_bounds = array<i64: 1, 512, 128>}, {transform_indices = @transform_16, window_bounds = array<i64: 1, 512, 128>}, {transform_indices = @transform_17, window_bounds = array<i64: 1, 512, 16>}]} {
    %get3A = arith.constant 0 : index
    %get3A_0 = arith.constant 0 : index
    %get3A_1 = arith.constant 0 : index
    %get3A_2 = vector.load %arg2[%get3A, %get3A_0, %get3A_1] : memref<1x64x512xf32, #tpu.memory_space<vmem>>, vector<1x64x512xf32>
    %get3A_3 = vector.shape_cast %get3A_2 : vector<1x64x512xf32> to vector<64x512xf32>
    %get3A_4 = arith.constant 0 : index
    %get3A_5 = arith.constant 0 : index
    %get3A_6 = vector.load %arg5[%get3A_4, %get3A_5] : memref<64x64xf32, #tpu.memory_space<vmem>>, vector<64x64xf32>
    %dot_general3A = arith.constant dense<0.000000e+00> : vector<64x512xf32>
    %dot_general3A_7 = tpu.matmul %get3A_6, %get3A_3, %dot_general3A {dimension_numbers = #tpu.dot_dimension_numbers<[1], [0], [0], [1], [0, 0, 1, 1], [], []>, transpose_lhs_hint = false} : vector<64x64xf32>, vector<64x512xf32>, vector<64x512xf32> -> vector<64x512xf32>
    %swap3A = arith.constant 0 : index
    %swap3A_8 = arith.constant 0 : index
    %swap3A_9 = arith.constant 0 : index
    %swap3A_10 = vector.load %arg15[%swap3A, %swap3A_8, %swap3A_9] : memref<1x64x512xf32, #tpu.memory_space<vmem>>, vector<1x64x512xf32>
    %swap3A_11 = vector.shape_cast %swap3A_10 : vector<1x64x512xf32> to vector<64x512xf32>
    %swap3A_12 = vector.shape_cast %dot_general3A_7 : vector<64x512xf32> to vector<1x64x512xf32>
    tpu.vector_store %arg15[%swap3A, %swap3A_8, %swap3A_9], %swap3A_12 {strides = array<i32>} : memref<1x64x512xf32, #tpu.memory_space<vmem>>, vector<1x64x512xf32>,
    %get3A_13 = arith.constant 0 : index
    %get3A_14 = arith.constant 0 : index
    %get3A_15 = vector.load %arg6[%get3A_13, %get3A_14] : memref<64x64xf32, #tpu.memory_space<vmem>>, vector<64x64xf32>
    %dot_general3A_16 = arith.constant dense<0.000000e+00> : vector<64x512xf32>
    %dot_general3A_17 = tpu.matmul %get3A_15, %dot_general3A_7, %dot_general3A_16 {dimension_numbers = #tpu.dot_dimension_numbers<[1], [0], [0], [1], [0, 0, 1, 1], [], []>, transpose_lhs_hint = false} : vector<64x64xf32>, vector<64x512xf32>, vector<64x512xf32> -> vector<64x512xf32>
    %get3A_18 = arith.constant 0 : index
    %get3A_19 = arith.constant 0 : index
    %get3A_20 = vector.load %arg7[%get3A_18, %get3A_19] : memref<64x1xf32, #tpu.memory_space<vmem>>, vector<64x1xf32>
    %add3A = vector.broadcast %get3A_20 : vector<64x1xf32> to vector<64x512xf32>
    %add3A_21 = arith.addf %dot_general3A_17, %add3A : vector<64x512xf32>
    %get3A_22 = arith.constant 0 : index
    %get3A_23 = arith.constant 0 : index
    %get3A_24 = vector.load %arg8[%get3A_22, %get3A_23] : memref<64x64xf32, #tpu.memory_space<vmem>>, vector<64x64xf32>
    %dot_general3A_25 = arith.constant dense<0.000000e+00> : vector<512x64xf32>
    %dot_general3A_26 = tpu.matmul %add3A_21, %get3A_24, %dot_general3A_25 {dimension_numbers = #tpu.dot_dimension_numbers<[0], [1], [1], [0], [0, 1, 1, 0], [], []>, transpose_lhs_hint = false} : vector<64x512xf32>, vector<64x64xf32>, vector<512x64xf32> -> vector<512x64xf32>
    %get3A_27 = arith.constant 0 : index
    %get3A_28 = arith.constant 0 : index
    %get3A_29 = vector.load %arg9[%get3A_27, %get3A_28] : memref<1x64xf32, #tpu.memory_space<vmem>>, vector<1x64xf32>
    %add3A_30 = vector.broadcast %get3A_29 : vector<1x64xf32> to vector<512x64xf32>
    %add3A_31 = arith.addf %dot_general3A_26, %add3A_30 : vector<512x64xf32>
    %get3A_32 = arith.constant 0 : index
    %get3A_33 = arith.constant 0 : index
    %get3A_34 = vector.load %arg10[%get3A_32, %get3A_33] : memref<64x64xf32, #tpu.memory_space<vmem>>, vector<64x64xf32>
    %dot_general3A_35 = arith.constant dense<0.000000e+00> : vector<512x64xf32>
    %dot_general3A_36 = tpu.matmul %add3A_21, %get3A_34, %dot_general3A_35 {dimension_numbers = #tpu.dot_dimension_numbers<[0], [1], [1], [0], [0, 1, 1, 0], [], []>, transpose_lhs_hint = false} : vector<64x512xf32>, vector<64x64xf32>, vector<512x64xf32> -> vector<512x64xf32>
    %get3A_37 = arith.constant 0 : index
    %get3A_38 = arith.constant 0 : index
    %get3A_39 = vector.load %arg11[%get3A_37, %get3A_38] : memref<1x64xf32, #tpu.memory_space<vmem>>, vector<1x64xf32>
    %add3A_40 = vector.broadcast %get3A_39 : vector<1x64xf32> to vector<512x64xf32>
    %add3A_41 = arith.addf %dot_general3A_36, %add3A_40 : vector<512x64xf32>
    %get3A_42 = arith.constant 0 : index
    %get3A_43 = arith.constant 0 : index
    %get3A_44 = vector.load %arg12[%get3A_42, %get3A_43] : memref<64x64xf32, #tpu.memory_space<vmem>>, vector<64x64xf32>
    %dot_general3A_45 = arith.constant dense<0.000000e+00> : vector<512x64xf32>
    %dot_general3A_46 = tpu.matmul %add3A_21, %get3A_44, %dot_general3A_45 {dimension_numbers = #tpu.dot_dimension_numbers<[0], [1], [1], [0], [0, 1, 1, 0], [], []>, transpose_lhs_hint = false} : vector<64x512xf32>, vector<64x64xf32>, vector<512x64xf32> -> vector<512x64xf32>
    %get3A_47 = arith.constant 0 : index
    %get3A_48 = arith.constant 0 : index
    %get3A_49 = vector.load %arg13[%get3A_47, %get3A_48] : memref<1x64xf32, #tpu.memory_space<vmem>>, vector<1x64xf32>
    %add3A_50 = vector.broadcast %get3A_49 : vector<1x64xf32> to vector<512x64xf32>
    %add3A_51 = arith.addf %dot_general3A_46, %add3A_50 : vector<512x64xf32>
    %swap3A_52 = arith.constant 0 : index
    %swap3A_53 = arith.constant 0 : index
    %swap3A_54 = arith.constant 0 : index
    %swap3A_55 = vector.load %arg16[%swap3A_52, %swap3A_53, %swap3A_54] : memref<1x512x64xf32, #tpu.memory_space<vmem>>, vector<1x512x64xf32>
    %swap3A_56 = vector.shape_cast %swap3A_55 : vector<1x512x64xf32> to vector<512x64xf32>
    %swap3A_57 = vector.shape_cast %add3A_31 : vector<512x64xf32> to vector<1x512x64xf32>
    tpu.vector_store %arg16[%swap3A_52, %swap3A_53, %swap3A_54], %swap3A_57 {strides = array<i32>} : memref<1x512x64xf32, #tpu.memory_space<vmem>>, vector<1x512x64xf32>,
    %concatenate3A = tpu.concatenate %add3A_41, %add3A_51 in 1 : vector<512x64xf32>, vector<512x64xf32> -> vector<512x128xf32>
    %swap3A_58 = arith.constant 0 : index
    %swap3A_59 = arith.constant 0 : index
    %swap3A_60 = arith.constant 0 : index
    %swap3A_61 = vector.load %arg17[%swap3A_58, %swap3A_59, %swap3A_60] : memref<1x512x128xf32, #tpu.memory_space<vmem>>, vector<1x512x128xf32>
    %swap3A_62 = vector.shape_cast %swap3A_61 : vector<1x512x128xf32> to vector<512x128xf32>
    %swap3A_63 = vector.shape_cast %concatenate3A : vector<512x128xf32> to vector<1x512x128xf32>
    tpu.vector_store %arg17[%swap3A_58, %swap3A_59, %swap3A_60], %swap3A_63 {strides = array<i32>} : memref<1x512x128xf32, #tpu.memory_space<vmem>>, vector<1x512x128xf32>,
    %get3A_64 = arith.constant 0 : index
    %get3A_65 = arith.constant 0 : index
    %get3A_66 = arith.constant 0 : index
    %get3A_67 = vector.load %arg3[%get3A_64, %get3A_65, %get3A_66] : memref<1x512x3xf32, #tpu.memory_space<vmem>>, vector<1x512x3xf32>
    %get3A_68 = vector.shape_cast %get3A_67 : vector<1x512x3xf32> to vector<512x3xf32>
    %get3A_69 = arith.constant 0 : index
    %get3A_70 = arith.constant 0 : index
    %get3A_71 = vector.load %arg14[%get3A_69, %get3A_70] : memref<64x3xf32, #tpu.memory_space<vmem>>, vector<64x3xf32>
    %dot_general3A_72 = arith.constant dense<0.000000e+00> : vector<512x64xf32>
    %dot_general3A_73 = tpu.matmul %get3A_68, %get3A_71, %dot_general3A_72 {dimension_numbers = #tpu.dot_dimension_numbers<[1], [1], [0], [0], [0, 0, 1, 0], [], []>, transpose_lhs_hint = false} : vector<512x3xf32>, vector<64x3xf32>, vector<512x64xf32> -> vector<512x64xf32>
    %broadcast_in_dim3A = arith.constant 0.000000e+00 : f32
    %broadcast_in_dim3A_74 = vector.broadcast %broadcast_in_dim3A : f32 to vector<512x64xf32>
    %concatenate3A_75 = tpu.concatenate %dot_general3A_73, %broadcast_in_dim3A_74 in 1 : vector<512x64xf32>, vector<512x64xf32> -> vector<512x128xf32>
    %swap3A_76 = arith.constant 0 : index
    %swap3A_77 = arith.constant 0 : index
    %swap3A_78 = arith.constant 0 : index
    %swap3A_79 = vector.load %arg18[%swap3A_76, %swap3A_77, %swap3A_78] : memref<1x512x128xf32, #tpu.memory_space<vmem>>, vector<1x512x128xf32>
    %swap3A_80 = vector.shape_cast %swap3A_79 : vector<1x512x128xf32> to vector<512x128xf32>
    %swap3A_81 = vector.shape_cast %concatenate3A_75 : vector<512x128xf32> to vector<1x512x128xf32>
    tpu.vector_store %arg18[%swap3A_76, %swap3A_77, %swap3A_78], %swap3A_81 {strides = array<i32>} : memref<1x512x128xf32, #tpu.memory_space<vmem>>, vector<1x512x128xf32>,
    %get3A_82 = arith.constant 0 : index
    %get3A_83 = arith.constant 0 : index
    %get3A_84 = arith.constant 0 : index
    %get3A_85 = vector.load %arg3[%get3A_82, %get3A_83, %get3A_84] : memref<1x512x3xf32, #tpu.memory_space<vmem>>, vector<1x512x1xf32>
    %get3A_86 = vector.shape_cast %get3A_85 : vector<1x512x1xf32> to vector<512x1xf32>
    %get3A_87 = arith.constant 0 : index
    %get3A_88 = arith.constant 0 : index
    %get3A_89 = arith.constant 1 : index
    %get3A_90 = vector.load %arg3[%get3A_87, %get3A_88, %get3A_89] : memref<1x512x3xf32, #tpu.memory_space<vmem>>, vector<1x512x1xf32>
    %get3A_91 = vector.shape_cast %get3A_90 : vector<1x512x1xf32> to vector<512x1xf32>
    %get3A_92 = arith.constant 0 : index
    %get3A_93 = arith.constant 0 : index
    %get3A_94 = arith.constant 2 : index
    %get3A_95 = vector.load %arg3[%get3A_92, %get3A_93, %get3A_94] : memref<1x512x3xf32, #tpu.memory_space<vmem>>, vector<1x512x1xf32>
    %get3A_96 = vector.shape_cast %get3A_95 : vector<1x512x1xf32> to vector<512x1xf32>
    %get3A_97 = arith.constant 0 : index
    %get3A_98 = arith.constant 0 : index
    %get3A_99 = arith.constant 0 : index
    %get3A_100 = vector.load %arg4[%get3A_97, %get3A_98, %get3A_99] : memref<1x3x2048xf32, #tpu.memory_space<vmem>>, vector<1x1x2048xf32>
    %get3A_101 = vector.shape_cast %get3A_100 : vector<1x1x2048xf32> to vector<1x2048xf32>
    %get3A_102 = arith.constant 0 : index
    %get3A_103 = arith.constant 1 : index
    %get3A_104 = arith.constant 0 : index
    %get3A_105 = vector.load %arg4[%get3A_102, %get3A_103, %get3A_104] : memref<1x3x2048xf32, #tpu.memory_space<vmem>>, vector<1x1x2048xf32>
    %get3A_106 = vector.shape_cast %get3A_105 : vector<1x1x2048xf32> to vector<1x2048xf32>
    %get3A_107 = arith.constant 0 : index
    %get3A_108 = arith.constant 2 : index
    %get3A_109 = arith.constant 0 : index
    %get3A_110 = vector.load %arg4[%get3A_107, %get3A_108, %get3A_109] : memref<1x3x2048xf32, #tpu.memory_space<vmem>>, vector<1x1x2048xf32>
    %get3A_111 = vector.shape_cast %get3A_110 : vector<1x1x2048xf32> to vector<1x2048xf32>
    %sub3A = vector.broadcast %get3A_86 : vector<512x1xf32> to vector<512x2048xf32>
    %sub3A_112 = vector.broadcast %get3A_101 : vector<1x2048xf32> to vector<512x2048xf32>
    %sub3A_113 = arith.subf %sub3A, %sub3A_112 : vector<512x2048xf32>
    %integer_pow3A = arith.mulf %sub3A_113, %sub3A_113 : vector<512x2048xf32>
    %sub3A_114 = vector.broadcast %get3A_91 : vector<512x1xf32> to vector<512x2048xf32>
    %sub3A_115 = vector.broadcast %get3A_106 : vector<1x2048xf32> to vector<512x2048xf32>
    %sub3A_116 = arith.subf %sub3A_114, %sub3A_115 : vector<512x2048xf32>
    %integer_pow3A_117 = arith.mulf %sub3A_116, %sub3A_116 : vector<512x2048xf32>
    %add3A_118 = arith.addf %integer_pow3A, %integer_pow3A_117 : vector<512x2048xf32>
    %sub3A_119 = vector.broadcast %get3A_96 : vector<512x1xf32> to vector<512x2048xf32>
    %sub3A_120 = vector.broadcast %get3A_111 : vector<1x2048xf32> to vector<512x2048xf32>
    %sub3A_121 = arith.subf %sub3A_119, %sub3A_120 : vector<512x2048xf32>
    %integer_pow3A_122 = arith.mulf %sub3A_121, %sub3A_121 : vector<512x2048xf32>
    %add3A_123 = arith.addf %add3A_118, %integer_pow3A_122 : vector<512x2048xf32>
    %iota3A = tpu.iota {dimensions = array<i32: 1>} : vector<512x2048xi32>
    %mul3A = arith.constant 2048 : i32
    %mul3A_124 = arith.muli %arg0, %mul3A : i32
    %argmin3A = tpu.reduce_index %add3A_123 {axis = 1 : i32, kind = #tpu.reduction_kind<arg_min>} : vector<512x2048xf32> -> vector<512xi32>
    %broadcast_in_dim3A_125 = vector.shape_cast %argmin3A : vector<512xi32> to vector<512x1xi32>
    %eq3A = vector.broadcast %broadcast_in_dim3A_125 : vector<512x1xi32> to vector<512x2048xi32>
    %eq3A_126 = arith.cmpi eq, %iota3A, %eq3A : vector<512x2048xi32>
    %jit3A = arith.constant 1.000000e+30 : f32
    %broadcast_in_dim3A_127 = vector.broadcast %jit3A : f32 to vector<512x2048xf32>
    %select_n3A = arith.select %eq3A_126, %broadcast_in_dim3A_127, %add3A_123 : vector<512x2048xi1>, vector<512x2048xf32>
    %argmin3A_128 = tpu.reduce_index %select_n3A {axis = 1 : i32, kind = #tpu.reduction_kind<arg_min>} : vector<512x2048xf32> -> vector<512xi32>
    %broadcast_in_dim3A_129 = vector.shape_cast %argmin3A_128 : vector<512xi32> to vector<512x1xi32>
    %eq3A_130 = vector.broadcast %broadcast_in_dim3A_129 : vector<512x1xi32> to vector<512x2048xi32>
    %eq3A_131 = arith.cmpi eq, %iota3A, %eq3A_130 : vector<512x2048xi32>
    %jit3A_132 = arith.constant 1.000000e+30 : f32
    %broadcast_in_dim3A_133 = vector.broadcast %jit3A_132 : f32 to vector<512x2048xf32>
    %select_n3A_134 = arith.select %eq3A_131, %broadcast_in_dim3A_133, %select_n3A : vector<512x2048xi1>, vector<512x2048xf32>
    %argmin3A_135 = tpu.reduce_index %select_n3A_134 {axis = 1 : i32, kind = #tpu.reduction_kind<arg_min>} : vector<512x2048xf32> -> vector<512xi32>
    %broadcast_in_dim3A_136 = vector.shape_cast %argmin3A_135 : vector<512xi32> to vector<512x1xi32>
    %eq3A_137 = vector.broadcast %broadcast_in_dim3A_136 : vector<512x1xi32> to vector<512x2048xi32>
    %eq3A_138 = arith.cmpi eq, %iota3A, %eq3A_137 : vector<512x2048xi32>
    %jit3A_139 = arith.constant 1.000000e+30 : f32
    %broadcast_in_dim3A_140 = vector.broadcast %jit3A_139 : f32 to vector<512x2048xf32>
    %select_n3A_141 = arith.select %eq3A_138, %broadcast_in_dim3A_140, %select_n3A_134 : vector<512x2048xi1>, vector<512x2048xf32>
    %argmin3A_142 = tpu.reduce_index %select_n3A_141 {axis = 1 : i32, kind = #tpu.reduction_kind<arg_min>} : vector<512x2048xf32> -> vector<512xi32>
    %broadcast_in_dim3A_143 = vector.shape_cast %argmin3A_142 : vector<512xi32> to vector<512x1xi32>
    %eq3A_144 = vector.broadcast %broadcast_in_dim3A_143 : vector<512x1xi32> to vector<512x2048xi32>
    %eq3A_145 = arith.cmpi eq, %iota3A, %eq3A_144 : vector<512x2048xi32>
    %jit3A_146 = arith.constant 1.000000e+30 : f32
    %broadcast_in_dim3A_147 = vector.broadcast %jit3A_146 : f32 to vector<512x2048xf32>
    %select_n3A_148 = arith.select %eq3A_145, %broadcast_in_dim3A_147, %select_n3A_141 : vector<512x2048xi1>, vector<512x2048xf32>
    %argmin3A_149 = tpu.reduce_index %select_n3A_148 {axis = 1 : i32, kind = #tpu.reduction_kind<arg_min>} : vector<512x2048xf32> -> vector<512xi32>
    %broadcast_in_dim3A_150 = vector.shape_cast %argmin3A_149 : vector<512xi32> to vector<512x1xi32>
    %eq3A_151 = vector.broadcast %broadcast_in_dim3A_150 : vector<512x1xi32> to vector<512x2048xi32>
    %eq3A_152 = arith.cmpi eq, %iota3A, %eq3A_151 : vector<512x2048xi32>
    %jit3A_153 = arith.constant 1.000000e+30 : f32
    %broadcast_in_dim3A_154 = vector.broadcast %jit3A_153 : f32 to vector<512x2048xf32>
    %select_n3A_155 = arith.select %eq3A_152, %broadcast_in_dim3A_154, %select_n3A_148 : vector<512x2048xi1>, vector<512x2048xf32>
    %argmin3A_156 = tpu.reduce_index %select_n3A_155 {axis = 1 : i32, kind = #tpu.reduction_kind<arg_min>} : vector<512x2048xf32> -> vector<512xi32>
    %broadcast_in_dim3A_157 = vector.shape_cast %argmin3A_156 : vector<512xi32> to vector<512x1xi32>
    %eq3A_158 = vector.broadcast %broadcast_in_dim3A_157 : vector<512x1xi32> to vector<512x2048xi32>
    %eq3A_159 = arith.cmpi eq, %iota3A, %eq3A_158 : vector<512x2048xi32>
    %jit3A_160 = arith.constant 1.000000e+30 : f32
    %broadcast_in_dim3A_161 = vector.broadcast %jit3A_160 : f32 to vector<512x2048xf32>
    %select_n3A_162 = arith.select %eq3A_159, %broadcast_in_dim3A_161, %select_n3A_155 : vector<512x2048xi1>, vector<512x2048xf32>
    %argmin3A_163 = tpu.reduce_index %select_n3A_162 {axis = 1 : i32, kind = #tpu.reduction_kind<arg_min>} : vector<512x2048xf32> -> vector<512xi32>
    %broadcast_in_dim3A_164 = vector.shape_cast %argmin3A_163 : vector<512xi32> to vector<512x1xi32>
    %eq3A_165 = vector.broadcast %broadcast_in_dim3A_164 : vector<512x1xi32> to vector<512x2048xi32>
    %eq3A_166 = arith.cmpi eq, %iota3A, %eq3A_165 : vector<512x2048xi32>
    %jit3A_167 = arith.constant 1.000000e+30 : f32
    %broadcast_in_dim3A_168 = vector.broadcast %jit3A_167 : f32 to vector<512x2048xf32>
    %select_n3A_169 = arith.select %eq3A_166, %broadcast_in_dim3A_168, %select_n3A_162 : vector<512x2048xi1>, vector<512x2048xf32>
    %argmin3A_170 = tpu.reduce_index %select_n3A_169 {axis = 1 : i32, kind = #tpu.reduction_kind<arg_min>} : vector<512x2048xf32> -> vector<512xi32>
    %broadcast_in_dim3A_171 = vector.shape_cast %argmin3A_170 : vector<512xi32> to vector<512x1xi32>
    %eq3A_172 = vector.broadcast %broadcast_in_dim3A_171 : vector<512x1xi32> to vector<512x2048xi32>
    %eq3A_173 = arith.cmpi eq, %iota3A, %eq3A_172 : vector<512x2048xi32>
    %jit3A_174 = arith.constant 1.000000e+30 : f32
    %broadcast_in_dim3A_175 = vector.broadcast %jit3A_174 : f32 to vector<512x2048xf32>
    %select_n3A_176 = arith.select %eq3A_173, %broadcast_in_dim3A_175, %select_n3A_169 : vector<512x2048xi1>, vector<512x2048xf32>
    %argmin3A_177 = tpu.reduce_index %select_n3A_176 {axis = 1 : i32, kind = #tpu.reduction_kind<arg_min>} : vector<512x2048xf32> -> vector<512xi32>
    %broadcast_in_dim3A_178 = vector.shape_cast %argmin3A_177 : vector<512xi32> to vector<512x1xi32>
    %eq3A_179 = vector.broadcast %broadcast_in_dim3A_178 : vector<512x1xi32> to vector<512x2048xi32>
    %eq3A_180 = arith.cmpi eq, %iota3A, %eq3A_179 : vector<512x2048xi32>
    %jit3A_181 = arith.constant 1.000000e+30 : f32
    %broadcast_in_dim3A_182 = vector.broadcast %jit3A_181 : f32 to vector<512x2048xf32>
    %select_n3A_183 = arith.select %eq3A_180, %broadcast_in_dim3A_182, %select_n3A_176 : vector<512x2048xi1>, vector<512x2048xf32>
    %argmin3A_184 = tpu.reduce_index %select_n3A_183 {axis = 1 : i32, kind = #tpu.reduction_kind<arg_min>} : vector<512x2048xf32> -> vector<512xi32>
    %broadcast_in_dim3A_185 = vector.shape_cast %argmin3A_184 : vector<512xi32> to vector<512x1xi32>
    %eq3A_186 = vector.broadcast %broadcast_in_dim3A_185 : vector<512x1xi32> to vector<512x2048xi32>
    %eq3A_187 = arith.cmpi eq, %iota3A, %eq3A_186 : vector<512x2048xi32>
    %jit3A_188 = arith.constant 1.000000e+30 : f32
    %broadcast_in_dim3A_189 = vector.broadcast %jit3A_188 : f32 to vector<512x2048xf32>
    %select_n3A_190 = arith.select %eq3A_187, %broadcast_in_dim3A_189, %select_n3A_183 : vector<512x2048xi1>, vector<512x2048xf32>
    %argmin3A_191 = tpu.reduce_index %select_n3A_190 {axis = 1 : i32, kind = #tpu.reduction_kind<arg_min>} : vector<512x2048xf32> -> vector<512xi32>
    %broadcast_in_dim3A_192 = vector.shape_cast %argmin3A_191 : vector<512xi32> to vector<512x1xi32>
    %eq3A_193 = vector.broadcast %broadcast_in_dim3A_192 : vector<512x1xi32> to vector<512x2048xi32>
    %eq3A_194 = arith.cmpi eq, %iota3A, %eq3A_193 : vector<512x2048xi32>
    %jit3A_195 = arith.constant 1.000000e+30 : f32
    %broadcast_in_dim3A_196 = vector.broadcast %jit3A_195 : f32 to vector<512x2048xf32>
    %select_n3A_197 = arith.select %eq3A_194, %broadcast_in_dim3A_196, %select_n3A_190 : vector<512x2048xi1>, vector<512x2048xf32>
    %argmin3A_198 = tpu.reduce_index %select_n3A_197 {axis = 1 : i32, kind = #tpu.reduction_kind<arg_min>} : vector<512x2048xf32> -> vector<512xi32>
    %broadcast_in_dim3A_199 = vector.shape_cast %argmin3A_198 : vector<512xi32> to vector<512x1xi32>
    %eq3A_200 = vector.broadcast %broadcast_in_dim3A_199 : vector<512x1xi32> to vector<512x2048xi32>
    %eq3A_201 = arith.cmpi eq, %iota3A, %eq3A_200 : vector<512x2048xi32>
    %jit3A_202 = arith.constant 1.000000e+30 : f32
    %broadcast_in_dim3A_203 = vector.broadcast %jit3A_202 : f32 to vector<512x2048xf32>
    %select_n3A_204 = arith.select %eq3A_201, %broadcast_in_dim3A_203, %select_n3A_197 : vector<512x2048xi1>, vector<512x2048xf32>
    %argmin3A_205 = tpu.reduce_index %select_n3A_204 {axis = 1 : i32, kind = #tpu.reduction_kind<arg_min>} : vector<512x2048xf32> -> vector<512xi32>
    %broadcast_in_dim3A_206 = vector.shape_cast %argmin3A_205 : vector<512xi32> to vector<512x1xi32>
    %eq3A_207 = vector.broadcast %broadcast_in_dim3A_206 : vector<512x1xi32> to vector<512x2048xi32>
    %eq3A_208 = arith.cmpi eq, %iota3A, %eq3A_207 : vector<512x2048xi32>
    %jit3A_209 = arith.constant 1.000000e+30 : f32
    %broadcast_in_dim3A_210 = vector.broadcast %jit3A_209 : f32 to vector<512x2048xf32>
    %select_n3A_211 = arith.select %eq3A_208, %broadcast_in_dim3A_210, %select_n3A_204 : vector<512x2048xi1>, vector<512x2048xf32>
    %argmin3A_212 = tpu.reduce_index %select_n3A_211 {axis = 1 : i32, kind = #tpu.reduction_kind<arg_min>} : vector<512x2048xf32> -> vector<512xi32>
    %broadcast_in_dim3A_213 = vector.shape_cast %argmin3A_212 : vector<512xi32> to vector<512x1xi32>
    %eq3A_214 = vector.broadcast %broadcast_in_dim3A_213 : vector<512x1xi32> to vector<512x2048xi32>
    %eq3A_215 = arith.cmpi eq, %iota3A, %eq3A_214 : vector<512x2048xi32>
    %jit3A_216 = arith.constant 1.000000e+30 : f32
    %broadcast_in_dim3A_217 = vector.broadcast %jit3A_216 : f32 to vector<512x2048xf32>
    %select_n3A_218 = arith.select %eq3A_215, %broadcast_in_dim3A_217, %select_n3A_211 : vector<512x2048xi1>, vector<512x2048xf32>
    %argmin3A_219 = tpu.reduce_index %select_n3A_218 {axis = 1 : i32, kind = #tpu.reduction_kind<arg_min>} : vector<512x2048xf32> -> vector<512xi32>
    %broadcast_in_dim3A_220 = vector.shape_cast %argmin3A_219 : vector<512xi32> to vector<512x1xi32>
    %eq3A_221 = vector.broadcast %broadcast_in_dim3A_220 : vector<512x1xi32> to vector<512x2048xi32>
    %eq3A_222 = arith.cmpi eq, %iota3A, %eq3A_221 : vector<512x2048xi32>
    %jit3A_223 = arith.constant 1.000000e+30 : f32
    %broadcast_in_dim3A_224 = vector.broadcast %jit3A_223 : f32 to vector<512x2048xf32>
    %select_n3A_225 = arith.select %eq3A_222, %broadcast_in_dim3A_224, %select_n3A_218 : vector<512x2048xi1>, vector<512x2048xf32>
    %argmin3A_226 = tpu.reduce_index %select_n3A_225 {axis = 1 : i32, kind = #tpu.reduction_kind<arg_min>} : vector<512x2048xf32> -> vector<512xi32>
    %broadcast_in_dim3A_227 = vector.shape_cast %argmin3A_226 : vector<512xi32> to vector<512x1xi32>
    %concatenate3A_228 = tpu.concatenate %broadcast_in_dim3A_125, %broadcast_in_dim3A_129, %broadcast_in_dim3A_136, %broadcast_in_dim3A_143, %broadcast_in_dim3A_150, %broadcast_in_dim3A_157, %broadcast_in_dim3A_164, %broadcast_in_dim3A_171, %broadcast_in_dim3A_178, %broadcast_in_dim3A_185, %broadcast_in_dim3A_192, %broadcast_in_dim3A_199, %broadcast_in_dim3A_206, %broadcast_in_dim3A_213, %broadcast_in_dim3A_220, %broadcast_in_dim3A_227 in 1 : vector<512x1xi32>, vector<512x1xi32>, vector<512x1xi32>, vector<512x1xi32>, vector<512x1xi32>, vector<512x1xi32>, vector<512x1xi32>, vector<512x1xi32>, vector<512x1xi32>, vector<512x1xi32>, vector<512x1xi32>, vector<512x1xi32>, vector<512x1xi32>, vector<512x1xi32>, vector<512x1xi32>, vector<512x1xi32> -> vector<512x16xi32>
    %add3A_229 = vector.broadcast %mul3A_124 : i32 to vector<512x16xi32>
    %add3A_230 = arith.addi %concatenate3A_228, %add3A_229 : vector<512x16xi32>
    %swap3A_231 = arith.constant 0 : index
    %swap3A_232 = arith.constant 0 : index
    %swap3A_233 = arith.constant 0 : index
    %swap3A_234 = vector.load %arg19[%swap3A_231, %swap3A_232, %swap3A_233] : memref<1x512x16xi32, #tpu.memory_space<vmem>>, vector<1x512x16xi32>
    %swap3A_235 = vector.shape_cast %swap3A_234 : vector<1x512x16xi32> to vector<512x16xi32>
    %swap3A_236 = vector.shape_cast %add3A_230 : vector<512x16xi32> to vector<1x512x16xi32>
    tpu.vector_store %arg19[%swap3A_231, %swap3A_232, %swap3A_233], %swap3A_236 {strides = array<i32>} : memref<1x512x16xi32, #tpu.memory_space<vmem>>, vector<1x512x16xi32>,
    return
  }
  func.func @transform_0(%arg0: i32, %arg1: i32) -> (i32, i32, i32) {
    %c0_i32 = arith.constant 0 : i32
    %c0_i32_0 = arith.constant 0 : i32
    return %arg0, %c0_i32, %arg1 : i32, i32, i32
  }
  func.func @transform_1(%arg0: i32, %arg1: i32) -> (i32, i32, i32) {
    %c0_i32 = arith.constant 0 : i32
    %c0_i32_0 = arith.constant 0 : i32
    return %arg0, %arg1, %c0_i32 : i32, i32, i32
  }
  func.func @transform_2(%arg0: i32, %arg1: i32) -> (i32, i32, i32) {
    %c0_i32 = arith.constant 0 : i32
    %c0_i32_0 = arith.constant 0 : i32
    %c0_i32_1 = arith.constant 0 : i32
    return %arg0, %c0_i32, %c0_i32_0 : i32, i32, i32
  }
  func.func @transform_3(%arg0: i32, %arg1: i32) -> (i32, i32) {
    %c0_i32 = arith.constant 0 : i32
    %c0_i32_0 = arith.constant 0 : i32
    %c0_i32_1 = arith.constant 0 : i32
    return %c0_i32, %c0_i32_0 : i32, i32
  }
  func.func @transform_4(%arg0: i32, %arg1: i32) -> (i32, i32) {
    %c0_i32 = arith.constant 0 : i32
    %c0_i32_0 = arith.constant 0 : i32
    %c0_i32_1 = arith.constant 0 : i32
    return %c0_i32, %c0_i32_0 : i32, i32
  }
  func.func @transform_5(%arg0: i32, %arg1: i32) -> (i32, i32) {
    %c0_i32 = arith.constant 0 : i32
    %c0_i32_0 = arith.constant 0 : i32
    %c0_i32_1 = arith.constant 0 : i32
    return %c0_i32, %c0_i32_0 : i32, i32
  }
  func.func @transform_6(%arg0: i32, %arg1: i32) -> (i32, i32) {
    %c0_i32 = arith.constant 0 : i32
    %c0_i32_0 = arith.constant 0 : i32
    %c0_i32_1 = arith.constant 0 : i32
    return %c0_i32, %c0_i32_0 : i32, i32
  }
  func.func @transform_7(%arg0: i32, %arg1: i32) -> (i32, i32) {
    %c0_i32 = arith.constant 0 : i32
    %c0_i32_0 = arith.constant 0 : i32
    %c0_i32_1 = arith.constant 0 : i32
    return %c0_i32, %c0_i32_0 : i32, i32
  }
  func.func @transform_8(%arg0: i32, %arg1: i32) -> (i32, i32) {
    %c0_i32 = arith.constant 0 : i32
    %c0_i32_0 = arith.constant 0 : i32
    %c0_i32_1 = arith.constant 0 : i32
    return %c0_i32, %c0_i32_0 : i32, i32
  }
  func.func @transform_9(%arg0: i32, %arg1: i32) -> (i32, i32) {
    %c0_i32 = arith.constant 0 : i32
    %c0_i32_0 = arith.constant 0 : i32
    %c0_i32_1 = arith.constant 0 : i32
    return %c0_i32, %c0_i32_0 : i32, i32
  }
  func.func @transform_10(%arg0: i32, %arg1: i32) -> (i32, i32) {
    %c0_i32 = arith.constant 0 : i32
    %c0_i32_0 = arith.constant 0 : i32
    %c0_i32_1 = arith.constant 0 : i32
    return %c0_i32, %c0_i32_0 : i32, i32
  }
  func.func @transform_11(%arg0: i32, %arg1: i32) -> (i32, i32) {
    %c0_i32 = arith.constant 0 : i32
    %c0_i32_0 = arith.constant 0 : i32
    %c0_i32_1 = arith.constant 0 : i32
    return %c0_i32, %c0_i32_0 : i32, i32
  }
  func.func @transform_12(%arg0: i32, %arg1: i32) -> (i32, i32) {
    %c0_i32 = arith.constant 0 : i32
    %c0_i32_0 = arith.constant 0 : i32
    %c0_i32_1 = arith.constant 0 : i32
    return %c0_i32, %c0_i32_0 : i32, i32
  }
  func.func @transform_13(%arg0: i32, %arg1: i32) -> (i32, i32, i32) {
    %c0_i32 = arith.constant 0 : i32
    %c0_i32_0 = arith.constant 0 : i32
    return %arg0, %c0_i32, %arg1 : i32, i32, i32
  }
  func.func @transform_14(%arg0: i32, %arg1: i32) -> (i32, i32, i32) {
    %c0_i32 = arith.constant 0 : i32
    %c0_i32_0 = arith.constant 0 : i32
    return %arg0, %arg1, %c0_i32 : i32, i32, i32
  }
  func.func @transform_15(%arg0: i32, %arg1: i32) -> (i32, i32, i32) {
    %c0_i32 = arith.constant 0 : i32
    %c0_i32_0 = arith.constant 0 : i32
    return %arg0, %arg1, %c0_i32 : i32, i32, i32
  }
  func.func @transform_16(%arg0: i32, %arg1: i32) -> (i32, i32, i32) {
    %c0_i32 = arith.constant 0 : i32
    %c0_i32_0 = arith.constant 0 : i32
    return %arg0, %arg1, %c0_i32 : i32, i32, i32
  }
  func.func @transform_17(%arg0: i32, %arg1: i32) -> (i32, i32, i32) {
    %c0_i32 = arith.constant 0 : i32
    %c0_i32_0 = arith.constant 0 : i32
    return %arg0, %arg1, %c0_i32 : i32, i32, i32
  }
}

module attributes {stable_mosaic.version = 14 : i64} {
  func.func @_attn_body(%arg0: i32, %arg1: i32, %arg2: memref<1x256x64xf32, #tpu.memory_space<vmem>>, %arg3: memref<1x256x3xf32, #tpu.memory_space<vmem>>, %arg4: memref<1x64x256xf32, #tpu.memory_space<vmem>>, %arg5: memref<16x256x128xf32, #tpu.memory_space<vmem>>, %arg6: memref<16x256x128xf32, #tpu.memory_space<vmem>>, %arg7: memref<64x3xf32, #tpu.memory_space<vmem>>, %arg8: memref<1x64xf32, #tpu.memory_space<vmem>>, %arg9: memref<64x64xf32, #tpu.memory_space<vmem>>, %arg10: memref<1x64xf32, #tpu.memory_space<vmem>>, %arg11: memref<64x64xf32, #tpu.memory_space<vmem>>, %arg12: memref<1x64xf32, #tpu.memory_space<vmem>>, %arg13: memref<64x64xf32, #tpu.memory_space<vmem>>, %arg14: memref<1x64xf32, #tpu.memory_space<vmem>>, %arg15: memref<64x64xf32, #tpu.memory_space<vmem>>, %arg16: memref<64x1xf32, #tpu.memory_space<vmem>>, %arg17: memref<1x64x256xf32, #tpu.memory_space<vmem>>) attributes {dimension_semantics = [#tpu.dimension_semantics<arbitrary>, #tpu.dimension_semantics<arbitrary>], iteration_bounds = array<i64: 2, 8>, scalar_prefetch = 0 : i64, scratch_operands = 0 : i64, tpu.core_type = #tpu.core_type<tc>, window_params = [{transform_indices = @transform_0, window_bounds = array<i64: 1, 256, 64>}, {transform_indices = @transform_1, window_bounds = array<i64: 1, 256, 3>}, {transform_indices = @transform_2, window_bounds = array<i64: 1, 64, 256>}, {transform_indices = @transform_3, window_bounds = array<i64: 16, 256, 128>}, {transform_indices = @transform_4, window_bounds = array<i64: 16, 256, 128>}, {pipeline_mode = #tpu.pipeline_mode<synchronous>, transform_indices = @transform_5, window_bounds = array<i64: 64, 3>}, {pipeline_mode = #tpu.pipeline_mode<synchronous>, transform_indices = @transform_6, window_bounds = array<i64: 1, 64>}, {pipeline_mode = #tpu.pipeline_mode<synchronous>, transform_indices = @transform_7, window_bounds = array<i64: 64, 64>}, {pipeline_mode = #tpu.pipeline_mode<synchronous>, transform_indices = @transform_8, window_bounds = array<i64: 1, 64>}, {pipeline_mode = #tpu.pipeline_mode<synchronous>, transform_indices = @transform_9, window_bounds = array<i64: 64, 64>}, {pipeline_mode = #tpu.pipeline_mode<synchronous>, transform_indices = @transform_10, window_bounds = array<i64: 1, 64>}, {pipeline_mode = #tpu.pipeline_mode<synchronous>, transform_indices = @transform_11, window_bounds = array<i64: 64, 64>}, {pipeline_mode = #tpu.pipeline_mode<synchronous>, transform_indices = @transform_12, window_bounds = array<i64: 1, 64>}, {pipeline_mode = #tpu.pipeline_mode<synchronous>, transform_indices = @transform_13, window_bounds = array<i64: 64, 64>}, {pipeline_mode = #tpu.pipeline_mode<synchronous>, transform_indices = @transform_14, window_bounds = array<i64: 64, 1>}, {transform_indices = @transform_15, window_bounds = array<i64: 1, 64, 256>}]} {
    %get3A = arith.constant 0 : index
    %get3A_0 = arith.constant 0 : index
    %get3A_1 = arith.constant 0 : index
    %get3A_2 = vector.load %arg3[%get3A, %get3A_0, %get3A_1] : memref<1x256x3xf32, #tpu.memory_space<vmem>>, vector<1x256x3xf32>
    %get3A_3 = vector.shape_cast %get3A_2 : vector<1x256x3xf32> to vector<256x3xf32>
    %get3A_4 = arith.constant 0 : index
    %get3A_5 = arith.constant 0 : index
    %get3A_6 = vector.load %arg7[%get3A_4, %get3A_5] : memref<64x3xf32, #tpu.memory_space<vmem>>, vector<64x3xf32>
    %dot_general3A = arith.constant dense<0.000000e+00> : vector<256x64xf32>
    %dot_general3A_7 = tpu.matmul %get3A_3, %get3A_6, %dot_general3A {dimension_numbers = #tpu.dot_dimension_numbers<[1], [1], [0], [0], [0, 0, 1, 0], [], []>, transpose_lhs_hint = false} : vector<256x3xf32>, vector<64x3xf32>, vector<256x64xf32> -> vector<256x64xf32>
    %get3A_8 = arith.constant 0 : index
    %get3A_9 = arith.constant 0 : index
    %get3A_10 = vector.load %arg8[%get3A_8, %get3A_9] : memref<1x64xf32, #tpu.memory_space<vmem>>, vector<1x64xf32>
    %add3A = vector.broadcast %get3A_10 : vector<1x64xf32> to vector<256x64xf32>
    %add3A_11 = arith.addf %dot_general3A_7, %add3A : vector<256x64xf32>
    %reshape3A = vector.shape_cast %add3A_11 : vector<256x64xf32> to vector<1x256x64xf32>
    %get3A_12 = arith.constant 0 : index
    %get3A_13 = arith.constant 0 : index
    %get3A_14 = arith.constant 0 : index
    %get3A_15 = vector.load %arg6[%get3A_12, %get3A_13, %get3A_14] : memref<16x256x128xf32, #tpu.memory_space<vmem>>, vector<16x256x64xf32>
    %sub3A = vector.broadcast %reshape3A : vector<1x256x64xf32> to vector<16x256x64xf32>
    %sub3A_16 = arith.subf %sub3A, %get3A_15 : vector<16x256x64xf32>
    %max3A = arith.constant 0.000000e+00 : f32
    %max3A_17 = vector.broadcast %max3A : f32 to vector<16x256x64xf32>
    %max3A_18 = arith.maximumf %sub3A_16, %max3A_17 : vector<16x256x64xf32>
    %reshape3A_19 = vector.shape_cast %max3A_18 : vector<16x256x64xf32> to vector<4096x64xf32>
    %get3A_20 = arith.constant 0 : index
    %get3A_21 = arith.constant 0 : index
    %get3A_22 = vector.load %arg9[%get3A_20, %get3A_21] : memref<64x64xf32, #tpu.memory_space<vmem>>, vector<64x64xf32>
    %dot_general3A_23 = arith.constant dense<0.000000e+00> : vector<4096x64xf32>
    %dot_general3A_24 = tpu.matmul %reshape3A_19, %get3A_22, %dot_general3A_23 {dimension_numbers = #tpu.dot_dimension_numbers<[1], [1], [0], [0], [0, 0, 1, 0], [], []>, transpose_lhs_hint = false} : vector<4096x64xf32>, vector<64x64xf32>, vector<4096x64xf32> -> vector<4096x64xf32>
    %get3A_25 = arith.constant 0 : index
    %get3A_26 = arith.constant 0 : index
    %get3A_27 = vector.load %arg10[%get3A_25, %get3A_26] : memref<1x64xf32, #tpu.memory_space<vmem>>, vector<1x64xf32>
    %add3A_28 = vector.broadcast %get3A_27 : vector<1x64xf32> to vector<4096x64xf32>
    %add3A_29 = arith.addf %dot_general3A_24, %add3A_28 : vector<4096x64xf32>
    %reshape3A_30 = vector.shape_cast %add3A_29 : vector<4096x64xf32> to vector<16x256x64xf32>
    %get3A_31 = arith.constant 0 : index
    %get3A_32 = arith.constant 0 : index
    %get3A_33 = arith.constant 0 : index
    %get3A_34 = vector.load %arg2[%get3A_31, %get3A_32, %get3A_33] : memref<1x256x64xf32, #tpu.memory_space<vmem>>, vector<1x256x64xf32>
    %get3A_35 = vector.shape_cast %get3A_34 : vector<1x256x64xf32> to vector<256x64xf32>
    %reshape3A_36 = vector.shape_cast %get3A_35 : vector<256x64xf32> to vector<1x256x64xf32>
    %get3A_37 = arith.constant 0 : index
    %get3A_38 = arith.constant 0 : index
    %get3A_39 = arith.constant 0 : index
    %get3A_40 = vector.load %arg5[%get3A_37, %get3A_38, %get3A_39] : memref<16x256x128xf32, #tpu.memory_space<vmem>>, vector<16x256x64xf32>
    %sub3A_41 = vector.broadcast %reshape3A_36 : vector<1x256x64xf32> to vector<16x256x64xf32>
    %sub3A_42 = arith.subf %sub3A_41, %get3A_40 : vector<16x256x64xf32>
    %add3A_43 = arith.addf %sub3A_42, %reshape3A_30 : vector<16x256x64xf32>
    %reshape3A_44 = vector.shape_cast %add3A_43 : vector<16x256x64xf32> to vector<4096x64xf32>
    %get3A_45 = arith.constant 0 : index
    %get3A_46 = arith.constant 0 : index
    %get3A_47 = vector.load %arg11[%get3A_45, %get3A_46] : memref<64x64xf32, #tpu.memory_space<vmem>>, vector<64x64xf32>
    %dot_general3A_48 = arith.constant dense<0.000000e+00> : vector<4096x64xf32>
    %dot_general3A_49 = tpu.matmul %reshape3A_44, %get3A_47, %dot_general3A_48 {dimension_numbers = #tpu.dot_dimension_numbers<[1], [1], [0], [0], [0, 0, 1, 0], [], []>, transpose_lhs_hint = false} : vector<4096x64xf32>, vector<64x64xf32>, vector<4096x64xf32> -> vector<4096x64xf32>
    %get3A_50 = arith.constant 0 : index
    %get3A_51 = arith.constant 0 : index
    %get3A_52 = vector.load %arg12[%get3A_50, %get3A_51] : memref<1x64xf32, #tpu.memory_space<vmem>>, vector<1x64xf32>
    %add3A_53 = vector.broadcast %get3A_52 : vector<1x64xf32> to vector<4096x64xf32>
    %add3A_54 = arith.addf %dot_general3A_49, %add3A_53 : vector<4096x64xf32>
    %max3A_55 = arith.constant 0.000000e+00 : f32
    %max3A_56 = vector.broadcast %max3A_55 : f32 to vector<4096x64xf32>
    %max3A_57 = arith.maximumf %add3A_54, %max3A_56 : vector<4096x64xf32>
    %get3A_58 = arith.constant 0 : index
    %get3A_59 = arith.constant 0 : index
    %get3A_60 = vector.load %arg13[%get3A_58, %get3A_59] : memref<64x64xf32, #tpu.memory_space<vmem>>, vector<64x64xf32>
    %dot_general3A_61 = arith.constant dense<0.000000e+00> : vector<4096x64xf32>
    %dot_general3A_62 = tpu.matmul %max3A_57, %get3A_60, %dot_general3A_61 {dimension_numbers = #tpu.dot_dimension_numbers<[1], [1], [0], [0], [0, 0, 1, 0], [], []>, transpose_lhs_hint = false} : vector<4096x64xf32>, vector<64x64xf32>, vector<4096x64xf32> -> vector<4096x64xf32>
    %get3A_63 = arith.constant 0 : index
    %get3A_64 = arith.constant 0 : index
    %get3A_65 = vector.load %arg14[%get3A_63, %get3A_64] : memref<1x64xf32, #tpu.memory_space<vmem>>, vector<1x64xf32>
    %add3A_66 = vector.broadcast %get3A_65 : vector<1x64xf32> to vector<4096x64xf32>
    %add3A_67 = arith.addf %dot_general3A_62, %add3A_66 : vector<4096x64xf32>
    %reshape3A_68 = vector.shape_cast %add3A_67 : vector<4096x64xf32> to vector<16x256x64xf32>
    %reduce_max3A = arith.constant dense<0xFF800000> : vector<256x64xf32>
    %reduce_max3A_69 = vector.multi_reduction <maximumf>, %reshape3A_68, %reduce_max3A [0] : vector<16x256x64xf32> to vector<256x64xf32>
    %broadcast_in_dim3A = vector.shape_cast %reduce_max3A_69 : vector<256x64xf32> to vector<1x256x64xf32>
    %sub3A_70 = vector.broadcast %broadcast_in_dim3A : vector<1x256x64xf32> to vector<16x256x64xf32>
    %sub3A_71 = arith.subf %reshape3A_68, %sub3A_70 : vector<16x256x64xf32>
    %exp3A = math.exp %sub3A_71 : vector<16x256x64xf32>
    %reduce_sum3A = arith.constant dense<0.000000e+00> : vector<256x64xf32>
    %reduce_sum3A_72 = vector.multi_reduction <add>, %exp3A, %reduce_sum3A [0] : vector<16x256x64xf32> to vector<256x64xf32>
    %broadcast_in_dim3A_73 = vector.shape_cast %reduce_sum3A_72 : vector<256x64xf32> to vector<1x256x64xf32>
    %div3A = arith.constant 1.000000e+00 : f32
    %div3A_74 = vector.broadcast %div3A : f32 to vector<1x256x64xf32>
    %div3A_75 = arith.divf %div3A_74, %broadcast_in_dim3A_73 : vector<1x256x64xf32>
    %mul3A = vector.broadcast %div3A_75 : vector<1x256x64xf32> to vector<16x256x64xf32>
    %mul3A_76 = arith.mulf %exp3A, %mul3A : vector<16x256x64xf32>
    %get3A_77 = arith.constant 0 : index
    %get3A_78 = arith.constant 0 : index
    %get3A_79 = arith.constant 64 : index
    %get3A_80 = vector.load %arg5[%get3A_77, %get3A_78, %get3A_79] : memref<16x256x128xf32, #tpu.memory_space<vmem>>, vector<16x256x64xf32>
    %add3A_81 = arith.addf %get3A_80, %reshape3A_30 : vector<16x256x64xf32>
    %mul3A_82 = arith.mulf %mul3A_76, %add3A_81 : vector<16x256x64xf32>
    %reduce_sum3A_83 = arith.constant dense<0.000000e+00> : vector<256x64xf32>
    %reduce_sum3A_84 = vector.multi_reduction <add>, %mul3A_82, %reduce_sum3A_83 [0] : vector<16x256x64xf32> to vector<256x64xf32>
    %get3A_85 = arith.constant 0 : index
    %get3A_86 = arith.constant 0 : index
    %get3A_87 = vector.load %arg15[%get3A_85, %get3A_86] : memref<64x64xf32, #tpu.memory_space<vmem>>, vector<64x64xf32>
    %dot_general3A_88 = arith.constant dense<0.000000e+00> : vector<64x256xf32>
    %dot_general3A_89 = tpu.matmul %get3A_87, %reduce_sum3A_84, %dot_general3A_88 {dimension_numbers = #tpu.dot_dimension_numbers<[1], [1], [0], [0], [0, 0, 1, 0], [], []>, transpose_lhs_hint = false} : vector<64x64xf32>, vector<256x64xf32>, vector<64x256xf32> -> vector<64x256xf32>
    %get3A_90 = arith.constant 0 : index
    %get3A_91 = arith.constant 0 : index
    %get3A_92 = vector.load %arg16[%get3A_90, %get3A_91] : memref<64x1xf32, #tpu.memory_space<vmem>>, vector<64x1xf32>
    %add3A_93 = vector.broadcast %get3A_92 : vector<64x1xf32> to vector<64x256xf32>
    %add3A_94 = arith.addf %dot_general3A_89, %add3A_93 : vector<64x256xf32>
    %get3A_95 = arith.constant 0 : index
    %get3A_96 = arith.constant 0 : index
    %get3A_97 = arith.constant 0 : index
    %get3A_98 = vector.load %arg4[%get3A_95, %get3A_96, %get3A_97] : memref<1x64x256xf32, #tpu.memory_space<vmem>>, vector<1x64x256xf32>
    %get3A_99 = vector.shape_cast %get3A_98 : vector<1x64x256xf32> to vector<64x256xf32>
    %add3A_100 = arith.addf %add3A_94, %get3A_99 : vector<64x256xf32>
    %swap3A = arith.constant 0 : index
    %swap3A_101 = arith.constant 0 : index
    %swap3A_102 = arith.constant 0 : index
    %swap3A_103 = vector.load %arg17[%swap3A, %swap3A_101, %swap3A_102] : memref<1x64x256xf32, #tpu.memory_space<vmem>>, vector<1x64x256xf32>
    %swap3A_104 = vector.shape_cast %swap3A_103 : vector<1x64x256xf32> to vector<64x256xf32>
    %swap3A_105 = vector.shape_cast %add3A_100 : vector<64x256xf32> to vector<1x64x256xf32>
    tpu.vector_store %arg17[%swap3A, %swap3A_101, %swap3A_102], %swap3A_105 {strides = array<i32>} : memref<1x64x256xf32, #tpu.memory_space<vmem>>, vector<1x64x256xf32>,
    return
  }
  func.func @transform_0(%arg0: i32, %arg1: i32) -> (i32, i32, i32) {
    %c0_i32 = arith.constant 0 : i32
    %c0_i32_0 = arith.constant 0 : i32
    return %arg0, %arg1, %c0_i32 : i32, i32, i32
  }
  func.func @transform_1(%arg0: i32, %arg1: i32) -> (i32, i32, i32) {
    %c0_i32 = arith.constant 0 : i32
    %c0_i32_0 = arith.constant 0 : i32
    return %arg0, %arg1, %c0_i32 : i32, i32, i32
  }
  func.func @transform_2(%arg0: i32, %arg1: i32) -> (i32, i32, i32) {
    %c0_i32 = arith.constant 0 : i32
    %c0_i32_0 = arith.constant 0 : i32
    return %arg0, %c0_i32, %arg1 : i32, i32, i32
  }
  func.func @transform_3(%arg0: i32, %arg1: i32) -> (i32, i32, i32) {
    %c0_i32 = arith.constant 0 : i32
    %c0_i32_0 = arith.constant 0 : i32
    return %arg0, %arg1, %c0_i32 : i32, i32, i32
  }
  func.func @transform_4(%arg0: i32, %arg1: i32) -> (i32, i32, i32) {
    %c0_i32 = arith.constant 0 : i32
    %c0_i32_0 = arith.constant 0 : i32
    return %arg0, %arg1, %c0_i32 : i32, i32, i32
  }
  func.func @transform_5(%arg0: i32, %arg1: i32) -> (i32, i32) {
    %c0_i32 = arith.constant 0 : i32
    %c0_i32_0 = arith.constant 0 : i32
    %c0_i32_1 = arith.constant 0 : i32
    return %c0_i32, %c0_i32_0 : i32, i32
  }
  func.func @transform_6(%arg0: i32, %arg1: i32) -> (i32, i32) {
    %c0_i32 = arith.constant 0 : i32
    %c0_i32_0 = arith.constant 0 : i32
    %c0_i32_1 = arith.constant 0 : i32
    return %c0_i32, %c0_i32_0 : i32, i32
  }
  func.func @transform_7(%arg0: i32, %arg1: i32) -> (i32, i32) {
    %c0_i32 = arith.constant 0 : i32
    %c0_i32_0 = arith.constant 0 : i32
    %c0_i32_1 = arith.constant 0 : i32
    return %c0_i32, %c0_i32_0 : i32, i32
  }
  func.func @transform_8(%arg0: i32, %arg1: i32) -> (i32, i32) {
    %c0_i32 = arith.constant 0 : i32
    %c0_i32_0 = arith.constant 0 : i32
    %c0_i32_1 = arith.constant 0 : i32
    return %c0_i32, %c0_i32_0 : i32, i32
  }
  func.func @transform_9(%arg0: i32, %arg1: i32) -> (i32, i32) {
    %c0_i32 = arith.constant 0 : i32
    %c0_i32_0 = arith.constant 0 : i32
    %c0_i32_1 = arith.constant 0 : i32
    return %c0_i32, %c0_i32_0 : i32, i32
  }
  func.func @transform_10(%arg0: i32, %arg1: i32) -> (i32, i32) {
    %c0_i32 = arith.constant 0 : i32
    %c0_i32_0 = arith.constant 0 : i32
    %c0_i32_1 = arith.constant 0 : i32
    return %c0_i32, %c0_i32_0 : i32, i32
  }
  func.func @transform_11(%arg0: i32, %arg1: i32) -> (i32, i32) {
    %c0_i32 = arith.constant 0 : i32
    %c0_i32_0 = arith.constant 0 : i32
    %c0_i32_1 = arith.constant 0 : i32
    return %c0_i32, %c0_i32_0 : i32, i32
  }
  func.func @transform_12(%arg0: i32, %arg1: i32) -> (i32, i32) {
    %c0_i32 = arith.constant 0 : i32
    %c0_i32_0 = arith.constant 0 : i32
    %c0_i32_1 = arith.constant 0 : i32
    return %c0_i32, %c0_i32_0 : i32, i32
  }
  func.func @transform_13(%arg0: i32, %arg1: i32) -> (i32, i32) {
    %c0_i32 = arith.constant 0 : i32
    %c0_i32_0 = arith.constant 0 : i32
    %c0_i32_1 = arith.constant 0 : i32
    return %c0_i32, %c0_i32_0 : i32, i32
  }
  func.func @transform_14(%arg0: i32, %arg1: i32) -> (i32, i32) {
    %c0_i32 = arith.constant 0 : i32
    %c0_i32_0 = arith.constant 0 : i32
    %c0_i32_1 = arith.constant 0 : i32
    return %c0_i32, %c0_i32_0 : i32, i32
  }
  func.func @transform_15(%arg0: i32, %arg1: i32) -> (i32, i32, i32) {
    %c0_i32 = arith.constant 0 : i32
    %c0_i32_0 = arith.constant 0 : i32
    return %arg0, %c0_i32, %arg1 : i32, i32, i32
  }
}

</mosaic_0001>

<sc_bundles>
// kernel: kernel.14.cloned.1.call-start
scs
__scs_entry_jumppad:
0x0: {  	(pc) =	sbr.rel $0x88, $3  }
0x1: {  	(tag) =	ssettag $0x0;
	lr =	simm.s32 $0x1  }
0x2: {  	[smem:$0x3F8C] =	sst lr;
	_ =	strace $0xD0000000  }
0x3: {  	_ = 	snop  }
0x4: {  	_ = 	snop  }
0x5: {  	_ = 	snop  }
0x6: {  	_ = 	snop  }
0x7: {  	_ = 	snop  }
__scs_overlays_trampoline_lowered:
0x8: {  	[smem:$0x3F9B] =	sst s0  }
0x9: {  	[smem:$0x3F9C] =	sst s1  }
0xa: {  	[smem:$0x3F9D] =	sst s2  }
0xb: {  	[smem:$0x3F9E] =	sst s3  }
0xc: {  	[smem:$0x3F9F] =	sst s4  }
0xd: {  	[smem:$0x3FA0] =	sst s5  }
0xe: {  	[smem:$0x3FA1] =	sst s6  }
0xf: {  	[smem:$0x3FA2] =	sst s7  }
0x10: {  	[smem:$0x3FA3] =	sst s8  }
0x11: {  	[smem:$0x3FA4] =	sst s9;
	s0 =	simm.s32 @!p0 $0x0  }
0x12: {  	s1 =	sld [smem:$0x3F8A];
	s0 =	simm.s32 @p0 $0x1  }
0x13: {  	[smem:$0x3FA5] =	sst s0;
	s0 =	simm.s32 @!p1 $0x0  }
0x14: {  	s2 =	sld [smem:$0x3F89];
	s0 =	simm.s32 @p1 $0x1  }
0x15: {  	[smem:$0x3FA6] =	sst s0;
	s0 =	simm.s32 @!p2 $0x0  }
0x16: {  	s3 =	sld [smem:$0x3FDB];
	s0 =	simm.s32 @p2 $0x1  }
0x17: {  	s4 =	simm.s32 $0x1BF5;
	[smem:$0x3FA8] =	sst s0  }
0x18: {  	s0 =	sld [smem:$0x3F8B];
	_ =	swait.ge [sflag:s4], $0x0  }
0x19: {  	s7 =	sld [smem:$0x3F8C]  }
0x1a: {  	s8 =	sadd.s32 $0xFFFFE003, lr  }
0x1b: {  	s9 =	sadd.s32 $0xFFFFFEF7, lr;
	s5 =	simm.s32 $0xFFFFFFFF;
	p2 =	slt.u32 s8, $0xFFFFF086  }
0x1c: {  	p1 =	slt.u32 s9, $0xF7A;
	s5 =	simm.s32 @!p2 $0x0  }
0x1d: {  	s5 =	simm.s32 @p1 $0x1;
	p0 =	seq.s32 s7, s2  }
0x1e: {  	s7 =	smul.u32 @!p0 $0xF7A, s2;
	p2 =	seq.s32 @!p0 s5, $0x0  }
0x1f: {  	s9 =	smul.u32 $0xF7A, s1;
	s8 =	simm.s32 @!p0 $0x1BF5;
	p2 =	por !p2, p0  }
0x20: {  	[sflag:s8] =	ssyncset.s32 @!p0 $0xFFFFF086;
	s6 =	sadd.s32 @!p0 s3, s7;
	s7 =	simm.s32 @!p0 $0x108  }
0x21: {  	s3 =	sadd.s32 s3, s9;
	s6 =	sadd.s32 @!p0 $0x88, s6;
	s7 =	simm.s32 @p2 $0x1082  }
0x22: {  	[simem:s7], [sflag:s8] =	dma.local @!p0 [hbm:s6], $0xF7A  }
0x23: {  	s9 =	sor.u32 $0xD0000000, s2;
	s6 =	simm.s32 $0x108;
	_ =	swait.ge @!p0 [sflag:s8], $0x0  }
0x24: {  	s3 =	sadd.s32 $0x88, s3;
	s6 =	simm.s32 @!p1 $0x1082;
	[sflag:s4] =	ssyncset.s32 $0xFFFFF086  }
0x25: {  	[simem:s6], [sflag:s4] =	dma.local [hbm:s3], $0xF7A  }
0x26: {  	[smem:$0x3F8C] =	sst s1;
	(tag) =	ssettag s2;
	_ =	strace s9  }
0x27: {  	s1 =	sld [smem:$0x3F9C]  }
0x28: {  	s2 =	sld [smem:$0x3F9D]  }
0x29: {  	s4 =	sld [smem:$0x3F9F]  }
0x2a: {  	p0 =	seq.s32 s5, $0x0;
	s5 =	sld [smem:$0x3FA0]  }
0x2b: {  	s6 =	sld [smem:$0x3FA1]  }
0x2c: {  	s7 =	sld [smem:$0x3FA2]  }
0x2d: {  	s3 =	simm.s32 $0x108;
	s8 =	sld [smem:$0x3FA3]  }
0x2e: {  	s3 =	simm.s32 @!p0 $0x1082;
	s9 =	sld [smem:$0x3FA4]  }
0x2f: {  	lr =	sadd.s32 s0, s3;
	s0 =	sld [smem:$0x3F9B]  }
0x30: {  	s3 =	sld [smem:$0x3F9E]  }
0x31: {  	[smem:$0x3FA7] =	sst s10  }
0x32: {  	s10 =	sld [smem:$0x3FA5];
	_ =	sdelay $0x3  }
0x33: {  	p0 =	seq.s32 s10, $0x1;
	s10 =	sld [smem:$0x3FA7];
	_ =	sdelay $0x3  }
0x34: {  	[smem:$0x3FA7] =	sst s10  }
0x35: {  	s10 =	sld [smem:$0x3FA6];
	_ =	sdelay $0x3  }
0x36: {  	p1 =	seq.s32 s10, $0x1;
	s10 =	sld [smem:$0x3FA7];
	_ =	sdelay $0x3  }
0x37: {  	[smem:$0x3FA7] =	sst s10  }
0x38: {  	s10 =	sld [smem:$0x3FA8]  }
0x39: {  	_ = 	snop;
	(pc) =	sbr.ind lr, $3  }
0x3a: {  	_ = 	snop  }
0x3b: {  	_ = 	snop  }
0x3c: {  	p2 =	seq.s32 s10, $0x1;
	s10 =	sld [smem:$0x3FA7]  }
0x3d: {  	_ =	shalt  }
0x3e: {  	_ =	shalt  }
0x3f: {  	_ =	shalt  }
0x40: {  	_ =	shalt  }
0x41: {  	_ =	shalt  }
0x42: {  	_ =	shalt  }
0x43: {  	_ =	shalt  }
0x44: {  	_ =	shalt  }
0x45: {  	_ =	shalt  }
0x46: {  	_ =	shalt  }
0x47: {  	_ =	shalt  }
0x48: {  	_ =	shalt  }
0x49: {  	_ =	shalt  }
0x4a: {  	_ =	shalt  }
0x4b: {  	_ =	shalt  }
0x4c: {  	_ =	shalt  }
0x4d: {  	_ =	shalt  }
0x4e: {  	_ =	shalt  }
0x4f: {  	_ =	shalt  }
0x50: {  	_ =	shalt  }
0x51: {  	_ =	shalt  }
0x52: {  	_ =	shalt  }
0x53: {  	_ =	shalt  }
0x54: {  	_ =	shalt  }
0x55: {  	_ =	shalt  }
0x56: {  	_ =	shalt  }
0x57: {  	_ =	shalt  }
0x58: {  	_ =	shalt  }
0x59: {  	_ =	shalt  }
0x5a: {  	_ =	shalt  }
0x5b: {  	_ =	shalt  }
0x5c: {  	_ =	shalt  }
0x5d: {  	_ =	shalt  }
0x5e: {  	_ =	shalt  }
0x5f: {  	_ =	shalt  }
0x60: {  	_ =	shalt  }
0x61: {  	_ =	shalt  }
0x62: {  	_ =	shalt  }
0x63: {  	_ =	shalt  }
0x64: {  	_ =	shalt  }
0x65: {  	_ =	shalt  }
0x66: {  	_ =	shalt  }
0x67: {  	_ =	shalt  }
0x68: {  	_ =	shalt  }
0x69: {  	_ =	shalt  }
0x6a: {  	_ =	shalt  }
0x6b: {  	_ =	shalt  }
0x6c: {  	_ =	shalt  }
0x6d: {  	_ =	shalt  }
0x6e: {  	_ =	shalt  }
0x6f: {  	_ =	shalt  }
0x70: {  	_ =	shalt  }
0x71: {  	_ =	shalt  }
0x72: {  	_ =	shalt  }
0x73: {  	_ =	shalt  }
0x74: {  	_ =	shalt  }
0x75: {  	_ =	shalt  }
0x76: {  	_ =	shalt  }
0x77: {  	_ =	shalt  }
0x78: {  	_ =	shalt  }
0x79: {  	_ =	shalt  }
0x7a: {  	_ =	shalt  }
0x7b: {  	_ =	shalt  }
0x7c: {  	_ =	shalt  }
0x7d: {  	_ =	shalt  }
0x7e: {  	_ =	shalt  }
0x7f: {  	_ =	shalt  }
0x80: {  	_ =	shalt  }
0x81: {  	_ =	shalt  }
0x82: {  	_ =	shalt  }
0x83: {  	_ =	shalt  }
0x84: {  	_ =	shalt  }
0x85: {  	_ =	shalt  }
0x86: {  	_ =	shalt  }
0x87: {  	_ =	shalt  }
.Lfunc_end0:
.L_simem_size_0:
called_computation_lowered:
.L_overlay_start_0:
0x88: {  	s2 =	sld [smem:$0x3FD9]  }
0x89: {  	s3 =	sld [smem:$0x3FFE];
	_ =	sdelay $0x1  }
0x8a: {  	s1 =	srdreg.scid  }
0x8b: {  	s0 =	sand.u32 $0x1, s1  }
0x8c: {  	s17 =	sshll.u32 s0, $0xA;
	s2 =	sadd.s32 s3, s2  }
0x8d: {  	s2 =	sadd.s32 s2, s17  }
0x8e: {  	[smem:$0x3FB3] =	sst s2  }
0x8f: {  	_ = 	snop  }
0x90: {  	(tm) =	ssettm $0x1  }
0x91: {  	s18 =	sld [smem:$0x3FFB];
	_ =	sdelay $0x3  }
0x92: {  	_ =	strace s18  }
0x93: {  	s2 =	sld [smem:$0x3FFC];
	_ =	sdelay $0x3  }
0x94: {  	_ =	strace s2  }
0x95: {  	s2 =	sld [smem:$0x3FFD];
	_ =	sdelay $0x3  }
0x96: {  	_ =	strace s2  }
0x97: {  	_ =	strace $0x8FFFFFFF  }
0x98: {  	s19 =	sld [smem:$0x3FDB];
	_ =	sdelay $0x1  }
0x99: {  	s20 =	simm.s32 $_scs_section_size  }
0x9a: {  	s4 =	simm.s32 $_size__tile_overlayer_lowered;
	s5 =	simm.s32 $_tile_overlayer_lowered  }
0x9b: {  	s6 =	simm.s32 $0x1BFF;
	s21 =	sshll.u32 s5, $0x1;
	s3 =	sadd.s32 s20, s19  }
0x9c: {  	s22 =	simm.s32 $0x0;
	s4 =	sshll.u32 s4, $0x1;
	s5 =	sadd.s32 s21, s3  }
0x9d: {  	[timem:s22], [sflag:s6] =	dma.local [hbm:s5], s4  }
0x9e: {  	_ =	swait.ge [sflag:s6], s4  }
0x9f: {  	s4 =	ssub.s32 $0x0, s4;
	[sflag:s6] =	ssyncset.done $0x0  }
0xa0: {  	[sflag:s6] =	ssyncadd.s32 s4;
	_ =	sdelay $0x1  }
0xa1: {  	s23 =	simm.s32 $0x1B8B  }
0xa2: {  	_ =	swait.ge [sflag:s23], $0x1  }
0xa3: {  	[sflag:s23] =	ssyncset.done $0x0  }
0xa4: {  	[sflag:s23] =	ssyncadd.s32 $0xFFFFFFFF  }
0xa5: {  	s4 =	sld [smem:$0x0]  }
0xa6: {  	s5 =	sand.u32 $0xFFFFFFFE, s1  }
0xa7: {  	p0 =	sne.s32 s1, s5  }
0xa8: {  	s5 =	sshll.u32 @p0 s5, $0xE  }
0xa9: {  	s5 =	sadd.s32 @p0 $0x11B8D, s5;
	s6 =	sshll.u32 @p0 s4, $0x11  }
0xaa: {  	s5 =	sor.u32 @p0 s6, s5  }
0xab: {  	[sflag:s5] =	ssyncadd.remote.s32 @p0 $0x1;
	_ =	sdelay $0x1  }
0xac: {  	s5 =	simm.s32 @p0 $0x1B8D  }
0xad: {  	_ =	swait.eq @p0 [sflag:s5], $0x1  }
0xae: {  	[sflag:s5] =	ssyncadd.s32 @p0 $0xFFFFFFFF  }
0xaf: {  	s6 =	sshll.u32 @!p0 s1, $0xE  }
0xb0: {  	s6 =	sor.u32 @!p0 $0x4000, s6;
	s5 =	simm.s32 @!p0 $0x1B8D  }
0xb1: {  	s4 =	sshll.u32 @!p0 s4, $0x11;
	s6 =	sadd.s32 @!p0 $0x11B8D, s6;
	_ =	swait.eq @!p0 [sflag:s5], $0x1  }
0xb2: {  	s4 =	sor.u32 @!p0 s4, s6;
	[sflag:s5] =	ssyncadd.s32 @!p0 $0xFFFFFFFF  }
0xb3: {  	s25 =	simm.s32 $0x1B8E;
	s24 =	sld [smem:$0x3FFE];
	[sflag:s4] =	ssyncadd.remote.s32 @!p0 $0x1  }
0xb4: {  	s26 =	simm.s32 $execute0_lowered;
	[smem:$0x3FD2] =	sst s25  }
0xb5: {  	s5 =	sshll.u32 s26, $0x1;
	_ =	strace $0x8000004F;
	[dreg:$0x1] =	wrdreg $0xFFFFFFFF  }
0xb6: {  	s28 =	simm.s32 $_size_execute0_lowered;
	s3 =	sadd.s32 s3, s5;
	[dreg:$0x0] =	wrdreg $0x0  }
0xb7: {  	s5 =	sshll.u32 s28, $0x1;
	[dreg:$0x2] =	wrdreg s3  }
0xb8: {  	[dreg:$0x3] =	wrdreg s5  }
0xb9: {  	[dreg:$0x4] =	wrdreg $0xC0  }
0xba: {  	_ =	task [dreg:s22], $0x5FFFF  }
0xbb: {  	[dreg:$0x1] =	wrdreg $0xFFFFFFFF  }
0xbc: {  	[dreg:$0x0] =	wrdreg $0x60  }
0xbd: {  	[dreg:$0x2] =	wrdreg s24  }
0xbe: {  	[dreg:$0x3] =	wrdreg $0x9  }
0xbf: {  	_ =	task.clear_ibuf [dreg:s22], $0x4FFFF;
	_ =	strace $0x9000004F  }
0xc0: {  	s29 =	simm.s32 $0x9;
	_ =	strace $0x80000051  }
0xc1: {  	_ =	swait.ge [sflag:s29], $0x1  }
0xc2: {  	[sflag:s29] =	ssyncadd.s32 $0xFFFFFFFF  }
0xc3: {  	_ =	strace $0x90000051  }
0xc4: {  	_ =	sfence  }
0xc5: {  	s30 =	sld [smem:$0x0];
	_ =	sdelay $0x2  }
0xc6: {  	s31 =	sshll.u32 s1, $0xD;
	s1 =	sshrl.u32 s1, $0x2  }
0xc7: {  	s4 =	sand.u32 $0x4000, s31;
	s1 =	sadd.s32 s1, s30  }
0xc8: {  	s0 =	sor.u32 s4, s0;
	s1 =	sshll.u32 s1, $0x11  }
0xc9: {  	s0 =	sor.u32 s1, s0  }
0xca: {  	s0 =	sadd.s32 $0x8F2B, s0  }
0xcb: {  	[sflag:s0] =	ssyncadd.remote.s32 $0x1  }
0xcc: {  	_ =	sfence.sel $0xFFFF  }
0xcd: {  	[dreg:$0x0] =	wrdreg $0xFFFFFFFF;
	(pc) =	sbr.abs _section_cstart, $3  }
0xce: {  	[dreg:$0x1] =	wrdreg $0xFFFFFFFF  }
0xcf: {  	_ =	task.clear_ibuf [dreg:s22], $0x2FFFF;
	_ =	strace $0x9FFFFFFF  }
0xd0: {  	(tm) =	ssettm $0x7FFFFFFF  }
0xd1: {  	_ =	shalt  }
tec
execute0_lowered:
.L_overlay_start_1:
0x0: {  	(tag) =	ssettag $0x1  }
0x1: {  	s1 =	srdreg.scid  }
0x2: {  	s0 =	stileid.u32;
	s5 =	rddreg [dreg:$0x0];
	s2 =	simm.s32 $0x0  }
0x3: {  	s17 =	simm.s32 $0x4800;
	s18 =	simm.s32 $0xC800;
	s19 =	simm.s32 $0x1  }
0x4: {  	s20 =	simm.s32 $0x2;
	s21 =	simm.s32 $0x3;
	s22 =	simm.s32 $0x4  }
0x5: {  	s23 =	simm.s32 $0x0;
	s10 =	sand.u32 $0x1, s1;
	s1 =	rddreg [dreg:$0x1]  }
0x6: {  	s3 =	sshll.u32 s0, $0xC;
	[smem:$0x7FF] =	sst s2;
	s12 =	sadd.s32 $0x67E600, s5  }
0x7: {  	s13 =	sadd.s32 $0x77E600, s5;
	s14 =	sshll.u32 s0, $0x10;
	s4 =	sshll.u32 s10, $0xB  }
0x8: {  	_ =	strace $0x80000050;
	s8 =	ssub.s32 $0x2, s10;
	s15 =	sadd.s32 s14, s13  }
0x9: {  	s16 =	sshll.u32 s10, $0xF;
	s6 =	sor.u32 s4, s3;
	s4 =	sadd.s32 $0x65C600, s5  }
0xa: {  	s9 =	sshrl.u32 s8, $0x1;
	s3 =	sshrl.u32 s6, $0x3;
	s11 =	sshll.u32 s6, $0x4  }
0xb: {  	s30 =	ssub.s32 s8, s9;
	s7 =	sadd.s32 s3, s5;
	s3 =	sadd.s32 $0x66C600, s5  }
0xc: {  	s31 =	sor.u32 $0x7000, s11;
	s6 =	smax.u32 s30, $0x1;
	s11 =	sor.u32 $0x7800, s11  }
0xd: {  	s5 =	sadd.s32 $0x67C600, s7;
	s7 =	sadd.s32 s12, s31;
	s8 =	sadd.s32 s13, s31  }
0xe: {  	s9 =	sadd.s32 s12, s11;
	s10 =	sadd.s32 s13, s11;
	s11 =	sadd.s32 s16, s15  }
0xf: {  	s12 =	sadd.s32 s14, s12;
	s13 =	simm.s32 $0x5;
	s14 =	simm.s32 $0x80  }
0x10: {  	s15 =	simm.s32 $0x800;
	s12 =	sadd.s32 s16, s12;
	s16 =	simm.s32 $0x8800  }
.LBB2_1:
0x11: {  	[tilespmem:s2], [sflag:$0x5] =	stream.linear.gather [hbm4b:s5+s2], $0x800, $0x38;
	[tilespmem:$0x10800] =	vst v63  }
0x12: {  	_ =	swait.ge [sflag:s13], $0x800  }
0x13: {  	[sflag:s13] =	ssyncset.done $0x0  }
0x14: {  	[sflag:s13] =	ssyncadd.s32 $0xFFFFF800  }
0x15: {  	[tilespmem:s15], [sflag:$0x1] =	stream.indirect.gather [hbm4b:s3+s14], $0x80, s2, s14, $0xb8;
	[tilespmem:$0x10800] =	vst v63  }
0x16: {  	_ = 	snop  }
0x17: {  	[tilespmem:s16], [sflag:$0x1] =	stream.indirect.gather [hbm4b:s4+s14], $0x80, s2, s14, $0xb8;
	[tilespmem:$0x10800] =	vst v63  }
0x18: {  	_ = 	snop  }
0x19: {  	[tilespmem:s17], [sflag:$0x2] =	stream.indirect.gather [hbm4b:s3+s14], $0x80, s14, s14, $0xb8;
	[tilespmem:$0x10800] =	vst v63  }
0x1a: {  	_ = 	snop  }
0x1b: {  	[tilespmem:s18], [sflag:$0x2] =	stream.indirect.gather [hbm4b:s4+s14], $0x80, s14, s14, $0xb8;
	[tilespmem:$0x10800] =	vst v63  }
0x1c: {  	_ =	swait.ge [sflag:s19], $0x4000  }
0x1d: {  	[sflag:s19] =	ssyncset.done $0x0  }
0x1e: {  	[sflag:s19] =	ssyncadd.s32 $0xFFFFC000  }
0x1f: {  	_ =	swait.ge [sflag:s19], $0x4000  }
0x20: {  	[sflag:s19] =	ssyncset.done $0x0  }
0x21: {  	s24 =	sadd.s32 $0x0, s12;
	[sflag:s19] =	ssyncadd.s32 $0xFFFFC000  }
0x22: {  	[hbm4b:s24+s2] =	stream.linear.scatter [tilespmem:s15], [sflag:$0x3], $0x4000, $0x38;
	[tilespmem:$0x10800] =	vst v63  }
0x23: {  	s25 =	sadd.s32 $0x0, s11  }
0x24: {  	[hbm4b:s25+s2] =	stream.linear.scatter [tilespmem:s16], [sflag:$0x3], $0x4000, $0x38;
	[tilespmem:$0x10800] =	vst v63  }
0x25: {  	_ =	swait.ge [sflag:s20], $0x4000  }
0x26: {  	[sflag:s20] =	ssyncset.done $0x0  }
0x27: {  	[sflag:s20] =	ssyncadd.s32 $0xFFFFC000  }
0x28: {  	_ =	swait.ge [sflag:s20], $0x4000  }
0x29: {  	[sflag:s20] =	ssyncset.done $0x0  }
0x2a: {  	s24 =	sadd.s32 $0x800, s24;
	[sflag:s20] =	ssyncadd.s32 $0xFFFFC000  }
0x2b: {  	[hbm4b:s24+s2] =	stream.linear.scatter [tilespmem:s17], [sflag:$0x4], $0x4000, $0x38;
	[tilespmem:$0x10800] =	vst v63  }
0x2c: {  	s30 =	sadd.s32 $0x800, s25  }
0x2d: {  	[hbm4b:s30+s2] =	stream.linear.scatter [tilespmem:s18], [sflag:$0x4], $0x4000, $0x38;
	[tilespmem:$0x10800] =	vst v63  }
0x2e: {  	_ =	swait.ge [sflag:s21], $0x4000  }
0x2f: {  	[sflag:s21] =	ssyncset.done $0x0  }
0x30: {  	[sflag:s21] =	ssyncadd.s32 $0xFFFFC000  }
0x31: {  	_ =	swait.ge [sflag:s21], $0x4000  }
0x32: {  	[sflag:s21] =	ssyncset.done $0x0  }
0x33: {  	s31 =	simm.s32 $0x100;
	[sflag:s21] =	ssyncadd.s32 $0xFFFFC000  }
0x34: {  	[tilespmem:s15], [sflag:$0x1] =	stream.indirect.gather [hbm4b:s3+s14], $0x80, s31, s14, $0xb8;
	[tilespmem:$0x10800] =	vst v63  }
0x35: {  	_ = 	snop  }
0x36: {  	[tilespmem:s16], [sflag:$0x1] =	stream.indirect.gather [hbm4b:s4+s14], $0x80, s31, s14, $0xb8;
	[tilespmem:$0x10800] =	vst v63  }
0x37: {  	_ =	swait.ge [sflag:s22], $0x4000  }
0x38: {  	[sflag:s22] =	ssyncset.done $0x0  }
0x39: {  	[sflag:s22] =	ssyncadd.s32 $0xFFFFC000  }
0x3a: {  	_ =	swait.ge [sflag:s22], $0x4000  }
0x3b: {  	s26 =	simm.s32 $0x280;
	[sflag:s22] =	ssyncset.done $0x0  }
0x3c: {  	s25 =	simm.s32 $0x1000;
	s24 =	simm.s32 $0x180;
	[sflag:s22] =	ssyncadd.s32 $0xFFFFC000  }
0x3d: {  	[tilespmem:s17], [sflag:$0x2] =	stream.indirect.gather [hbm4b:s3+s14], $0x80, s24, s14, $0xb8;
	[tilespmem:$0x10800] =	vst v63  }
.LBB2_2:
0x3e: {  	[tilespmem:s18], [sflag:$0x2] =	stream.indirect.gather [hbm4b:s4+s14], $0x80, s24, s14, $0xb8;
	[tilespmem:$0x10800] =	vst v63  }
0x3f: {  	s28 =	smov.u32 s25;
	s24 =	smov.u32 s26  }
0x40: {  	p0 =	sne.s32 s25, $0x6000;
	s25 =	sadd.s32 $0x1000, s25;
	_ =	swait.ge [sflag:s19], $0x4000  }
0x41: {  	[sflag:s19] =	ssyncset.done $0x0  }
0x42: {  	[sflag:s19] =	ssyncadd.s32 $0xFFFFC000  }
0x43: {  	_ =	swait.ge [sflag:s19], $0x4000  }
0x44: {  	[sflag:s19] =	ssyncset.done $0x0  }
0x45: {  	s29 =	sadd.s32 s28, s12;
	[sflag:s19] =	ssyncadd.s32 $0xFFFFC000  }
0x46: {  	[hbm4b:s29+s2] =	stream.linear.scatter [tilespmem:s15], [sflag:$0x3], $0x4000, $0x38;
	[tilespmem:$0x10800] =	vst v63  }
0x47: {  	s28 =	sadd.s32 s28, s11  }
0x48: {  	[hbm4b:s28+s2] =	stream.linear.scatter [tilespmem:s16], [sflag:$0x3], $0x4000, $0x38;
	[tilespmem:$0x10800] =	vst v63  }
0x49: {  	_ =	swait.ge [sflag:s20], $0x4000  }
0x4a: {  	[sflag:s20] =	ssyncset.done $0x0  }
0x4b: {  	[sflag:s20] =	ssyncadd.s32 $0xFFFFC000  }
0x4c: {  	_ =	swait.ge [sflag:s20], $0x4000  }
0x4d: {  	[sflag:s20] =	ssyncset.done $0x0  }
0x4e: {  	s29 =	sadd.s32 $0x800, s29;
	[sflag:s20] =	ssyncadd.s32 $0xFFFFC000  }
0x4f: {  	[hbm4b:s29+s2] =	stream.linear.scatter [tilespmem:s17], [sflag:$0x4], $0x4000, $0x38;
	[tilespmem:$0x10800] =	vst v63  }
0x50: {  	s28 =	sadd.s32 $0x800, s28  }
0x51: {  	[hbm4b:s28+s2] =	stream.linear.scatter [tilespmem:s18], [sflag:$0x4], $0x4000, $0x38;
	[tilespmem:$0x10800] =	vst v63  }
0x52: {  	_ =	swait.ge [sflag:s21], $0x4000  }
0x53: {  	[sflag:s21] =	ssyncset.done $0x0  }
0x54: {  	[sflag:s21] =	ssyncadd.s32 $0xFFFFC000  }
0x55: {  	_ =	swait.ge [sflag:s21], $0x4000  }
0x56: {  	[sflag:s21] =	ssyncset.done $0x0  }
0x57: {  	s28 =	sadd.s32 $0xFFFFFF80, s26;
	[sflag:s21] =	ssyncadd.s32 $0xFFFFC000  }
0x58: {  	[tilespmem:s15], [sflag:$0x1] =	stream.indirect.gather [hbm4b:s3+s14], $0x80, s28, s14, $0xb8;
	[tilespmem:$0x10800] =	vst v63  }
0x59: {  	_ = 	snop  }
0x5a: {  	[tilespmem:s16], [sflag:$0x1] =	stream.indirect.gather [hbm4b:s4+s14], $0x80, s28, s14, $0xb8;
	[tilespmem:$0x10800] =	vst v63  }
0x5b: {  	_ =	swait.ge [sflag:s22], $0x4000  }
0x5c: {  	[sflag:s22] =	ssyncset.done $0x0  }
0x5d: {  	[sflag:s22] =	ssyncadd.s32 $0xFFFFC000  }
.Ltmp0:
0x5e: {  	_ =	swait.ge [sflag:s22], $0x4000;
	(pc) =	sbr.rel @p0 .LBB2_2-.Ltmp0, $4  }
0x5f: {  	[sflag:s22] =	ssyncset.done $0x0  }
0x60: {  	[sflag:s22] =	ssyncadd.s32 $0xFFFFC000  }
0x61: {  	[tilespmem:s17], [sflag:$0x2] =	stream.indirect.gather [hbm4b:s3+s14], $0x80, s26, s14, $0xb8;
	[tilespmem:$0x10800] =	vst v63  }
0x62: {  	s26 =	sadd.s32 $0x100, s26  }
0x63: {  	[tilespmem:s18], [sflag:$0x2] =	stream.indirect.gather [hbm4b:s4+s14], $0x80, s24, s14, $0xb8;
	[tilespmem:$0x10800] =	vst v63  }
0x64: {  	_ =	swait.ge [sflag:s19], $0x4000  }
0x65: {  	[sflag:s19] =	ssyncset.done $0x0  }
0x66: {  	[sflag:s19] =	ssyncadd.s32 $0xFFFFC000  }
0x67: {  	_ =	swait.ge [sflag:s19], $0x4000  }
0x68: {  	[sflag:s19] =	ssyncset.done $0x0  }
0x69: {  	[sflag:s19] =	ssyncadd.s32 $0xFFFFC000  }
0x6a: {  	[hbm4b:s7+s2] =	stream.linear.scatter [tilespmem:s15], [sflag:$0x3], $0x4000, $0x38;
	[tilespmem:$0x10800] =	vst v63  }
0x6b: {  	_ = 	snop  }
0x6c: {  	[hbm4b:s8+s2] =	stream.linear.scatter [tilespmem:s16], [sflag:$0x3], $0x4000, $0x38;
	[tilespmem:$0x10800] =	vst v63  }
0x6d: {  	_ =	swait.ge [sflag:s20], $0x4000  }
0x6e: {  	[sflag:s20] =	ssyncset.done $0x0  }
0x6f: {  	[sflag:s20] =	ssyncadd.s32 $0xFFFFC000  }
0x70: {  	_ =	swait.ge [sflag:s20], $0x4000  }
0x71: {  	[sflag:s20] =	ssyncset.done $0x0  }
0x72: {  	[sflag:s20] =	ssyncadd.s32 $0xFFFFC000  }
0x73: {  	[hbm4b:s9+s2] =	stream.linear.scatter [tilespmem:s17], [sflag:$0x4], $0x4000, $0x38;
	[tilespmem:$0x10800] =	vst v63  }
0x74: {  	_ = 	snop  }
0x75: {  	[hbm4b:s10+s2] =	stream.linear.scatter [tilespmem:s18], [sflag:$0x4], $0x4000, $0x38;
	[tilespmem:$0x10800] =	vst v63  }
0x76: {  	_ =	swait.ge [sflag:s21], $0x4000  }
0x77: {  	[sflag:s21] =	ssyncset.done $0x0  }
0x78: {  	[sflag:s21] =	ssyncadd.s32 $0xFFFFC000  }
0x79: {  	_ =	swait.ge [sflag:s21], $0x4000  }
0x7a: {  	[sflag:s21] =	ssyncset.done $0x0  }
0x7b: {  	s23 =	sadd.s32 $0x1, s23;
	[sflag:s21] =	ssyncadd.s32 $0xFFFFC000  }
0x7c: {  	p0 =	sne.s32 s23, s6;
	_ =	swait.ge [sflag:s22], $0x4000  }
.Ltmp1:
0x7d: {  	[sflag:s22] =	ssyncset.done $0x0;
	(pc) =	sbr.rel @p0 .LBB2_1-.Ltmp1, $4  }
0x7e: {  	[sflag:s22] =	ssyncadd.s32 $0xFFFFC000  }
0x7f: {  	_ =	swait.ge [sflag:s22], $0x4000  }
0x80: {  	[sflag:s22] =	ssyncset.done $0x0  }
0x81: {  	[sflag:s22] =	ssyncadd.s32 $0xFFFFC000  }
0x82: {  	_ =	sfence.sel $0x180000  }
0x83: {  	[bflag:$0x0] =	sbarrier.arrive $0xFFFF  }
0x84: {  	p0 =	sne.s32 s0, $0x0;
	_ =	strace $0x90000050  }
0x85: {  	s0 =	sadd.s32 @!p0 $0x100000, s1;
	[bflag:$0x2] =	sbarrier.arrive $0xFFFF  }
0x86: {  	[sflag:s0] =	ssyncadd.tile.s32 @!p0 $0x1;
	_ =	shalt  }
.Lfunc_end2:
_tile_overlayer_lowered:
.L_overlay_start_2:
0x87: {  	(tag) =	ssettag $0x2  }
0x88: {  	s0 =	rddreg [dreg:$0x0];
	s2 =	stileid.u32  }
0x89: {  	s1 =	rddreg [dreg:$0x1];
	p0 =	sne.s32 s2, $0x0  }
0x8a: {  	s3 =	rddreg [dreg:$0x2];
	[bflag:$0x3] =	sbarrier.arrive $0xFFFF;
	s2 =	simm.s32 @!p0 $0x1C05  }
0x8b: {  	[timem:s3], [sflag:s2] =	dma.local @!p0 [hbm:s0], s1  }
0x8c: {  	s0 =	simm.s32 @!p0 $0x5  }
0x8d: {  	_ =	swait.ge @!p0 [sflag:s0], s1  }
0x8e: {  	s1 =	ssub.s32 @!p0 $0x0, s1;
	[sflag:s0] =	ssyncset.done @!p0 $0x0  }
0x8f: {  	[sflag:s0] =	ssyncadd.s32 @!p0 s1  }
0x90: {  	[bflag:$0x3] =	sbarrier.arrive $0xFFFF  }
0x91: {  	_ =	shalt  }

// kernel: kernel.17.cloned.1.call-start
scs
__scs_entry_jumppad:
0x0: {  	(pc) =	sbr.rel $0x88, $3  }
0x1: {  	(tag) =	ssettag $0x0;
	lr =	simm.s32 $0x1  }
0x2: {  	[smem:$0x3F8C] =	sst lr;
	_ =	strace $0xD0000000  }
0x3: {  	_ = 	snop  }
0x4: {  	_ = 	snop  }
0x5: {  	_ = 	snop  }
0x6: {  	_ = 	snop  }
0x7: {  	_ = 	snop  }
__scs_overlays_trampoline_lowered:
0x8: {  	[smem:$0x3F9B] =	sst s0  }
0x9: {  	[smem:$0x3F9C] =	sst s1  }
0xa: {  	[smem:$0x3F9D] =	sst s2  }
0xb: {  	[smem:$0x3F9E] =	sst s3  }
0xc: {  	[smem:$0x3F9F] =	sst s4  }
0xd: {  	[smem:$0x3FA0] =	sst s5  }
0xe: {  	[smem:$0x3FA1] =	sst s6  }
0xf: {  	[smem:$0x3FA2] =	sst s7  }
0x10: {  	[smem:$0x3FA3] =	sst s8  }
0x11: {  	[smem:$0x3FA4] =	sst s9;
	s0 =	simm.s32 @!p0 $0x0  }
0x12: {  	s1 =	sld [smem:$0x3F8A];
	s0 =	simm.s32 @p0 $0x1  }
0x13: {  	[smem:$0x3FA5] =	sst s0;
	s0 =	simm.s32 @!p1 $0x0  }
0x14: {  	s2 =	sld [smem:$0x3F89];
	s0 =	simm.s32 @p1 $0x1  }
0x15: {  	[smem:$0x3FA6] =	sst s0;
	s0 =	simm.s32 @!p2 $0x0  }
0x16: {  	s3 =	sld [smem:$0x3FDB];
	s0 =	simm.s32 @p2 $0x1  }
0x17: {  	s4 =	simm.s32 $0x1BF5;
	[smem:$0x3FA8] =	sst s0  }
0x18: {  	s0 =	sld [smem:$0x3F8B];
	_ =	swait.ge [sflag:s4], $0x0  }
0x19: {  	s7 =	sld [smem:$0x3F8C]  }
0x1a: {  	s8 =	sadd.s32 $0xFFFFE003, lr  }
0x1b: {  	s9 =	sadd.s32 $0xFFFFFEF7, lr;
	s5 =	simm.s32 $0xFFFFFFFF;
	p2 =	slt.u32 s8, $0xFFFFF086  }
0x1c: {  	p1 =	slt.u32 s9, $0xF7A;
	s5 =	simm.s32 @!p2 $0x0  }
0x1d: {  	s5 =	simm.s32 @p1 $0x1;
	p0 =	seq.s32 s7, s2  }
0x1e: {  	s7 =	smul.u32 @!p0 $0xF7A, s2;
	p2 =	seq.s32 @!p0 s5, $0x0  }
0x1f: {  	s9 =	smul.u32 $0xF7A, s1;
	s8 =	simm.s32 @!p0 $0x1BF5;
	p2 =	por !p2, p0  }
0x20: {  	[sflag:s8] =	ssyncset.s32 @!p0 $0xFFFFF086;
	s6 =	sadd.s32 @!p0 s3, s7;
	s7 =	simm.s32 @!p0 $0x108  }
0x21: {  	s3 =	sadd.s32 s3, s9;
	s6 =	sadd.s32 @!p0 $0x88, s6;
	s7 =	simm.s32 @p2 $0x1082  }
0x22: {  	[simem:s7], [sflag:s8] =	dma.local @!p0 [hbm:s6], $0xF7A  }
0x23: {  	s9 =	sor.u32 $0xD0000000, s2;
	s6 =	simm.s32 $0x108;
	_ =	swait.ge @!p0 [sflag:s8], $0x0  }
0x24: {  	s3 =	sadd.s32 $0x88, s3;
	s6 =	simm.s32 @!p1 $0x1082;
	[sflag:s4] =	ssyncset.s32 $0xFFFFF086  }
0x25: {  	[simem:s6], [sflag:s4] =	dma.local [hbm:s3], $0xF7A  }
0x26: {  	[smem:$0x3F8C] =	sst s1;
	(tag) =	ssettag s2;
	_ =	strace s9  }
0x27: {  	s1 =	sld [smem:$0x3F9C]  }
0x28: {  	s2 =	sld [smem:$0x3F9D]  }
0x29: {  	s4 =	sld [smem:$0x3F9F]  }
0x2a: {  	p0 =	seq.s32 s5, $0x0;
	s5 =	sld [smem:$0x3FA0]  }
0x2b: {  	s6 =	sld [smem:$0x3FA1]  }
0x2c: {  	s7 =	sld [smem:$0x3FA2]  }
0x2d: {  	s3 =	simm.s32 $0x108;
	s8 =	sld [smem:$0x3FA3]  }
0x2e: {  	s3 =	simm.s32 @!p0 $0x1082;
	s9 =	sld [smem:$0x3FA4]  }
0x2f: {  	lr =	sadd.s32 s0, s3;
	s0 =	sld [smem:$0x3F9B]  }
0x30: {  	s3 =	sld [smem:$0x3F9E]  }
0x31: {  	[smem:$0x3FA7] =	sst s10  }
0x32: {  	s10 =	sld [smem:$0x3FA5];
	_ =	sdelay $0x3  }
0x33: {  	p0 =	seq.s32 s10, $0x1;
	s10 =	sld [smem:$0x3FA7];
	_ =	sdelay $0x3  }
0x34: {  	[smem:$0x3FA7] =	sst s10  }
0x35: {  	s10 =	sld [smem:$0x3FA6];
	_ =	sdelay $0x3  }
0x36: {  	p1 =	seq.s32 s10, $0x1;
	s10 =	sld [smem:$0x3FA7];
	_ =	sdelay $0x3  }
0x37: {  	[smem:$0x3FA7] =	sst s10  }
0x38: {  	s10 =	sld [smem:$0x3FA8]  }
0x39: {  	_ = 	snop;
	(pc) =	sbr.ind lr, $3  }
0x3a: {  	_ = 	snop  }
0x3b: {  	_ = 	snop  }
0x3c: {  	p2 =	seq.s32 s10, $0x1;
	s10 =	sld [smem:$0x3FA7]  }
0x3d: {  	_ =	shalt  }
0x3e: {  	_ =	shalt  }
0x3f: {  	_ =	shalt  }
0x40: {  	_ =	shalt  }
0x41: {  	_ =	shalt  }
0x42: {  	_ =	shalt  }
0x43: {  	_ =	shalt  }
0x44: {  	_ =	shalt  }
0x45: {  	_ =	shalt  }
0x46: {  	_ =	shalt  }
0x47: {  	_ =	shalt  }
0x48: {  	_ =	shalt  }
0x49: {  	_ =	shalt  }
0x4a: {  	_ =	shalt  }
0x4b: {  	_ =	shalt  }
0x4c: {  	_ =	shalt  }
0x4d: {  	_ =	shalt  }
0x4e: {  	_ =	shalt  }
0x4f: {  	_ =	shalt  }
0x50: {  	_ =	shalt  }
0x51: {  	_ =	shalt  }
0x52: {  	_ =	shalt  }
0x53: {  	_ =	shalt  }
0x54: {  	_ =	shalt  }
0x55: {  	_ =	shalt  }
0x56: {  	_ =	shalt  }
0x57: {  	_ =	shalt  }
0x58: {  	_ =	shalt  }
0x59: {  	_ =	shalt  }
0x5a: {  	_ =	shalt  }
0x5b: {  	_ =	shalt  }
0x5c: {  	_ =	shalt  }
0x5d: {  	_ =	shalt  }
0x5e: {  	_ =	shalt  }
0x5f: {  	_ =	shalt  }
0x60: {  	_ =	shalt  }
0x61: {  	_ =	shalt  }
0x62: {  	_ =	shalt  }
0x63: {  	_ =	shalt  }
0x64: {  	_ =	shalt  }
0x65: {  	_ =	shalt  }
0x66: {  	_ =	shalt  }
0x67: {  	_ =	shalt  }
0x68: {  	_ =	shalt  }
0x69: {  	_ =	shalt  }
0x6a: {  	_ =	shalt  }
0x6b: {  	_ =	shalt  }
0x6c: {  	_ =	shalt  }
0x6d: {  	_ =	shalt  }
0x6e: {  	_ =	shalt  }
0x6f: {  	_ =	shalt  }
0x70: {  	_ =	shalt  }
0x71: {  	_ =	shalt  }
0x72: {  	_ =	shalt  }
0x73: {  	_ =	shalt  }
0x74: {  	_ =	shalt  }
0x75: {  	_ =	shalt  }
0x76: {  	_ =	shalt  }
0x77: {  	_ =	shalt  }
0x78: {  	_ =	shalt  }
0x79: {  	_ =	shalt  }
0x7a: {  	_ =	shalt  }
0x7b: {  	_ =	shalt  }
0x7c: {  	_ =	shalt  }
0x7d: {  	_ =	shalt  }
0x7e: {  	_ =	shalt  }
0x7f: {  	_ =	shalt  }
0x80: {  	_ =	shalt  }
0x81: {  	_ =	shalt  }
0x82: {  	_ =	shalt  }
0x83: {  	_ =	shalt  }
0x84: {  	_ =	shalt  }
0x85: {  	_ =	shalt  }
0x86: {  	_ =	shalt  }
0x87: {  	_ =	shalt  }
.Lfunc_end0:
.L_simem_size_0:
called_computation.1_lowered:
.L_overlay_start_0:
0x88: {  	s2 =	sld [smem:$0x3FD9]  }
0x89: {  	s3 =	sld [smem:$0x3FFE];
	_ =	sdelay $0x1  }
0x8a: {  	s1 =	srdreg.scid  }
0x8b: {  	s0 =	sand.u32 $0x1, s1  }
0x8c: {  	s17 =	sshll.u32 s0, $0xA;
	s2 =	sadd.s32 s3, s2  }
0x8d: {  	s2 =	sadd.s32 s2, s17  }
0x8e: {  	[smem:$0x3FB3] =	sst s2  }
0x8f: {  	_ = 	snop  }
0x90: {  	(tm) =	ssettm $0x1  }
0x91: {  	s18 =	sld [smem:$0x3FFB];
	_ =	sdelay $0x3  }
0x92: {  	_ =	strace s18  }
0x93: {  	s2 =	sld [smem:$0x3FFC];
	_ =	sdelay $0x3  }
0x94: {  	_ =	strace s2  }
0x95: {  	s2 =	sld [smem:$0x3FFD];
	_ =	sdelay $0x3  }
0x96: {  	_ =	strace s2  }
0x97: {  	_ =	strace $0x8FFFFFFF  }
0x98: {  	s19 =	sld [smem:$0x3FDB];
	_ =	sdelay $0x1  }
0x99: {  	s20 =	simm.s32 $_scs_section_size  }
0x9a: {  	s4 =	simm.s32 $_size__tile_overlayer_lowered;
	s5 =	simm.s32 $_tile_overlayer_lowered  }
0x9b: {  	s6 =	simm.s32 $0x1BFF;
	s21 =	sshll.u32 s5, $0x1;
	s3 =	sadd.s32 s20, s19  }
0x9c: {  	s22 =	simm.s32 $0x0;
	s4 =	sshll.u32 s4, $0x1;
	s5 =	sadd.s32 s21, s3  }
0x9d: {  	[timem:s22], [sflag:s6] =	dma.local [hbm:s5], s4  }
0x9e: {  	_ =	swait.ge [sflag:s6], s4  }
0x9f: {  	s4 =	ssub.s32 $0x0, s4;
	[sflag:s6] =	ssyncset.done $0x0  }
0xa0: {  	[sflag:s6] =	ssyncadd.s32 s4;
	_ =	sdelay $0x1  }
0xa1: {  	s23 =	simm.s32 $0x1B8B  }
0xa2: {  	_ =	swait.ge [sflag:s23], $0x1  }
0xa3: {  	[sflag:s23] =	ssyncset.done $0x0  }
0xa4: {  	[sflag:s23] =	ssyncadd.s32 $0xFFFFFFFF  }
0xa5: {  	s4 =	sld [smem:$0x0]  }
0xa6: {  	s5 =	sand.u32 $0xFFFFFFFE, s1  }
0xa7: {  	p0 =	sne.s32 s1, s5  }
0xa8: {  	s5 =	sshll.u32 @p0 s5, $0xE  }
0xa9: {  	s5 =	sadd.s32 @p0 $0x11B8D, s5;
	s6 =	sshll.u32 @p0 s4, $0x11  }
0xaa: {  	s5 =	sor.u32 @p0 s6, s5  }
0xab: {  	[sflag:s5] =	ssyncadd.remote.s32 @p0 $0x1;
	_ =	sdelay $0x1  }
0xac: {  	s5 =	simm.s32 @p0 $0x1B8D  }
0xad: {  	_ =	swait.eq @p0 [sflag:s5], $0x1  }
0xae: {  	[sflag:s5] =	ssyncadd.s32 @p0 $0xFFFFFFFF  }
0xaf: {  	s6 =	sshll.u32 @!p0 s1, $0xE  }
0xb0: {  	s6 =	sor.u32 @!p0 $0x4000, s6;
	s5 =	simm.s32 @!p0 $0x1B8D  }
0xb1: {  	s4 =	sshll.u32 @!p0 s4, $0x11;
	s6 =	sadd.s32 @!p0 $0x11B8D, s6;
	_ =	swait.eq @!p0 [sflag:s5], $0x1  }
0xb2: {  	s4 =	sor.u32 @!p0 s4, s6;
	[sflag:s5] =	ssyncadd.s32 @!p0 $0xFFFFFFFF  }
0xb3: {  	s25 =	simm.s32 $0x1B8E;
	s24 =	sld [smem:$0x3FFE];
	[sflag:s4] =	ssyncadd.remote.s32 @!p0 $0x1  }
0xb4: {  	s26 =	simm.s32 $execute0_lowered;
	[smem:$0x3FD2] =	sst s25  }
0xb5: {  	s5 =	sshll.u32 s26, $0x1;
	_ =	strace $0x8000004C;
	[dreg:$0x1] =	wrdreg $0xFFFFFFFF  }
0xb6: {  	s28 =	simm.s32 $_size_execute0_lowered;
	s3 =	sadd.s32 s3, s5;
	[dreg:$0x0] =	wrdreg $0x0  }
0xb7: {  	s5 =	sshll.u32 s28, $0x1;
	[dreg:$0x2] =	wrdreg s3  }
0xb8: {  	[dreg:$0x3] =	wrdreg s5  }
0xb9: {  	[dreg:$0x4] =	wrdreg $0xC0  }
0xba: {  	_ =	task [dreg:s22], $0x5FFFF  }
0xbb: {  	[dreg:$0x1] =	wrdreg $0xFFFFFFFF  }
0xbc: {  	[dreg:$0x0] =	wrdreg $0x60  }
0xbd: {  	[dreg:$0x2] =	wrdreg s24  }
0xbe: {  	[dreg:$0x3] =	wrdreg $0xA  }
0xbf: {  	_ =	task.clear_ibuf [dreg:s22], $0x4FFFF;
	_ =	strace $0x9000004C  }
0xc0: {  	s29 =	simm.s32 $0xA;
	_ =	strace $0x8000004E  }
0xc1: {  	_ =	swait.ge [sflag:s29], $0x1  }
0xc2: {  	[sflag:s29] =	ssyncadd.s32 $0xFFFFFFFF  }
0xc3: {  	_ =	strace $0x9000004E  }
0xc4: {  	_ =	sfence  }
0xc5: {  	s30 =	sld [smem:$0x0];
	_ =	sdelay $0x2  }
0xc6: {  	s31 =	sshll.u32 s1, $0xD;
	s1 =	sshrl.u32 s1, $0x2  }
0xc7: {  	s4 =	sand.u32 $0x4000, s31;
	s1 =	sadd.s32 s1, s30  }
0xc8: {  	s0 =	sor.u32 s4, s0;
	s1 =	sshll.u32 s1, $0x11  }
0xc9: {  	s0 =	sor.u32 s1, s0  }
0xca: {  	s0 =	sadd.s32 $0x8F2B, s0  }
0xcb: {  	[sflag:s0] =	ssyncadd.remote.s32 $0x1  }
0xcc: {  	_ =	sfence.sel $0xFFFF  }
0xcd: {  	[dreg:$0x0] =	wrdreg $0xFFFFFFFF;
	(pc) =	sbr.abs _section_cstart, $3  }
0xce: {  	[dreg:$0x1] =	wrdreg $0xFFFFFFFF  }
0xcf: {  	_ =	task.clear_ibuf [dreg:s22], $0x2FFFF;
	_ =	strace $0x9FFFFFFF  }
0xd0: {  	(tm) =	ssettm $0x7FFFFFFF  }
0xd1: {  	_ =	shalt  }
tec
execute0_lowered:
.L_overlay_start_1:
0x0: {  	(tag) =	ssettag $0x1  }
0x1: {  	s1 =	srdreg.scid  }
0x2: {  	s0 =	stileid.u32;
	s5 =	rddreg [dreg:$0x0];
	s2 =	simm.s32 $0x0  }
0x3: {  	s17 =	simm.s32 $0x4800;
	s18 =	simm.s32 $0xC800;
	s19 =	simm.s32 $0x1  }
0x4: {  	s20 =	simm.s32 $0x2;
	s21 =	simm.s32 $0x3;
	s22 =	simm.s32 $0x4  }
0x5: {  	s23 =	simm.s32 $0x0;
	s10 =	sand.u32 $0x1, s1;
	s1 =	rddreg [dreg:$0x1]  }
0x6: {  	s3 =	sshll.u32 s0, $0xC;
	[smem:$0x7FF] =	sst s2;
	s12 =	sadd.s32 $0x45C600, s5  }
0x7: {  	s13 =	sadd.s32 $0x55C600, s5;
	s14 =	sshll.u32 s0, $0x10;
	s4 =	sshll.u32 s10, $0xB  }
0x8: {  	_ =	strace $0x8000004D;
	s8 =	ssub.s32 $0x2, s10;
	s15 =	sadd.s32 s14, s13  }
0x9: {  	s16 =	sshll.u32 s10, $0xF;
	s6 =	sor.u32 s4, s3;
	s4 =	sadd.s32 $0x43A600, s5  }
0xa: {  	s9 =	sshrl.u32 s8, $0x1;
	s3 =	sshrl.u32 s6, $0x3;
	s11 =	sshll.u32 s6, $0x4  }
0xb: {  	s30 =	ssub.s32 s8, s9;
	s7 =	sadd.s32 s3, s5;
	s3 =	sadd.s32 $0x44A600, s5  }
0xc: {  	s31 =	sor.u32 $0x7000, s11;
	s6 =	smax.u32 s30, $0x1;
	s11 =	sor.u32 $0x7800, s11  }
0xd: {  	s5 =	sadd.s32 $0x45A600, s7;
	s7 =	sadd.s32 s12, s31;
	s8 =	sadd.s32 s13, s31  }
0xe: {  	s9 =	sadd.s32 s12, s11;
	s10 =	sadd.s32 s13, s11;
	s11 =	sadd.s32 s16, s15  }
0xf: {  	s12 =	sadd.s32 s14, s12;
	s13 =	simm.s32 $0x5;
	s14 =	simm.s32 $0x80  }
0x10: {  	s15 =	simm.s32 $0x800;
	s12 =	sadd.s32 s16, s12;
	s16 =	simm.s32 $0x8800  }
.LBB2_1:
0x11: {  	[tilespmem:s2], [sflag:$0x5] =	stream.linear.gather [hbm4b:s5+s2], $0x800, $0x38;
	[tilespmem:$0x10800] =	vst v63  }
0x12: {  	_ =	swait.ge [sflag:s13], $0x800  }
0x13: {  	[sflag:s13] =	ssyncset.done $0x0  }
0x14: {  	[sflag:s13] =	ssyncadd.s32 $0xFFFFF800  }
0x15: {  	[tilespmem:s15], [sflag:$0x1] =	stream.indirect.gather [hbm4b:s3+s14], $0x80, s2, s14, $0xb8;
	[tilespmem:$0x10800] =	vst v63  }
0x16: {  	_ = 	snop  }
0x17: {  	[tilespmem:s16], [sflag:$0x1] =	stream.indirect.gather [hbm4b:s4+s14], $0x80, s2, s14, $0xb8;
	[tilespmem:$0x10800] =	vst v63  }
0x18: {  	_ = 	snop  }
0x19: {  	[tilespmem:s17], [sflag:$0x2] =	stream.indirect.gather [hbm4b:s3+s14], $0x80, s14, s14, $0xb8;
	[tilespmem:$0x10800] =	vst v63  }
0x1a: {  	_ = 	snop  }
0x1b: {  	[tilespmem:s18], [sflag:$0x2] =	stream.indirect.gather [hbm4b:s4+s14], $0x80, s14, s14, $0xb8;
	[tilespmem:$0x10800] =	vst v63  }
0x1c: {  	_ =	swait.ge [sflag:s19], $0x4000  }
0x1d: {  	[sflag:s19] =	ssyncset.done $0x0  }
0x1e: {  	[sflag:s19] =	ssyncadd.s32 $0xFFFFC000  }
0x1f: {  	_ =	swait.ge [sflag:s19], $0x4000  }
0x20: {  	[sflag:s19] =	ssyncset.done $0x0  }
0x21: {  	s24 =	sadd.s32 $0x0, s12;
	[sflag:s19] =	ssyncadd.s32 $0xFFFFC000  }
0x22: {  	[hbm4b:s24+s2] =	stream.linear.scatter [tilespmem:s15], [sflag:$0x3], $0x4000, $0x38;
	[tilespmem:$0x10800] =	vst v63  }
0x23: {  	s25 =	sadd.s32 $0x0, s11  }
0x24: {  	[hbm4b:s25+s2] =	stream.linear.scatter [tilespmem:s16], [sflag:$0x3], $0x4000, $0x38;
	[tilespmem:$0x10800] =	vst v63  }
0x25: {  	_ =	swait.ge [sflag:s20], $0x4000  }
0x26: {  	[sflag:s20] =	ssyncset.done $0x0  }
0x27: {  	[sflag:s20] =	ssyncadd.s32 $0xFFFFC000  }
0x28: {  	_ =	swait.ge [sflag:s20], $0x4000  }
0x29: {  	[sflag:s20] =	ssyncset.done $0x0  }
0x2a: {  	s24 =	sadd.s32 $0x800, s24;
	[sflag:s20] =	ssyncadd.s32 $0xFFFFC000  }
0x2b: {  	[hbm4b:s24+s2] =	stream.linear.scatter [tilespmem:s17], [sflag:$0x4], $0x4000, $0x38;
	[tilespmem:$0x10800] =	vst v63  }
0x2c: {  	s30 =	sadd.s32 $0x800, s25  }
0x2d: {  	[hbm4b:s30+s2] =	stream.linear.scatter [tilespmem:s18], [sflag:$0x4], $0x4000, $0x38;
	[tilespmem:$0x10800] =	vst v63  }
0x2e: {  	_ =	swait.ge [sflag:s21], $0x4000  }
0x2f: {  	[sflag:s21] =	ssyncset.done $0x0  }
0x30: {  	[sflag:s21] =	ssyncadd.s32 $0xFFFFC000  }
0x31: {  	_ =	swait.ge [sflag:s21], $0x4000  }
0x32: {  	[sflag:s21] =	ssyncset.done $0x0  }
0x33: {  	s31 =	simm.s32 $0x100;
	[sflag:s21] =	ssyncadd.s32 $0xFFFFC000  }
0x34: {  	[tilespmem:s15], [sflag:$0x1] =	stream.indirect.gather [hbm4b:s3+s14], $0x80, s31, s14, $0xb8;
	[tilespmem:$0x10800] =	vst v63  }
0x35: {  	_ = 	snop  }
0x36: {  	[tilespmem:s16], [sflag:$0x1] =	stream.indirect.gather [hbm4b:s4+s14], $0x80, s31, s14, $0xb8;
	[tilespmem:$0x10800] =	vst v63  }
0x37: {  	_ =	swait.ge [sflag:s22], $0x4000  }
0x38: {  	[sflag:s22] =	ssyncset.done $0x0  }
0x39: {  	[sflag:s22] =	ssyncadd.s32 $0xFFFFC000  }
0x3a: {  	_ =	swait.ge [sflag:s22], $0x4000  }
0x3b: {  	s26 =	simm.s32 $0x280;
	[sflag:s22] =	ssyncset.done $0x0  }
0x3c: {  	s25 =	simm.s32 $0x1000;
	s24 =	simm.s32 $0x180;
	[sflag:s22] =	ssyncadd.s32 $0xFFFFC000  }
0x3d: {  	[tilespmem:s17], [sflag:$0x2] =	stream.indirect.gather [hbm4b:s3+s14], $0x80, s24, s14, $0xb8;
	[tilespmem:$0x10800] =	vst v63  }
.LBB2_2:
0x3e: {  	[tilespmem:s18], [sflag:$0x2] =	stream.indirect.gather [hbm4b:s4+s14], $0x80, s24, s14, $0xb8;
	[tilespmem:$0x10800] =	vst v63  }
0x3f: {  	s28 =	smov.u32 s25;
	s24 =	smov.u32 s26  }
0x40: {  	p0 =	sne.s32 s25, $0x6000;
	s25 =	sadd.s32 $0x1000, s25;
	_ =	swait.ge [sflag:s19], $0x4000  }
0x41: {  	[sflag:s19] =	ssyncset.done $0x0  }
0x42: {  	[sflag:s19] =	ssyncadd.s32 $0xFFFFC000  }
0x43: {  	_ =	swait.ge [sflag:s19], $0x4000  }
0x44: {  	[sflag:s19] =	ssyncset.done $0x0  }
0x45: {  	s29 =	sadd.s32 s28, s12;
	[sflag:s19] =	ssyncadd.s32 $0xFFFFC000  }
0x46: {  	[hbm4b:s29+s2] =	stream.linear.scatter [tilespmem:s15], [sflag:$0x3], $0x4000, $0x38;
	[tilespmem:$0x10800] =	vst v63  }
0x47: {  	s28 =	sadd.s32 s28, s11  }
0x48: {  	[hbm4b:s28+s2] =	stream.linear.scatter [tilespmem:s16], [sflag:$0x3], $0x4000, $0x38;
	[tilespmem:$0x10800] =	vst v63  }
0x49: {  	_ =	swait.ge [sflag:s20], $0x4000  }
0x4a: {  	[sflag:s20] =	ssyncset.done $0x0  }
0x4b: {  	[sflag:s20] =	ssyncadd.s32 $0xFFFFC000  }
0x4c: {  	_ =	swait.ge [sflag:s20], $0x4000  }
0x4d: {  	[sflag:s20] =	ssyncset.done $0x0  }
0x4e: {  	s29 =	sadd.s32 $0x800, s29;
	[sflag:s20] =	ssyncadd.s32 $0xFFFFC000  }
0x4f: {  	[hbm4b:s29+s2] =	stream.linear.scatter [tilespmem:s17], [sflag:$0x4], $0x4000, $0x38;
	[tilespmem:$0x10800] =	vst v63  }
0x50: {  	s28 =	sadd.s32 $0x800, s28  }
0x51: {  	[hbm4b:s28+s2] =	stream.linear.scatter [tilespmem:s18], [sflag:$0x4], $0x4000, $0x38;
	[tilespmem:$0x10800] =	vst v63  }
0x52: {  	_ =	swait.ge [sflag:s21], $0x4000  }
0x53: {  	[sflag:s21] =	ssyncset.done $0x0  }
0x54: {  	[sflag:s21] =	ssyncadd.s32 $0xFFFFC000  }
0x55: {  	_ =	swait.ge [sflag:s21], $0x4000  }
0x56: {  	[sflag:s21] =	ssyncset.done $0x0  }
0x57: {  	s28 =	sadd.s32 $0xFFFFFF80, s26;
	[sflag:s21] =	ssyncadd.s32 $0xFFFFC000  }
0x58: {  	[tilespmem:s15], [sflag:$0x1] =	stream.indirect.gather [hbm4b:s3+s14], $0x80, s28, s14, $0xb8;
	[tilespmem:$0x10800] =	vst v63  }
0x59: {  	_ = 	snop  }
0x5a: {  	[tilespmem:s16], [sflag:$0x1] =	stream.indirect.gather [hbm4b:s4+s14], $0x80, s28, s14, $0xb8;
	[tilespmem:$0x10800] =	vst v63  }
0x5b: {  	_ =	swait.ge [sflag:s22], $0x4000  }
0x5c: {  	[sflag:s22] =	ssyncset.done $0x0  }
0x5d: {  	[sflag:s22] =	ssyncadd.s32 $0xFFFFC000  }
.Ltmp0:
0x5e: {  	_ =	swait.ge [sflag:s22], $0x4000;
	(pc) =	sbr.rel @p0 .LBB2_2-.Ltmp0, $4  }
0x5f: {  	[sflag:s22] =	ssyncset.done $0x0  }
0x60: {  	[sflag:s22] =	ssyncadd.s32 $0xFFFFC000  }
0x61: {  	[tilespmem:s17], [sflag:$0x2] =	stream.indirect.gather [hbm4b:s3+s14], $0x80, s26, s14, $0xb8;
	[tilespmem:$0x10800] =	vst v63  }
0x62: {  	s26 =	sadd.s32 $0x100, s26  }
0x63: {  	[tilespmem:s18], [sflag:$0x2] =	stream.indirect.gather [hbm4b:s4+s14], $0x80, s24, s14, $0xb8;
	[tilespmem:$0x10800] =	vst v63  }
0x64: {  	_ =	swait.ge [sflag:s19], $0x4000  }
0x65: {  	[sflag:s19] =	ssyncset.done $0x0  }
0x66: {  	[sflag:s19] =	ssyncadd.s32 $0xFFFFC000  }
0x67: {  	_ =	swait.ge [sflag:s19], $0x4000  }
0x68: {  	[sflag:s19] =	ssyncset.done $0x0  }
0x69: {  	[sflag:s19] =	ssyncadd.s32 $0xFFFFC000  }
0x6a: {  	[hbm4b:s7+s2] =	stream.linear.scatter [tilespmem:s15], [sflag:$0x3], $0x4000, $0x38;
	[tilespmem:$0x10800] =	vst v63  }
0x6b: {  	_ = 	snop  }
0x6c: {  	[hbm4b:s8+s2] =	stream.linear.scatter [tilespmem:s16], [sflag:$0x3], $0x4000, $0x38;
	[tilespmem:$0x10800] =	vst v63  }
0x6d: {  	_ =	swait.ge [sflag:s20], $0x4000  }
0x6e: {  	[sflag:s20] =	ssyncset.done $0x0  }
0x6f: {  	[sflag:s20] =	ssyncadd.s32 $0xFFFFC000  }
0x70: {  	_ =	swait.ge [sflag:s20], $0x4000  }
0x71: {  	[sflag:s20] =	ssyncset.done $0x0  }
0x72: {  	[sflag:s20] =	ssyncadd.s32 $0xFFFFC000  }
0x73: {  	[hbm4b:s9+s2] =	stream.linear.scatter [tilespmem:s17], [sflag:$0x4], $0x4000, $0x38;
	[tilespmem:$0x10800] =	vst v63  }
0x74: {  	_ = 	snop  }
0x75: {  	[hbm4b:s10+s2] =	stream.linear.scatter [tilespmem:s18], [sflag:$0x4], $0x4000, $0x38;
	[tilespmem:$0x10800] =	vst v63  }
0x76: {  	_ =	swait.ge [sflag:s21], $0x4000  }
0x77: {  	[sflag:s21] =	ssyncset.done $0x0  }
0x78: {  	[sflag:s21] =	ssyncadd.s32 $0xFFFFC000  }
0x79: {  	_ =	swait.ge [sflag:s21], $0x4000  }
0x7a: {  	[sflag:s21] =	ssyncset.done $0x0  }
0x7b: {  	s23 =	sadd.s32 $0x1, s23;
	[sflag:s21] =	ssyncadd.s32 $0xFFFFC000  }
0x7c: {  	p0 =	sne.s32 s23, s6;
	_ =	swait.ge [sflag:s22], $0x4000  }
.Ltmp1:
0x7d: {  	[sflag:s22] =	ssyncset.done $0x0;
	(pc) =	sbr.rel @p0 .LBB2_1-.Ltmp1, $4  }
0x7e: {  	[sflag:s22] =	ssyncadd.s32 $0xFFFFC000  }
0x7f: {  	_ =	swait.ge [sflag:s22], $0x4000  }
0x80: {  	[sflag:s22] =	ssyncset.done $0x0  }
0x81: {  	[sflag:s22] =	ssyncadd.s32 $0xFFFFC000  }
0x82: {  	_ =	sfence.sel $0x180000  }
0x83: {  	[bflag:$0x0] =	sbarrier.arrive $0xFFFF  }
0x84: {  	p0 =	sne.s32 s0, $0x0;
	_ =	strace $0x9000004D  }
0x85: {  	s0 =	sadd.s32 @!p0 $0x100000, s1;
	[bflag:$0x2] =	sbarrier.arrive $0xFFFF  }
0x86: {  	[sflag:s0] =	ssyncadd.tile.s32 @!p0 $0x1;
	_ =	shalt  }
.Lfunc_end2:
_tile_overlayer_lowered:
.L_overlay_start_2:
0x87: {  	(tag) =	ssettag $0x2  }
0x88: {  	s0 =	rddreg [dreg:$0x0];
	s2 =	stileid.u32  }
0x89: {  	s1 =	rddreg [dreg:$0x1];
	p0 =	sne.s32 s2, $0x0  }
0x8a: {  	s3 =	rddreg [dreg:$0x2];
	[bflag:$0x3] =	sbarrier.arrive $0xFFFF;
	s2 =	simm.s32 @!p0 $0x1C05  }
0x8b: {  	[timem:s3], [sflag:s2] =	dma.local @!p0 [hbm:s0], s1  }
0x8c: {  	s0 =	simm.s32 @!p0 $0x5  }
0x8d: {  	_ =	swait.ge @!p0 [sflag:s0], s1  }
0x8e: {  	s1 =	ssub.s32 @!p0 $0x0, s1;
	[sflag:s0] =	ssyncset.done @!p0 $0x0  }
0x8f: {  	[sflag:s0] =	ssyncadd.s32 @!p0 s1  }
0x90: {  	[bflag:$0x3] =	sbarrier.arrive $0xFFFF  }
0x91: {  	_ =	shalt  }

// kernel: kernel.20.cloned.1.call-start
scs
__scs_entry_jumppad:
0x0: {  	(pc) =	sbr.rel $0x88, $3  }
0x1: {  	(tag) =	ssettag $0x0;
	lr =	simm.s32 $0x1  }
0x2: {  	[smem:$0x3F8C] =	sst lr;
	_ =	strace $0xD0000000  }
0x3: {  	_ = 	snop  }
0x4: {  	_ = 	snop  }
0x5: {  	_ = 	snop  }
0x6: {  	_ = 	snop  }
0x7: {  	_ = 	snop  }
__scs_overlays_trampoline_lowered:
0x8: {  	[smem:$0x3F9B] =	sst s0  }
0x9: {  	[smem:$0x3F9C] =	sst s1  }
0xa: {  	[smem:$0x3F9D] =	sst s2  }
0xb: {  	[smem:$0x3F9E] =	sst s3  }
0xc: {  	[smem:$0x3F9F] =	sst s4  }
0xd: {  	[smem:$0x3FA0] =	sst s5  }
0xe: {  	[smem:$0x3FA1] =	sst s6  }
0xf: {  	[smem:$0x3FA2] =	sst s7  }
0x10: {  	[smem:$0x3FA3] =	sst s8  }
0x11: {  	[smem:$0x3FA4] =	sst s9;
	s0 =	simm.s32 @!p0 $0x0  }
0x12: {  	s1 =	sld [smem:$0x3F8A];
	s0 =	simm.s32 @p0 $0x1  }
0x13: {  	[smem:$0x3FA5] =	sst s0;
	s0 =	simm.s32 @!p1 $0x0  }
0x14: {  	s2 =	sld [smem:$0x3F89];
	s0 =	simm.s32 @p1 $0x1  }
0x15: {  	[smem:$0x3FA6] =	sst s0;
	s0 =	simm.s32 @!p2 $0x0  }
0x16: {  	s3 =	sld [smem:$0x3FDB];
	s0 =	simm.s32 @p2 $0x1  }
0x17: {  	s4 =	simm.s32 $0x1BF5;
	[smem:$0x3FA8] =	sst s0  }
0x18: {  	s0 =	sld [smem:$0x3F8B];
	_ =	swait.ge [sflag:s4], $0x0  }
0x19: {  	s7 =	sld [smem:$0x3F8C]  }
0x1a: {  	s8 =	sadd.s32 $0xFFFFE003, lr  }
0x1b: {  	s9 =	sadd.s32 $0xFFFFFEF7, lr;
	s5 =	simm.s32 $0xFFFFFFFF;
	p2 =	slt.u32 s8, $0xFFFFF086  }
0x1c: {  	p1 =	slt.u32 s9, $0xF7A;
	s5 =	simm.s32 @!p2 $0x0  }
0x1d: {  	s5 =	simm.s32 @p1 $0x1;
	p0 =	seq.s32 s7, s2  }
0x1e: {  	s7 =	smul.u32 @!p0 $0xF7A, s2;
	p2 =	seq.s32 @!p0 s5, $0x0  }
0x1f: {  	s9 =	smul.u32 $0xF7A, s1;
	s8 =	simm.s32 @!p0 $0x1BF5;
	p2 =	por !p2, p0  }
0x20: {  	[sflag:s8] =	ssyncset.s32 @!p0 $0xFFFFF086;
	s6 =	sadd.s32 @!p0 s3, s7;
	s7 =	simm.s32 @!p0 $0x108  }
0x21: {  	s3 =	sadd.s32 s3, s9;
	s6 =	sadd.s32 @!p0 $0x88, s6;
	s7 =	simm.s32 @p2 $0x1082  }
0x22: {  	[simem:s7], [sflag:s8] =	dma.local @!p0 [hbm:s6], $0xF7A  }
0x23: {  	s9 =	sor.u32 $0xD0000000, s2;
	s6 =	simm.s32 $0x108;
	_ =	swait.ge @!p0 [sflag:s8], $0x0  }
0x24: {  	s3 =	sadd.s32 $0x88, s3;
	s6 =	simm.s32 @!p1 $0x1082;
	[sflag:s4] =	ssyncset.s32 $0xFFFFF086  }
0x25: {  	[simem:s6], [sflag:s4] =	dma.local [hbm:s3], $0xF7A  }
0x26: {  	[smem:$0x3F8C] =	sst s1;
	(tag) =	ssettag s2;
	_ =	strace s9  }
0x27: {  	s1 =	sld [smem:$0x3F9C]  }
0x28: {  	s2 =	sld [smem:$0x3F9D]  }
0x29: {  	s4 =	sld [smem:$0x3F9F]  }
0x2a: {  	p0 =	seq.s32 s5, $0x0;
	s5 =	sld [smem:$0x3FA0]  }
0x2b: {  	s6 =	sld [smem:$0x3FA1]  }
0x2c: {  	s7 =	sld [smem:$0x3FA2]  }
0x2d: {  	s3 =	simm.s32 $0x108;
	s8 =	sld [smem:$0x3FA3]  }
0x2e: {  	s3 =	simm.s32 @!p0 $0x1082;
	s9 =	sld [smem:$0x3FA4]  }
0x2f: {  	lr =	sadd.s32 s0, s3;
	s0 =	sld [smem:$0x3F9B]  }
0x30: {  	s3 =	sld [smem:$0x3F9E]  }
0x31: {  	[smem:$0x3FA7] =	sst s10  }
0x32: {  	s10 =	sld [smem:$0x3FA5];
	_ =	sdelay $0x3  }
0x33: {  	p0 =	seq.s32 s10, $0x1;
	s10 =	sld [smem:$0x3FA7];
	_ =	sdelay $0x3  }
0x34: {  	[smem:$0x3FA7] =	sst s10  }
0x35: {  	s10 =	sld [smem:$0x3FA6];
	_ =	sdelay $0x3  }
0x36: {  	p1 =	seq.s32 s10, $0x1;
	s10 =	sld [smem:$0x3FA7];
	_ =	sdelay $0x3  }
0x37: {  	[smem:$0x3FA7] =	sst s10  }
0x38: {  	s10 =	sld [smem:$0x3FA8]  }
0x39: {  	_ = 	snop;
	(pc) =	sbr.ind lr, $3  }
0x3a: {  	_ = 	snop  }
0x3b: {  	_ = 	snop  }
0x3c: {  	p2 =	seq.s32 s10, $0x1;
	s10 =	sld [smem:$0x3FA7]  }
0x3d: {  	_ =	shalt  }
0x3e: {  	_ =	shalt  }
0x3f: {  	_ =	shalt  }
0x40: {  	_ =	shalt  }
0x41: {  	_ =	shalt  }
0x42: {  	_ =	shalt  }
0x43: {  	_ =	shalt  }
0x44: {  	_ =	shalt  }
0x45: {  	_ =	shalt  }
0x46: {  	_ =	shalt  }
0x47: {  	_ =	shalt  }
0x48: {  	_ =	shalt  }
0x49: {  	_ =	shalt  }
0x4a: {  	_ =	shalt  }
0x4b: {  	_ =	shalt  }
0x4c: {  	_ =	shalt  }
0x4d: {  	_ =	shalt  }
0x4e: {  	_ =	shalt  }
0x4f: {  	_ =	shalt  }
0x50: {  	_ =	shalt  }
0x51: {  	_ =	shalt  }
0x52: {  	_ =	shalt  }
0x53: {  	_ =	shalt  }
0x54: {  	_ =	shalt  }
0x55: {  	_ =	shalt  }
0x56: {  	_ =	shalt  }
0x57: {  	_ =	shalt  }
0x58: {  	_ =	shalt  }
0x59: {  	_ =	shalt  }
0x5a: {  	_ =	shalt  }
0x5b: {  	_ =	shalt  }
0x5c: {  	_ =	shalt  }
0x5d: {  	_ =	shalt  }
0x5e: {  	_ =	shalt  }
0x5f: {  	_ =	shalt  }
0x60: {  	_ =	shalt  }
0x61: {  	_ =	shalt  }
0x62: {  	_ =	shalt  }
0x63: {  	_ =	shalt  }
0x64: {  	_ =	shalt  }
0x65: {  	_ =	shalt  }
0x66: {  	_ =	shalt  }
0x67: {  	_ =	shalt  }
0x68: {  	_ =	shalt  }
0x69: {  	_ =	shalt  }
0x6a: {  	_ =	shalt  }
0x6b: {  	_ =	shalt  }
0x6c: {  	_ =	shalt  }
0x6d: {  	_ =	shalt  }
0x6e: {  	_ =	shalt  }
0x6f: {  	_ =	shalt  }
0x70: {  	_ =	shalt  }
0x71: {  	_ =	shalt  }
0x72: {  	_ =	shalt  }
0x73: {  	_ =	shalt  }
0x74: {  	_ =	shalt  }
0x75: {  	_ =	shalt  }
0x76: {  	_ =	shalt  }
0x77: {  	_ =	shalt  }
0x78: {  	_ =	shalt  }
0x79: {  	_ =	shalt  }
0x7a: {  	_ =	shalt  }
0x7b: {  	_ =	shalt  }
0x7c: {  	_ =	shalt  }
0x7d: {  	_ =	shalt  }
0x7e: {  	_ =	shalt  }
0x7f: {  	_ =	shalt  }
0x80: {  	_ =	shalt  }
0x81: {  	_ =	shalt  }
0x82: {  	_ =	shalt  }
0x83: {  	_ =	shalt  }
0x84: {  	_ =	shalt  }
0x85: {  	_ =	shalt  }
0x86: {  	_ =	shalt  }
0x87: {  	_ =	shalt  }
.Lfunc_end0:
.L_simem_size_0:
called_computation.2_lowered:
.L_overlay_start_0:
0x88: {  	s2 =	sld [smem:$0x3FD9]  }
0x89: {  	s3 =	sld [smem:$0x3FFE];
	_ =	sdelay $0x1  }
0x8a: {  	s1 =	srdreg.scid  }
0x8b: {  	s0 =	sand.u32 $0x1, s1  }
0x8c: {  	s17 =	sshll.u32 s0, $0xA;
	s2 =	sadd.s32 s3, s2  }
0x8d: {  	s2 =	sadd.s32 s2, s17  }
0x8e: {  	[smem:$0x3FB3] =	sst s2  }
0x8f: {  	_ = 	snop  }
0x90: {  	(tm) =	ssettm $0x1  }
0x91: {  	s18 =	sld [smem:$0x3FFB];
	_ =	sdelay $0x3  }
0x92: {  	_ =	strace s18  }
0x93: {  	s2 =	sld [smem:$0x3FFC];
	_ =	sdelay $0x3  }
0x94: {  	_ =	strace s2  }
0x95: {  	s2 =	sld [smem:$0x3FFD];
	_ =	sdelay $0x3  }
0x96: {  	_ =	strace s2  }
0x97: {  	_ =	strace $0x8FFFFFFF  }
0x98: {  	s19 =	sld [smem:$0x3FDB];
	_ =	sdelay $0x1  }
0x99: {  	s20 =	simm.s32 $_scs_section_size  }
0x9a: {  	s4 =	simm.s32 $_size__tile_overlayer_lowered;
	s5 =	simm.s32 $_tile_overlayer_lowered  }
0x9b: {  	s6 =	simm.s32 $0x1BFF;
	s21 =	sshll.u32 s5, $0x1;
	s3 =	sadd.s32 s20, s19  }
0x9c: {  	s22 =	simm.s32 $0x0;
	s4 =	sshll.u32 s4, $0x1;
	s5 =	sadd.s32 s21, s3  }
0x9d: {  	[timem:s22], [sflag:s6] =	dma.local [hbm:s5], s4  }
0x9e: {  	_ =	swait.ge [sflag:s6], s4  }
0x9f: {  	s4 =	ssub.s32 $0x0, s4;
	[sflag:s6] =	ssyncset.done $0x0  }
0xa0: {  	[sflag:s6] =	ssyncadd.s32 s4;
	_ =	sdelay $0x1  }
0xa1: {  	s23 =	simm.s32 $0x1B8B  }
0xa2: {  	_ =	swait.ge [sflag:s23], $0x1  }
0xa3: {  	[sflag:s23] =	ssyncset.done $0x0  }
0xa4: {  	[sflag:s23] =	ssyncadd.s32 $0xFFFFFFFF  }
0xa5: {  	s4 =	sld [smem:$0x0]  }
0xa6: {  	s5 =	sand.u32 $0xFFFFFFFE, s1  }
0xa7: {  	p0 =	sne.s32 s1, s5  }
0xa8: {  	s5 =	sshll.u32 @p0 s5, $0xE  }
0xa9: {  	s5 =	sadd.s32 @p0 $0x11B8D, s5;
	s6 =	sshll.u32 @p0 s4, $0x11  }
0xaa: {  	s5 =	sor.u32 @p0 s6, s5  }
0xab: {  	[sflag:s5] =	ssyncadd.remote.s32 @p0 $0x1;
	_ =	sdelay $0x1  }
0xac: {  	s5 =	simm.s32 @p0 $0x1B8D  }
0xad: {  	_ =	swait.eq @p0 [sflag:s5], $0x1  }
0xae: {  	[sflag:s5] =	ssyncadd.s32 @p0 $0xFFFFFFFF  }
0xaf: {  	s6 =	sshll.u32 @!p0 s1, $0xE  }
0xb0: {  	s6 =	sor.u32 @!p0 $0x4000, s6;
	s5 =	simm.s32 @!p0 $0x1B8D  }
0xb1: {  	s4 =	sshll.u32 @!p0 s4, $0x11;
	s6 =	sadd.s32 @!p0 $0x11B8D, s6;
	_ =	swait.eq @!p0 [sflag:s5], $0x1  }
0xb2: {  	s4 =	sor.u32 @!p0 s4, s6;
	[sflag:s5] =	ssyncadd.s32 @!p0 $0xFFFFFFFF  }
0xb3: {  	s25 =	simm.s32 $0x1B8E;
	s24 =	sld [smem:$0x3FFE];
	[sflag:s4] =	ssyncadd.remote.s32 @!p0 $0x1  }
0xb4: {  	s26 =	simm.s32 $execute0_lowered;
	[smem:$0x3FD2] =	sst s25  }
0xb5: {  	s5 =	sshll.u32 s26, $0x1;
	_ =	strace $0x80000049;
	[dreg:$0x1] =	wrdreg $0xFFFFFFFF  }
0xb6: {  	s28 =	simm.s32 $_size_execute0_lowered;
	s3 =	sadd.s32 s3, s5;
	[dreg:$0x0] =	wrdreg $0x0  }
0xb7: {  	s5 =	sshll.u32 s28, $0x1;
	[dreg:$0x2] =	wrdreg s3  }
0xb8: {  	[dreg:$0x3] =	wrdreg s5  }
0xb9: {  	[dreg:$0x4] =	wrdreg $0xC0  }
0xba: {  	_ =	task [dreg:s22], $0x5FFFF  }
0xbb: {  	[dreg:$0x1] =	wrdreg $0xFFFFFFFF  }
0xbc: {  	[dreg:$0x0] =	wrdreg $0x60  }
0xbd: {  	[dreg:$0x2] =	wrdreg s24  }
0xbe: {  	[dreg:$0x3] =	wrdreg $0xB  }
0xbf: {  	_ =	task.clear_ibuf [dreg:s22], $0x4FFFF;
	_ =	strace $0x90000049  }
0xc0: {  	s29 =	simm.s32 $0xB;
	_ =	strace $0x8000004B  }
0xc1: {  	_ =	swait.ge [sflag:s29], $0x1  }
0xc2: {  	[sflag:s29] =	ssyncadd.s32 $0xFFFFFFFF  }
0xc3: {  	_ =	strace $0x9000004B  }
0xc4: {  	_ =	sfence  }
0xc5: {  	s30 =	sld [smem:$0x0];
	_ =	sdelay $0x2  }
0xc6: {  	s31 =	sshll.u32 s1, $0xD;
	s1 =	sshrl.u32 s1, $0x2  }
0xc7: {  	s4 =	sand.u32 $0x4000, s31;
	s1 =	sadd.s32 s1, s30  }
0xc8: {  	s0 =	sor.u32 s4, s0;
	s1 =	sshll.u32 s1, $0x11  }
0xc9: {  	s0 =	sor.u32 s1, s0  }
0xca: {  	s0 =	sadd.s32 $0x8F2B, s0  }
0xcb: {  	[sflag:s0] =	ssyncadd.remote.s32 $0x1  }
0xcc: {  	_ =	sfence.sel $0xFFFF  }
0xcd: {  	[dreg:$0x0] =	wrdreg $0xFFFFFFFF;
	(pc) =	sbr.abs _section_cstart, $3  }
0xce: {  	[dreg:$0x1] =	wrdreg $0xFFFFFFFF  }
0xcf: {  	_ =	task.clear_ibuf [dreg:s22], $0x2FFFF;
	_ =	strace $0x9FFFFFFF  }
0xd0: {  	(tm) =	ssettm $0x7FFFFFFF  }
0xd1: {  	_ =	shalt  }
tec
execute0_lowered:
.L_overlay_start_1:
0x0: {  	(tag) =	ssettag $0x1  }
0x1: {  	s1 =	srdreg.scid  }
0x2: {  	s0 =	stileid.u32;
	s5 =	rddreg [dreg:$0x0];
	s2 =	simm.s32 $0x0  }
0x3: {  	s17 =	simm.s32 $0x4800;
	s18 =	simm.s32 $0xC800;
	s19 =	simm.s32 $0x1  }
0x4: {  	s20 =	simm.s32 $0x2;
	s21 =	simm.s32 $0x3;
	s22 =	simm.s32 $0x4  }
0x5: {  	s23 =	simm.s32 $0x0;
	s10 =	sand.u32 $0x1, s1;
	s1 =	rddreg [dreg:$0x1]  }
0x6: {  	s3 =	sshll.u32 s0, $0xC;
	[smem:$0x7FF] =	sst s2;
	s12 =	sadd.s32 $0x23A600, s5  }
0x7: {  	s13 =	sadd.s32 $0x33A600, s5;
	s14 =	sshll.u32 s0, $0x10;
	s4 =	sshll.u32 s10, $0xB  }
0x8: {  	_ =	strace $0x8000004A;
	s8 =	ssub.s32 $0x2, s10;
	s15 =	sadd.s32 s14, s13  }
0x9: {  	s16 =	sshll.u32 s10, $0xF;
	s6 =	sor.u32 s4, s3;
	s4 =	sadd.s32 $0x218600, s5  }
0xa: {  	s9 =	sshrl.u32 s8, $0x1;
	s3 =	sshrl.u32 s6, $0x3;
	s11 =	sshll.u32 s6, $0x4  }
0xb: {  	s30 =	ssub.s32 s8, s9;
	s7 =	sadd.s32 s3, s5;
	s3 =	sadd.s32 $0x228600, s5  }
0xc: {  	s31 =	sor.u32 $0x7000, s11;
	s6 =	smax.u32 s30, $0x1;
	s11 =	sor.u32 $0x7800, s11  }
0xd: {  	s5 =	sadd.s32 $0x238600, s7;
	s7 =	sadd.s32 s12, s31;
	s8 =	sadd.s32 s13, s31  }
0xe: {  	s9 =	sadd.s32 s12, s11;
	s10 =	sadd.s32 s13, s11;
	s11 =	sadd.s32 s16, s15  }
0xf: {  	s12 =	sadd.s32 s14, s12;
	s13 =	simm.s32 $0x5;
	s14 =	simm.s32 $0x80  }
0x10: {  	s15 =	simm.s32 $0x800;
	s12 =	sadd.s32 s16, s12;
	s16 =	simm.s32 $0x8800  }
.LBB2_1:
0x11: {  	[tilespmem:s2], [sflag:$0x5] =	stream.linear.gather [hbm4b:s5+s2], $0x800, $0x38;
	[tilespmem:$0x10800] =	vst v63  }
0x12: {  	_ =	swait.ge [sflag:s13], $0x800  }
0x13: {  	[sflag:s13] =	ssyncset.done $0x0  }
0x14: {  	[sflag:s13] =	ssyncadd.s32 $0xFFFFF800  }
0x15: {  	[tilespmem:s15], [sflag:$0x1] =	stream.indirect.gather [hbm4b:s3+s14], $0x80, s2, s14, $0xb8;
	[tilespmem:$0x10800] =	vst v63  }
0x16: {  	_ = 	snop  }
0x17: {  	[tilespmem:s16], [sflag:$0x1] =	stream.indirect.gather [hbm4b:s4+s14], $0x80, s2, s14, $0xb8;
	[tilespmem:$0x10800] =	vst v63  }
0x18: {  	_ = 	snop  }
0x19: {  	[tilespmem:s17], [sflag:$0x2] =	stream.indirect.gather [hbm4b:s3+s14], $0x80, s14, s14, $0xb8;
	[tilespmem:$0x10800] =	vst v63  }
0x1a: {  	_ = 	snop  }
0x1b: {  	[tilespmem:s18], [sflag:$0x2] =	stream.indirect.gather [hbm4b:s4+s14], $0x80, s14, s14, $0xb8;
	[tilespmem:$0x10800] =	vst v63  }
0x1c: {  	_ =	swait.ge [sflag:s19], $0x4000  }
0x1d: {  	[sflag:s19] =	ssyncset.done $0x0  }
0x1e: {  	[sflag:s19] =	ssyncadd.s32 $0xFFFFC000  }
0x1f: {  	_ =	swait.ge [sflag:s19], $0x4000  }
0x20: {  	[sflag:s19] =	ssyncset.done $0x0  }
0x21: {  	s24 =	sadd.s32 $0x0, s12;
	[sflag:s19] =	ssyncadd.s32 $0xFFFFC000  }
0x22: {  	[hbm4b:s24+s2] =	stream.linear.scatter [tilespmem:s15], [sflag:$0x3], $0x4000, $0x38;
	[tilespmem:$0x10800] =	vst v63  }
0x23: {  	s25 =	sadd.s32 $0x0, s11  }
0x24: {  	[hbm4b:s25+s2] =	stream.linear.scatter [tilespmem:s16], [sflag:$0x3], $0x4000, $0x38;
	[tilespmem:$0x10800] =	vst v63  }
0x25: {  	_ =	swait.ge [sflag:s20], $0x4000  }
0x26: {  	[sflag:s20] =	ssyncset.done $0x0  }
0x27: {  	[sflag:s20] =	ssyncadd.s32 $0xFFFFC000  }
0x28: {  	_ =	swait.ge [sflag:s20], $0x4000  }
0x29: {  	[sflag:s20] =	ssyncset.done $0x0  }
0x2a: {  	s24 =	sadd.s32 $0x800, s24;
	[sflag:s20] =	ssyncadd.s32 $0xFFFFC000  }
0x2b: {  	[hbm4b:s24+s2] =	stream.linear.scatter [tilespmem:s17], [sflag:$0x4], $0x4000, $0x38;
	[tilespmem:$0x10800] =	vst v63  }
0x2c: {  	s30 =	sadd.s32 $0x800, s25  }
0x2d: {  	[hbm4b:s30+s2] =	stream.linear.scatter [tilespmem:s18], [sflag:$0x4], $0x4000, $0x38;
	[tilespmem:$0x10800] =	vst v63  }
0x2e: {  	_ =	swait.ge [sflag:s21], $0x4000  }
0x2f: {  	[sflag:s21] =	ssyncset.done $0x0  }
0x30: {  	[sflag:s21] =	ssyncadd.s32 $0xFFFFC000  }
0x31: {  	_ =	swait.ge [sflag:s21], $0x4000  }
0x32: {  	[sflag:s21] =	ssyncset.done $0x0  }
0x33: {  	s31 =	simm.s32 $0x100;
	[sflag:s21] =	ssyncadd.s32 $0xFFFFC000  }
0x34: {  	[tilespmem:s15], [sflag:$0x1] =	stream.indirect.gather [hbm4b:s3+s14], $0x80, s31, s14, $0xb8;
	[tilespmem:$0x10800] =	vst v63  }
0x35: {  	_ = 	snop  }
0x36: {  	[tilespmem:s16], [sflag:$0x1] =	stream.indirect.gather [hbm4b:s4+s14], $0x80, s31, s14, $0xb8;
	[tilespmem:$0x10800] =	vst v63  }
0x37: {  	_ =	swait.ge [sflag:s22], $0x4000  }
0x38: {  	[sflag:s22] =	ssyncset.done $0x0  }
0x39: {  	[sflag:s22] =	ssyncadd.s32 $0xFFFFC000  }
0x3a: {  	_ =	swait.ge [sflag:s22], $0x4000  }
0x3b: {  	s26 =	simm.s32 $0x280;
	[sflag:s22] =	ssyncset.done $0x0  }
0x3c: {  	s25 =	simm.s32 $0x1000;
	s24 =	simm.s32 $0x180;
	[sflag:s22] =	ssyncadd.s32 $0xFFFFC000  }
0x3d: {  	[tilespmem:s17], [sflag:$0x2] =	stream.indirect.gather [hbm4b:s3+s14], $0x80, s24, s14, $0xb8;
	[tilespmem:$0x10800] =	vst v63  }
.LBB2_2:
0x3e: {  	[tilespmem:s18], [sflag:$0x2] =	stream.indirect.gather [hbm4b:s4+s14], $0x80, s24, s14, $0xb8;
	[tilespmem:$0x10800] =	vst v63  }
0x3f: {  	s28 =	smov.u32 s25;
	s24 =	smov.u32 s26  }
0x40: {  	p0 =	sne.s32 s25, $0x6000;
	s25 =	sadd.s32 $0x1000, s25;
	_ =	swait.ge [sflag:s19], $0x4000  }
0x41: {  	[sflag:s19] =	ssyncset.done $0x0  }
0x42: {  	[sflag:s19] =	ssyncadd.s32 $0xFFFFC000  }
0x43: {  	_ =	swait.ge [sflag:s19], $0x4000  }
0x44: {  	[sflag:s19] =	ssyncset.done $0x0  }
0x45: {  	s29 =	sadd.s32 s28, s12;
	[sflag:s19] =	ssyncadd.s32 $0xFFFFC000  }
0x46: {  	[hbm4b:s29+s2] =	stream.linear.scatter [tilespmem:s15], [sflag:$0x3], $0x4000, $0x38;
	[tilespmem:$0x10800] =	vst v63  }
0x47: {  	s28 =	sadd.s32 s28, s11  }
0x48: {  	[hbm4b:s28+s2] =	stream.linear.scatter [tilespmem:s16], [sflag:$0x3], $0x4000, $0x38;
	[tilespmem:$0x10800] =	vst v63  }
0x49: {  	_ =	swait.ge [sflag:s20], $0x4000  }
0x4a: {  	[sflag:s20] =	ssyncset.done $0x0  }
0x4b: {  	[sflag:s20] =	ssyncadd.s32 $0xFFFFC000  }
0x4c: {  	_ =	swait.ge [sflag:s20], $0x4000  }
0x4d: {  	[sflag:s20] =	ssyncset.done $0x0  }
0x4e: {  	s29 =	sadd.s32 $0x800, s29;
	[sflag:s20] =	ssyncadd.s32 $0xFFFFC000  }
0x4f: {  	[hbm4b:s29+s2] =	stream.linear.scatter [tilespmem:s17], [sflag:$0x4], $0x4000, $0x38;
	[tilespmem:$0x10800] =	vst v63  }
0x50: {  	s28 =	sadd.s32 $0x800, s28  }
0x51: {  	[hbm4b:s28+s2] =	stream.linear.scatter [tilespmem:s18], [sflag:$0x4], $0x4000, $0x38;
	[tilespmem:$0x10800] =	vst v63  }
0x52: {  	_ =	swait.ge [sflag:s21], $0x4000  }
0x53: {  	[sflag:s21] =	ssyncset.done $0x0  }
0x54: {  	[sflag:s21] =	ssyncadd.s32 $0xFFFFC000  }
0x55: {  	_ =	swait.ge [sflag:s21], $0x4000  }
0x56: {  	[sflag:s21] =	ssyncset.done $0x0  }
0x57: {  	s28 =	sadd.s32 $0xFFFFFF80, s26;
	[sflag:s21] =	ssyncadd.s32 $0xFFFFC000  }
0x58: {  	[tilespmem:s15], [sflag:$0x1] =	stream.indirect.gather [hbm4b:s3+s14], $0x80, s28, s14, $0xb8;
	[tilespmem:$0x10800] =	vst v63  }
0x59: {  	_ = 	snop  }
0x5a: {  	[tilespmem:s16], [sflag:$0x1] =	stream.indirect.gather [hbm4b:s4+s14], $0x80, s28, s14, $0xb8;
	[tilespmem:$0x10800] =	vst v63  }
0x5b: {  	_ =	swait.ge [sflag:s22], $0x4000  }
0x5c: {  	[sflag:s22] =	ssyncset.done $0x0  }
0x5d: {  	[sflag:s22] =	ssyncadd.s32 $0xFFFFC000  }
.Ltmp0:
0x5e: {  	_ =	swait.ge [sflag:s22], $0x4000;
	(pc) =	sbr.rel @p0 .LBB2_2-.Ltmp0, $4  }
0x5f: {  	[sflag:s22] =	ssyncset.done $0x0  }
0x60: {  	[sflag:s22] =	ssyncadd.s32 $0xFFFFC000  }
0x61: {  	[tilespmem:s17], [sflag:$0x2] =	stream.indirect.gather [hbm4b:s3+s14], $0x80, s26, s14, $0xb8;
	[tilespmem:$0x10800] =	vst v63  }
0x62: {  	s26 =	sadd.s32 $0x100, s26  }
0x63: {  	[tilespmem:s18], [sflag:$0x2] =	stream.indirect.gather [hbm4b:s4+s14], $0x80, s24, s14, $0xb8;
	[tilespmem:$0x10800] =	vst v63  }
0x64: {  	_ =	swait.ge [sflag:s19], $0x4000  }
0x65: {  	[sflag:s19] =	ssyncset.done $0x0  }
0x66: {  	[sflag:s19] =	ssyncadd.s32 $0xFFFFC000  }
0x67: {  	_ =	swait.ge [sflag:s19], $0x4000  }
0x68: {  	[sflag:s19] =	ssyncset.done $0x0  }
0x69: {  	[sflag:s19] =	ssyncadd.s32 $0xFFFFC000  }
0x6a: {  	[hbm4b:s7+s2] =	stream.linear.scatter [tilespmem:s15], [sflag:$0x3], $0x4000, $0x38;
	[tilespmem:$0x10800] =	vst v63  }
0x6b: {  	_ = 	snop  }
0x6c: {  	[hbm4b:s8+s2] =	stream.linear.scatter [tilespmem:s16], [sflag:$0x3], $0x4000, $0x38;
	[tilespmem:$0x10800] =	vst v63  }
0x6d: {  	_ =	swait.ge [sflag:s20], $0x4000  }
0x6e: {  	[sflag:s20] =	ssyncset.done $0x0  }
0x6f: {  	[sflag:s20] =	ssyncadd.s32 $0xFFFFC000  }
0x70: {  	_ =	swait.ge [sflag:s20], $0x4000  }
0x71: {  	[sflag:s20] =	ssyncset.done $0x0  }
0x72: {  	[sflag:s20] =	ssyncadd.s32 $0xFFFFC000  }
0x73: {  	[hbm4b:s9+s2] =	stream.linear.scatter [tilespmem:s17], [sflag:$0x4], $0x4000, $0x38;
	[tilespmem:$0x10800] =	vst v63  }
0x74: {  	_ = 	snop  }
0x75: {  	[hbm4b:s10+s2] =	stream.linear.scatter [tilespmem:s18], [sflag:$0x4], $0x4000, $0x38;
	[tilespmem:$0x10800] =	vst v63  }
0x76: {  	_ =	swait.ge [sflag:s21], $0x4000  }
0x77: {  	[sflag:s21] =	ssyncset.done $0x0  }
0x78: {  	[sflag:s21] =	ssyncadd.s32 $0xFFFFC000  }
0x79: {  	_ =	swait.ge [sflag:s21], $0x4000  }
0x7a: {  	[sflag:s21] =	ssyncset.done $0x0  }
0x7b: {  	s23 =	sadd.s32 $0x1, s23;
	[sflag:s21] =	ssyncadd.s32 $0xFFFFC000  }
0x7c: {  	p0 =	sne.s32 s23, s6;
	_ =	swait.ge [sflag:s22], $0x4000  }
.Ltmp1:
0x7d: {  	[sflag:s22] =	ssyncset.done $0x0;
	(pc) =	sbr.rel @p0 .LBB2_1-.Ltmp1, $4  }
0x7e: {  	[sflag:s22] =	ssyncadd.s32 $0xFFFFC000  }
0x7f: {  	_ =	swait.ge [sflag:s22], $0x4000  }
0x80: {  	[sflag:s22] =	ssyncset.done $0x0  }
0x81: {  	[sflag:s22] =	ssyncadd.s32 $0xFFFFC000  }
0x82: {  	_ =	sfence.sel $0x180000  }
0x83: {  	[bflag:$0x0] =	sbarrier.arrive $0xFFFF  }
0x84: {  	p0 =	sne.s32 s0, $0x0;
	_ =	strace $0x9000004A  }
0x85: {  	s0 =	sadd.s32 @!p0 $0x100000, s1;
	[bflag:$0x2] =	sbarrier.arrive $0xFFFF  }
0x86: {  	[sflag:s0] =	ssyncadd.tile.s32 @!p0 $0x1;
	_ =	shalt  }
.Lfunc_end2:
_tile_overlayer_lowered:
.L_overlay_start_2:
0x87: {  	(tag) =	ssettag $0x2  }
0x88: {  	s0 =	rddreg [dreg:$0x0];
	s2 =	stileid.u32  }
0x89: {  	s1 =	rddreg [dreg:$0x1];
	p0 =	sne.s32 s2, $0x0  }
0x8a: {  	s3 =	rddreg [dreg:$0x2];
	[bflag:$0x3] =	sbarrier.arrive $0xFFFF;
	s2 =	simm.s32 @!p0 $0x1C05  }
0x8b: {  	[timem:s3], [sflag:s2] =	dma.local @!p0 [hbm:s0], s1  }
0x8c: {  	s0 =	simm.s32 @!p0 $0x5  }
0x8d: {  	_ =	swait.ge @!p0 [sflag:s0], s1  }
0x8e: {  	s1 =	ssub.s32 @!p0 $0x0, s1;
	[sflag:s0] =	ssyncset.done @!p0 $0x0  }
0x8f: {  	[sflag:s0] =	ssyncadd.s32 @!p0 s1  }
0x90: {  	[bflag:$0x3] =	sbarrier.arrive $0xFFFF  }
0x91: {  	_ =	shalt  }

// kernel: kernel.23.cloned.1.call-start
scs
__scs_entry_jumppad:
0x0: {  	(pc) =	sbr.rel $0x88, $3  }
0x1: {  	(tag) =	ssettag $0x0;
	lr =	simm.s32 $0x1  }
0x2: {  	[smem:$0x3F8C] =	sst lr;
	_ =	strace $0xD0000000  }
0x3: {  	_ = 	snop  }
0x4: {  	_ = 	snop  }
0x5: {  	_ = 	snop  }
0x6: {  	_ = 	snop  }
0x7: {  	_ = 	snop  }
__scs_overlays_trampoline_lowered:
0x8: {  	[smem:$0x3F9B] =	sst s0  }
0x9: {  	[smem:$0x3F9C] =	sst s1  }
0xa: {  	[smem:$0x3F9D] =	sst s2  }
0xb: {  	[smem:$0x3F9E] =	sst s3  }
0xc: {  	[smem:$0x3F9F] =	sst s4  }
0xd: {  	[smem:$0x3FA0] =	sst s5  }
0xe: {  	[smem:$0x3FA1] =	sst s6  }
0xf: {  	[smem:$0x3FA2] =	sst s7  }
0x10: {  	[smem:$0x3FA3] =	sst s8  }
0x11: {  	[smem:$0x3FA4] =	sst s9;
	s0 =	simm.s32 @!p0 $0x0  }
0x12: {  	s1 =	sld [smem:$0x3F8A];
	s0 =	simm.s32 @p0 $0x1  }
0x13: {  	[smem:$0x3FA5] =	sst s0;
	s0 =	simm.s32 @!p1 $0x0  }
0x14: {  	s2 =	sld [smem:$0x3F89];
	s0 =	simm.s32 @p1 $0x1  }
0x15: {  	[smem:$0x3FA6] =	sst s0;
	s0 =	simm.s32 @!p2 $0x0  }
0x16: {  	s3 =	sld [smem:$0x3FDB];
	s0 =	simm.s32 @p2 $0x1  }
0x17: {  	s4 =	simm.s32 $0x1BF5;
	[smem:$0x3FA8] =	sst s0  }
0x18: {  	s0 =	sld [smem:$0x3F8B];
	_ =	swait.ge [sflag:s4], $0x0  }
0x19: {  	s7 =	sld [smem:$0x3F8C]  }
0x1a: {  	s8 =	sadd.s32 $0xFFFFE003, lr  }
0x1b: {  	s9 =	sadd.s32 $0xFFFFFEF7, lr;
	s5 =	simm.s32 $0xFFFFFFFF;
	p2 =	slt.u32 s8, $0xFFFFF086  }
0x1c: {  	p1 =	slt.u32 s9, $0xF7A;
	s5 =	simm.s32 @!p2 $0x0  }
0x1d: {  	s5 =	simm.s32 @p1 $0x1;
	p0 =	seq.s32 s7, s2  }
0x1e: {  	s7 =	smul.u32 @!p0 $0xF7A, s2;
	p2 =	seq.s32 @!p0 s5, $0x0  }
0x1f: {  	s9 =	smul.u32 $0xF7A, s1;
	s8 =	simm.s32 @!p0 $0x1BF5;
	p2 =	por !p2, p0  }
0x20: {  	[sflag:s8] =	ssyncset.s32 @!p0 $0xFFFFF086;
	s6 =	sadd.s32 @!p0 s3, s7;
	s7 =	simm.s32 @!p0 $0x108  }
0x21: {  	s3 =	sadd.s32 s3, s9;
	s6 =	sadd.s32 @!p0 $0x88, s6;
	s7 =	simm.s32 @p2 $0x1082  }
0x22: {  	[simem:s7], [sflag:s8] =	dma.local @!p0 [hbm:s6], $0xF7A  }
0x23: {  	s9 =	sor.u32 $0xD0000000, s2;
	s6 =	simm.s32 $0x108;
	_ =	swait.ge @!p0 [sflag:s8], $0x0  }
0x24: {  	s3 =	sadd.s32 $0x88, s3;
	s6 =	simm.s32 @!p1 $0x1082;
	[sflag:s4] =	ssyncset.s32 $0xFFFFF086  }
0x25: {  	[simem:s6], [sflag:s4] =	dma.local [hbm:s3], $0xF7A  }
0x26: {  	[smem:$0x3F8C] =	sst s1;
	(tag) =	ssettag s2;
	_ =	strace s9  }
0x27: {  	s1 =	sld [smem:$0x3F9C]  }
0x28: {  	s2 =	sld [smem:$0x3F9D]  }
0x29: {  	s4 =	sld [smem:$0x3F9F]  }
0x2a: {  	p0 =	seq.s32 s5, $0x0;
	s5 =	sld [smem:$0x3FA0]  }
0x2b: {  	s6 =	sld [smem:$0x3FA1]  }
0x2c: {  	s7 =	sld [smem:$0x3FA2]  }
0x2d: {  	s3 =	simm.s32 $0x108;
	s8 =	sld [smem:$0x3FA3]  }
0x2e: {  	s3 =	simm.s32 @!p0 $0x1082;
	s9 =	sld [smem:$0x3FA4]  }
0x2f: {  	lr =	sadd.s32 s0, s3;
	s0 =	sld [smem:$0x3F9B]  }
0x30: {  	s3 =	sld [smem:$0x3F9E]  }
0x31: {  	[smem:$0x3FA7] =	sst s10  }
0x32: {  	s10 =	sld [smem:$0x3FA5];
	_ =	sdelay $0x3  }
0x33: {  	p0 =	seq.s32 s10, $0x1;
	s10 =	sld [smem:$0x3FA7];
	_ =	sdelay $0x3  }
0x34: {  	[smem:$0x3FA7] =	sst s10  }
0x35: {  	s10 =	sld [smem:$0x3FA6];
	_ =	sdelay $0x3  }
0x36: {  	p1 =	seq.s32 s10, $0x1;
	s10 =	sld [smem:$0x3FA7];
	_ =	sdelay $0x3  }
0x37: {  	[smem:$0x3FA7] =	sst s10  }
0x38: {  	s10 =	sld [smem:$0x3FA8]  }
0x39: {  	_ = 	snop;
	(pc) =	sbr.ind lr, $3  }
0x3a: {  	_ = 	snop  }
0x3b: {  	_ = 	snop  }
0x3c: {  	p2 =	seq.s32 s10, $0x1;
	s10 =	sld [smem:$0x3FA7]  }
0x3d: {  	_ =	shalt  }
0x3e: {  	_ =	shalt  }
0x3f: {  	_ =	shalt  }
0x40: {  	_ =	shalt  }
0x41: {  	_ =	shalt  }
0x42: {  	_ =	shalt  }
0x43: {  	_ =	shalt  }
0x44: {  	_ =	shalt  }
0x45: {  	_ =	shalt  }
0x46: {  	_ =	shalt  }
0x47: {  	_ =	shalt  }
0x48: {  	_ =	shalt  }
0x49: {  	_ =	shalt  }
0x4a: {  	_ =	shalt  }
0x4b: {  	_ =	shalt  }
0x4c: {  	_ =	shalt  }
0x4d: {  	_ =	shalt  }
0x4e: {  	_ =	shalt  }
0x4f: {  	_ =	shalt  }
0x50: {  	_ =	shalt  }
0x51: {  	_ =	shalt  }
0x52: {  	_ =	shalt  }
0x53: {  	_ =	shalt  }
0x54: {  	_ =	shalt  }
0x55: {  	_ =	shalt  }
0x56: {  	_ =	shalt  }
0x57: {  	_ =	shalt  }
0x58: {  	_ =	shalt  }
0x59: {  	_ =	shalt  }
0x5a: {  	_ =	shalt  }
0x5b: {  	_ =	shalt  }
0x5c: {  	_ =	shalt  }
0x5d: {  	_ =	shalt  }
0x5e: {  	_ =	shalt  }
0x5f: {  	_ =	shalt  }
0x60: {  	_ =	shalt  }
0x61: {  	_ =	shalt  }
0x62: {  	_ =	shalt  }
0x63: {  	_ =	shalt  }
0x64: {  	_ =	shalt  }
0x65: {  	_ =	shalt  }
0x66: {  	_ =	shalt  }
0x67: {  	_ =	shalt  }
0x68: {  	_ =	shalt  }
0x69: {  	_ =	shalt  }
0x6a: {  	_ =	shalt  }
0x6b: {  	_ =	shalt  }
0x6c: {  	_ =	shalt  }
0x6d: {  	_ =	shalt  }
0x6e: {  	_ =	shalt  }
0x6f: {  	_ =	shalt  }
0x70: {  	_ =	shalt  }
0x71: {  	_ =	shalt  }
0x72: {  	_ =	shalt  }
0x73: {  	_ =	shalt  }
0x74: {  	_ =	shalt  }
0x75: {  	_ =	shalt  }
0x76: {  	_ =	shalt  }
0x77: {  	_ =	shalt  }
0x78: {  	_ =	shalt  }
0x79: {  	_ =	shalt  }
0x7a: {  	_ =	shalt  }
0x7b: {  	_ =	shalt  }
0x7c: {  	_ =	shalt  }
0x7d: {  	_ =	shalt  }
0x7e: {  	_ =	shalt  }
0x7f: {  	_ =	shalt  }
0x80: {  	_ =	shalt  }
0x81: {  	_ =	shalt  }
0x82: {  	_ =	shalt  }
0x83: {  	_ =	shalt  }
0x84: {  	_ =	shalt  }
0x85: {  	_ =	shalt  }
0x86: {  	_ =	shalt  }
0x87: {  	_ =	shalt  }
.Lfunc_end0:
.L_simem_size_0:
called_computation.3_lowered:
.L_overlay_start_0:
0x88: {  	s2 =	sld [smem:$0x3FD9]  }
0x89: {  	s3 =	sld [smem:$0x3FFE];
	_ =	sdelay $0x1  }
0x8a: {  	s1 =	srdreg.scid  }
0x8b: {  	s0 =	sand.u32 $0x1, s1  }
0x8c: {  	s14 =	sshll.u32 s0, $0xA;
	s2 =	sadd.s32 s3, s2  }
0x8d: {  	s2 =	sadd.s32 s2, s14  }
0x8e: {  	[smem:$0x3FB3] =	sst s2  }
0x8f: {  	_ = 	snop  }
0x90: {  	s2 =	sld [smem:$0x3FD0];
	_ =	sdelay $0x2  }
0x91: {  	s15 =	simm.s32 $0xD;
	s4 =	simm.s32 $0x10  }
0x92: {  	[smem:s4], [sflag:s15] =	dma.local [hbm:s2], $0x1  }
0x93: {  	_ =	swait.eq [sflag:s15], $0x1  }
0x94: {  	[sflag:s15] =	ssyncset.done $0x0  }
0x95: {  	[sflag:s15] =	ssyncadd.s32 $0xFFFFFFFF  }
0x96: {  	s16 =	sld [smem:$0x10];
	(tm) =	ssettm $0x1  }
0x97: {  	s17 =	sld [smem:$0x3FFB];
	_ =	sdelay $0x3  }
0x98: {  	_ =	strace s17  }
0x99: {  	s3 =	sld [smem:$0x3FFC];
	_ =	sdelay $0x3  }
0x9a: {  	_ =	strace s3  }
0x9b: {  	s3 =	sld [smem:$0x3FFD];
	_ =	sdelay $0x3  }
0x9c: {  	_ =	strace s3  }
0x9d: {  	_ =	strace $0x8FFFFFFF  }
0x9e: {  	s18 =	sld [smem:$0x3FDB];
	_ =	sdelay $0x1  }
0x9f: {  	s19 =	simm.s32 $_scs_section_size  }
0xa0: {  	s5 =	simm.s32 $_size__tile_overlayer_lowered;
	s6 =	simm.s32 $_tile_overlayer_lowered  }
0xa1: {  	s22 =	simm.s32 $0x1BFF;
	s21 =	sshll.u32 s6, $0x1;
	s3 =	sadd.s32 s19, s18  }
0xa2: {  	s7 =	simm.s32 $0x0;
	s20 =	sshll.u32 s5, $0x1;
	s5 =	sadd.s32 s21, s3  }
0xa3: {  	[timem:s7], [sflag:s22] =	dma.local [hbm:s5], s20  }
0xa4: {  	_ =	swait.ge [sflag:s22], s20  }
0xa5: {  	s4 =	ssub.s32 $0x0, s20;
	[sflag:s22] =	ssyncset.done $0x0  }
0xa6: {  	[sflag:s22] =	ssyncadd.s32 s4;
	_ =	sdelay $0x1  }
0xa7: {  	s23 =	simm.s32 $0x1B8B  }
0xa8: {  	_ =	swait.ge [sflag:s23], $0x1  }
0xa9: {  	[sflag:s23] =	ssyncset.done $0x0  }
0xaa: {  	s25 =	simm.s32 $0x1B8E;
	s24 =	sld [smem:$0x3FFE];
	[sflag:s23] =	ssyncadd.s32 $0xFFFFFFFF  }
0xab: {  	s26 =	simm.s32 $execute0_lowered;
	[smem:$0x3FD2] =	sst s25  }
0xac: {  	s5 =	sshll.u32 s26, $0x1;
	_ =	strace $0x80000046;
	[dreg:$0x1] =	wrdreg $0xFFFFFFFF  }
0xad: {  	s28 =	simm.s32 $_size_execute0_lowered;
	s3 =	sadd.s32 s3, s5;
	[dreg:$0x0] =	wrdreg $0x0  }
0xae: {  	s5 =	sshll.u32 s28, $0x1;
	[dreg:$0x2] =	wrdreg s3  }
0xaf: {  	[dreg:$0x3] =	wrdreg s5  }
0xb0: {  	[dreg:$0x4] =	wrdreg $0xC0  }
0xb1: {  	_ =	task [dreg:s7], $0x5FFFF  }
0xb2: {  	[dreg:$0x1] =	wrdreg $0xFFFFFFFF  }
0xb3: {  	[dreg:$0x0] =	wrdreg $0x60  }
0xb4: {  	[dreg:$0x2] =	wrdreg s24  }
0xb5: {  	[dreg:$0x3] =	wrdreg s16  }
0xb6: {  	[dreg:$0x4] =	wrdreg $0xC  }
0xb7: {  	_ =	task.clear_ibuf [dreg:s7], $0x5FFFF;
	_ =	strace $0x90000046  }
0xb8: {  	s29 =	simm.s32 $0xC;
	_ =	strace $0x80000048  }
0xb9: {  	_ =	swait.ge [sflag:s29], $0x1  }
0xba: {  	[sflag:s29] =	ssyncadd.s32 $0xFFFFFFFF  }
0xbb: {  	_ =	strace $0x90000048  }
0xbc: {  	_ =	sfence  }
0xbd: {  	s30 =	sld [smem:$0x0];
	_ =	sdelay $0x2  }
0xbe: {  	s31 =	sshll.u32 s1, $0xD;
	s1 =	sshrl.u32 s1, $0x2  }
0xbf: {  	s3 =	sand.u32 $0x4000, s31;
	s1 =	sadd.s32 s1, s30  }
0xc0: {  	s0 =	sor.u32 s3, s0;
	s1 =	sshll.u32 s1, $0x11  }
0xc1: {  	s0 =	sor.u32 s1, s0  }
0xc2: {  	s0 =	sadd.s32 $0x8F2B, s0  }
0xc3: {  	[sflag:s0] =	ssyncadd.remote.s32 $0x1  }
0xc4: {  	_ =	sfence.sel $0xFFFF  }
0xc5: {  	[dreg:$0x0] =	wrdreg $0xFFFFFFFF;
	(pc) =	sbr.abs _section_cstart, $3  }
0xc6: {  	[dreg:$0x1] =	wrdreg $0xFFFFFFFF  }
0xc7: {  	_ =	task.clear_ibuf [dreg:s7], $0x2FFFF;
	_ =	strace $0x9FFFFFFF  }
0xc8: {  	(tm) =	ssettm $0x7FFFFFFF  }
0xc9: {  	_ =	shalt  }
tec
execute0_lowered:
.L_overlay_start_1:
0x0: {  	(tag) =	ssettag $0x1  }
0x1: {  	s5 =	rddreg [dreg:$0x0]  }
0x2: {  	s2 =	rddreg [dreg:$0x1]  }
0x3: {  	s3 =	srdreg.scid;
	s0 =	rddreg [dreg:$0x2]  }
0x4: {  	s1 =	stileid.u32;
	s17 =	simm.s32 $0x4800;
	s18 =	simm.s32 $0xC800  }
0x5: {  	s19 =	simm.s32 $0x1;
	s20 =	simm.s32 $0x2;
	s21 =	simm.s32 $0x3  }
0x6: {  	s22 =	simm.s32 $0x4;
	s23 =	simm.s32 $0x0;
	s10 =	sand.u32 $0x1, s3  }
0x7: {  	s3 =	simm.s32 $0x0;
	s4 =	sshll.u32 s1, $0xC;
	s12 =	sadd.s32 $0x18600, s5  }
0x8: {  	s13 =	sadd.s32 $0x118600, s5;
	s14 =	sshll.u32 s1, $0x10;
	s6 =	sshll.u32 s10, $0xB  }
0x9: {  	[smem:$0x7FF] =	sst s3;
	s8 =	ssub.s32 $0x2, s10;
	s15 =	sadd.s32 s14, s13  }
0xa: {  	s16 =	sshll.u32 s10, $0xF;
	s6 =	sor.u32 s6, s4;
	_ =	strace $0x80000047  }
0xb: {  	s9 =	sshrl.u32 s8, $0x1;
	s4 =	sshrl.u32 s6, $0x3;
	s11 =	sshll.u32 s6, $0x4  }
0xc: {  	s30 =	ssub.s32 s8, s9;
	s7 =	sadd.s32 s4, s5;
	s4 =	sadd.s32 $0x6600, s5  }
0xd: {  	s31 =	sor.u32 $0x7000, s11;
	s6 =	smax.u32 s30, $0x1;
	s11 =	sor.u32 $0x7800, s11  }
0xe: {  	s5 =	sadd.s32 $0x16600, s7;
	s7 =	sadd.s32 s12, s31;
	s8 =	sadd.s32 s13, s31  }
0xf: {  	s9 =	sadd.s32 s12, s11;
	s10 =	sadd.s32 s13, s11;
	s11 =	sadd.s32 s16, s15  }
0x10: {  	s12 =	sadd.s32 s14, s12;
	s13 =	simm.s32 $0x5;
	s14 =	simm.s32 $0x80  }
0x11: {  	s15 =	simm.s32 $0x800;
	s12 =	sadd.s32 s16, s12;
	s16 =	simm.s32 $0x8800  }
.LBB2_1:
0x12: {  	[tilespmem:s3], [sflag:$0x5] =	stream.linear.gather [hbm4b:s5+s3], $0x800, $0x38;
	[tilespmem:$0x10800] =	vst v63  }
0x13: {  	_ =	swait.ge [sflag:s13], $0x800  }
0x14: {  	[sflag:s13] =	ssyncset.done $0x0  }
0x15: {  	[sflag:s13] =	ssyncadd.s32 $0xFFFFF800  }
0x16: {  	[tilespmem:s15], [sflag:$0x1] =	stream.indirect.gather [hbm4b:s2+s14], $0x80, s3, s14, $0xb8;
	[tilespmem:$0x10800] =	vst v63  }
0x17: {  	_ = 	snop  }
0x18: {  	[tilespmem:s16], [sflag:$0x1] =	stream.indirect.gather [hbm4b:s4+s14], $0x80, s3, s14, $0xb8;
	[tilespmem:$0x10800] =	vst v63  }
0x19: {  	_ = 	snop  }
0x1a: {  	[tilespmem:s17], [sflag:$0x2] =	stream.indirect.gather [hbm4b:s2+s14], $0x80, s14, s14, $0xb8;
	[tilespmem:$0x10800] =	vst v63  }
0x1b: {  	_ = 	snop  }
0x1c: {  	[tilespmem:s18], [sflag:$0x2] =	stream.indirect.gather [hbm4b:s4+s14], $0x80, s14, s14, $0xb8;
	[tilespmem:$0x10800] =	vst v63  }
0x1d: {  	_ =	swait.ge [sflag:s19], $0x4000  }
0x1e: {  	[sflag:s19] =	ssyncset.done $0x0  }
0x1f: {  	[sflag:s19] =	ssyncadd.s32 $0xFFFFC000  }
0x20: {  	_ =	swait.ge [sflag:s19], $0x4000  }
0x21: {  	[sflag:s19] =	ssyncset.done $0x0  }
0x22: {  	s24 =	sadd.s32 $0x0, s12;
	[sflag:s19] =	ssyncadd.s32 $0xFFFFC000  }
0x23: {  	[hbm4b:s24+s3] =	stream.linear.scatter [tilespmem:s15], [sflag:$0x3], $0x4000, $0x38;
	[tilespmem:$0x10800] =	vst v63  }
0x24: {  	s25 =	sadd.s32 $0x0, s11  }
0x25: {  	[hbm4b:s25+s3] =	stream.linear.scatter [tilespmem:s16], [sflag:$0x3], $0x4000, $0x38;
	[tilespmem:$0x10800] =	vst v63  }
0x26: {  	_ =	swait.ge [sflag:s20], $0x4000  }
0x27: {  	[sflag:s20] =	ssyncset.done $0x0  }
0x28: {  	[sflag:s20] =	ssyncadd.s32 $0xFFFFC000  }
0x29: {  	_ =	swait.ge [sflag:s20], $0x4000  }
0x2a: {  	[sflag:s20] =	ssyncset.done $0x0  }
0x2b: {  	s24 =	sadd.s32 $0x800, s24;
	[sflag:s20] =	ssyncadd.s32 $0xFFFFC000  }
0x2c: {  	[hbm4b:s24+s3] =	stream.linear.scatter [tilespmem:s17], [sflag:$0x4], $0x4000, $0x38;
	[tilespmem:$0x10800] =	vst v63  }
0x2d: {  	s30 =	sadd.s32 $0x800, s25  }
0x2e: {  	[hbm4b:s30+s3] =	stream.linear.scatter [tilespmem:s18], [sflag:$0x4], $0x4000, $0x38;
	[tilespmem:$0x10800] =	vst v63  }
0x2f: {  	_ =	swait.ge [sflag:s21], $0x4000  }
0x30: {  	[sflag:s21] =	ssyncset.done $0x0  }
0x31: {  	[sflag:s21] =	ssyncadd.s32 $0xFFFFC000  }
0x32: {  	_ =	swait.ge [sflag:s21], $0x4000  }
0x33: {  	[sflag:s21] =	ssyncset.done $0x0  }
0x34: {  	s31 =	simm.s32 $0x100;
	[sflag:s21] =	ssyncadd.s32 $0xFFFFC000  }
0x35: {  	[tilespmem:s15], [sflag:$0x1] =	stream.indirect.gather [hbm4b:s2+s14], $0x80, s31, s14, $0xb8;
	[tilespmem:$0x10800] =	vst v63  }
0x36: {  	_ = 	snop  }
0x37: {  	[tilespmem:s16], [sflag:$0x1] =	stream.indirect.gather [hbm4b:s4+s14], $0x80, s31, s14, $0xb8;
	[tilespmem:$0x10800] =	vst v63  }
0x38: {  	_ =	swait.ge [sflag:s22], $0x4000  }
0x39: {  	[sflag:s22] =	ssyncset.done $0x0  }
0x3a: {  	[sflag:s22] =	ssyncadd.s32 $0xFFFFC000  }
0x3b: {  	_ =	swait.ge [sflag:s22], $0x4000  }
0x3c: {  	s26 =	simm.s32 $0x280;
	[sflag:s22] =	ssyncset.done $0x0  }
0x3d: {  	s25 =	simm.s32 $0x1000;
	s24 =	simm.s32 $0x180;
	[sflag:s22] =	ssyncadd.s32 $0xFFFFC000  }
0x3e: {  	[tilespmem:s17], [sflag:$0x2] =	stream.indirect.gather [hbm4b:s2+s14], $0x80, s24, s14, $0xb8;
	[tilespmem:$0x10800] =	vst v63  }
.LBB2_2:
0x3f: {  	[tilespmem:s18], [sflag:$0x2] =	stream.indirect.gather [hbm4b:s4+s14], $0x80, s24, s14, $0xb8;
	[tilespmem:$0x10800] =	vst v63  }
0x40: {  	s28 =	smov.u32 s25;
	s24 =	smov.u32 s26  }
0x41: {  	p0 =	sne.s32 s25, $0x6000;
	s25 =	sadd.s32 $0x1000, s25;
	_ =	swait.ge [sflag:s19], $0x4000  }
0x42: {  	[sflag:s19] =	ssyncset.done $0x0  }
0x43: {  	[sflag:s19] =	ssyncadd.s32 $0xFFFFC000  }
0x44: {  	_ =	swait.ge [sflag:s19], $0x4000  }
0x45: {  	[sflag:s19] =	ssyncset.done $0x0  }
0x46: {  	s29 =	sadd.s32 s28, s12;
	[sflag:s19] =	ssyncadd.s32 $0xFFFFC000  }
0x47: {  	[hbm4b:s29+s3] =	stream.linear.scatter [tilespmem:s15], [sflag:$0x3], $0x4000, $0x38;
	[tilespmem:$0x10800] =	vst v63  }
0x48: {  	s28 =	sadd.s32 s28, s11  }
0x49: {  	[hbm4b:s28+s3] =	stream.linear.scatter [tilespmem:s16], [sflag:$0x3], $0x4000, $0x38;
	[tilespmem:$0x10800] =	vst v63  }
0x4a: {  	_ =	swait.ge [sflag:s20], $0x4000  }
0x4b: {  	[sflag:s20] =	ssyncset.done $0x0  }
0x4c: {  	[sflag:s20] =	ssyncadd.s32 $0xFFFFC000  }
0x4d: {  	_ =	swait.ge [sflag:s20], $0x4000  }
0x4e: {  	[sflag:s20] =	ssyncset.done $0x0  }
0x4f: {  	s29 =	sadd.s32 $0x800, s29;
	[sflag:s20] =	ssyncadd.s32 $0xFFFFC000  }
0x50: {  	[hbm4b:s29+s3] =	stream.linear.scatter [tilespmem:s17], [sflag:$0x4], $0x4000, $0x38;
	[tilespmem:$0x10800] =	vst v63  }
0x51: {  	s28 =	sadd.s32 $0x800, s28  }
0x52: {  	[hbm4b:s28+s3] =	stream.linear.scatter [tilespmem:s18], [sflag:$0x4], $0x4000, $0x38;
	[tilespmem:$0x10800] =	vst v63  }
0x53: {  	_ =	swait.ge [sflag:s21], $0x4000  }
0x54: {  	[sflag:s21] =	ssyncset.done $0x0  }
0x55: {  	[sflag:s21] =	ssyncadd.s32 $0xFFFFC000  }
0x56: {  	_ =	swait.ge [sflag:s21], $0x4000  }
0x57: {  	[sflag:s21] =	ssyncset.done $0x0  }
0x58: {  	s28 =	sadd.s32 $0xFFFFFF80, s26;
	[sflag:s21] =	ssyncadd.s32 $0xFFFFC000  }
0x59: {  	[tilespmem:s15], [sflag:$0x1] =	stream.indirect.gather [hbm4b:s2+s14], $0x80, s28, s14, $0xb8;
	[tilespmem:$0x10800] =	vst v63  }
0x5a: {  	_ = 	snop  }
0x5b: {  	[tilespmem:s16], [sflag:$0x1] =	stream.indirect.gather [hbm4b:s4+s14], $0x80, s28, s14, $0xb8;
	[tilespmem:$0x10800] =	vst v63  }
0x5c: {  	_ =	swait.ge [sflag:s22], $0x4000  }
0x5d: {  	[sflag:s22] =	ssyncset.done $0x0  }
0x5e: {  	[sflag:s22] =	ssyncadd.s32 $0xFFFFC000  }
.Ltmp0:
0x5f: {  	_ =	swait.ge [sflag:s22], $0x4000;
	(pc) =	sbr.rel @p0 .LBB2_2-.Ltmp0, $4  }
0x60: {  	[sflag:s22] =	ssyncset.done $0x0  }
0x61: {  	[sflag:s22] =	ssyncadd.s32 $0xFFFFC000  }
0x62: {  	[tilespmem:s17], [sflag:$0x2] =	stream.indirect.gather [hbm4b:s2+s14], $0x80, s26, s14, $0xb8;
	[tilespmem:$0x10800] =	vst v63  }
0x63: {  	s26 =	sadd.s32 $0x100, s26  }
0x64: {  	[tilespmem:s18], [sflag:$0x2] =	stream.indirect.gather [hbm4b:s4+s14], $0x80, s24, s14, $0xb8;
	[tilespmem:$0x10800] =	vst v63  }
0x65: {  	_ =	swait.ge [sflag:s19], $0x4000  }
0x66: {  	[sflag:s19] =	ssyncset.done $0x0  }
0x67: {  	[sflag:s19] =	ssyncadd.s32 $0xFFFFC000  }
0x68: {  	_ =	swait.ge [sflag:s19], $0x4000  }
0x69: {  	[sflag:s19] =	ssyncset.done $0x0  }
0x6a: {  	[sflag:s19] =	ssyncadd.s32 $0xFFFFC000  }
0x6b: {  	[hbm4b:s7+s3] =	stream.linear.scatter [tilespmem:s15], [sflag:$0x3], $0x4000, $0x38;
	[tilespmem:$0x10800] =	vst v63  }
0x6c: {  	_ = 	snop  }
0x6d: {  	[hbm4b:s8+s3] =	stream.linear.scatter [tilespmem:s16], [sflag:$0x3], $0x4000, $0x38;
	[tilespmem:$0x10800] =	vst v63  }
0x6e: {  	_ =	swait.ge [sflag:s20], $0x4000  }
0x6f: {  	[sflag:s20] =	ssyncset.done $0x0  }
0x70: {  	[sflag:s20] =	ssyncadd.s32 $0xFFFFC000  }
0x71: {  	_ =	swait.ge [sflag:s20], $0x4000  }
0x72: {  	[sflag:s20] =	ssyncset.done $0x0  }
0x73: {  	[sflag:s20] =	ssyncadd.s32 $0xFFFFC000  }
0x74: {  	[hbm4b:s9+s3] =	stream.linear.scatter [tilespmem:s17], [sflag:$0x4], $0x4000, $0x38;
	[tilespmem:$0x10800] =	vst v63  }
0x75: {  	_ = 	snop  }
0x76: {  	[hbm4b:s10+s3] =	stream.linear.scatter [tilespmem:s18], [sflag:$0x4], $0x4000, $0x38;
	[tilespmem:$0x10800] =	vst v63  }
0x77: {  	_ =	swait.ge [sflag:s21], $0x4000  }
0x78: {  	[sflag:s21] =	ssyncset.done $0x0  }
0x79: {  	[sflag:s21] =	ssyncadd.s32 $0xFFFFC000  }
0x7a: {  	_ =	swait.ge [sflag:s21], $0x4000  }
0x7b: {  	[sflag:s21] =	ssyncset.done $0x0  }
0x7c: {  	s23 =	sadd.s32 $0x1, s23;
	[sflag:s21] =	ssyncadd.s32 $0xFFFFC000  }
0x7d: {  	p0 =	sne.s32 s23, s6;
	_ =	swait.ge [sflag:s22], $0x4000  }
.Ltmp1:
0x7e: {  	[sflag:s22] =	ssyncset.done $0x0;
	(pc) =	sbr.rel @p0 .LBB2_1-.Ltmp1, $4  }
0x7f: {  	[sflag:s22] =	ssyncadd.s32 $0xFFFFC000  }
0x80: {  	_ =	swait.ge [sflag:s22], $0x4000  }
0x81: {  	[sflag:s22] =	ssyncset.done $0x0  }
0x82: {  	[sflag:s22] =	ssyncadd.s32 $0xFFFFC000  }
0x83: {  	_ =	sfence.sel $0x180000  }
0x84: {  	[bflag:$0x0] =	sbarrier.arrive $0xFFFF  }
0x85: {  	p0 =	sne.s32 s1, $0x0;
	_ =	strace $0x90000047  }
0x86: {  	s0 =	sadd.s32 @!p0 $0x100000, s0;
	[bflag:$0x2] =	sbarrier.arrive $0xFFFF  }
0x87: {  	[sflag:s0] =	ssyncadd.tile.s32 @!p0 $0x1;
	_ =	shalt  }
.Lfunc_end2:
_tile_overlayer_lowered:
.L_overlay_start_2:
0x88: {  	(tag) =	ssettag $0x2  }
0x89: {  	s0 =	rddreg [dreg:$0x0];
	s2 =	stileid.u32  }
0x8a: {  	s1 =	rddreg [dreg:$0x1];
	p0 =	sne.s32 s2, $0x0  }
0x8b: {  	s3 =	rddreg [dreg:$0x2];
	[bflag:$0x3] =	sbarrier.arrive $0xFFFF;
	s2 =	simm.s32 @!p0 $0x1C05  }
0x8c: {  	[timem:s3], [sflag:s2] =	dma.local @!p0 [hbm:s0], s1  }
0x8d: {  	s0 =	simm.s32 @!p0 $0x5  }
0x8e: {  	_ =	swait.ge @!p0 [sflag:s0], s1  }
0x8f: {  	s1 =	ssub.s32 @!p0 $0x0, s1;
	[sflag:s0] =	ssyncset.done @!p0 $0x0  }
0x90: {  	[sflag:s0] =	ssyncadd.s32 @!p0 s1  }
0x91: {  	[bflag:$0x3] =	sbarrier.arrive $0xFFFF  }
0x92: {  	_ =	shalt  }

</sc_bundles>
